<compile_context>
chip_gen: v7x
topology: tpu7x:2x2x1
jax: 0.10.2.dev20260603
libtpu: 0.0.44.dev20260713+nightly
codegen_flags: <defaults>
</compile_context>

<pallas_src>
import functools
import math

import jax
import jax.numpy as jnp
from jax import lax
from jax.experimental import pallas as pl
from jax.experimental.pallas import tpu as pltpu
from jax.experimental.pallas import tpu_sc as plsc

N = 10000
E = 320000
H = 128
G = 16
L = 5
K = 64
BN_EPS = 1e-5

NC = 2
NS = 16
NW = NC * NS
CH = 128
EPT = E // NW
NCHUNK = 80
EPAD = NCHUNK * CH
ROWS_PER_TILE = 624
TAIL_ROWS = N - NS * ROWS_PER_TILE

BR = 1000
NBLK = N // BR


def _sc_aggregate(h, src3, dst3, zeros_init):
    mesh = plsc.VectorSubcoreMesh(core_axis_name="c", subcore_axis_name="s")

    @functools.partial(
        pl.kernel,
        out_type=jax.ShapeDtypeStruct((NC, N, H), jnp.float32),
        mesh=mesh,
        scratch_types=[
            pltpu.VMEM((NCHUNK, CH), jnp.int32),
            pltpu.VMEM((NCHUNK, CH), jnp.int32),
            pltpu.VMEM((CH, H), jnp.float32),
            pltpu.VMEM_SHARED((N + 256, H), jnp.float32),
            pltpu.SemaphoreType.DMA,
        ],
    )
    def k(h_hbm, src_hbm, dst_hbm, z_hbm, out_hbm, sidx, didx, rows,
          accum, gsem):
        cid = lax.axis_index("c")
        sid = lax.axis_index("s")
        wid = cid * NS + sid
        row0 = sid * ROWS_PER_TILE
        pltpu.sync_copy(src_hbm.at[wid], sidx)
        pltpu.sync_copy(dst_hbm.at[wid], didx)
        pltpu.sync_copy(z_hbm.at[pl.ds(0, ROWS_PER_TILE)],
                        accum.at[pl.ds(row0, ROWS_PER_TILE)])

        @pl.when(sid == NS - 1)
        def _():
            pltpu.sync_copy(z_hbm.at[pl.ds(0, TAIL_ROWS)],
                            accum.at[pl.ds(NS * ROWS_PER_TILE, TAIL_ROWS)])

        plsc.subcore_barrier()

        def body(i, carry):
            pltpu.async_copy(h_hbm.at[sidx.at[i]], rows, gsem).wait()
            pltpu.sync_copy(rows, accum.at[didx.at[i]], add=True)
            return carry

        lax.fori_loop(0, NCHUNK, body, 0)
        plsc.subcore_barrier()
        pltpu.sync_copy(accum.at[pl.ds(row0, ROWS_PER_TILE)],
                        out_hbm.at[cid, pl.ds(row0, ROWS_PER_TILE)])

        @pl.when(sid == NS - 1)
        def _():
            pltpu.sync_copy(accum.at[pl.ds(NS * ROWS_PER_TILE, TAIL_ROWS)],
                            out_hbm.at[cid, pl.ds(NS * ROWS_PER_TILE, TAIL_ROWS)])

    return k(h, src3, dst3, zeros_init)


def _tc_layer(h, parts, w1, b1r, w2, sr, cr, batch8):

    def body(h_ref, p_ref, w1_ref, b1_ref, w2_ref, s_ref, c_ref, bt_ref,
             ho_ref, pool_ref):
        i = pl.program_id(0)
        z = h_ref[...] + p_ref[0] + p_ref[1]
        a = jnp.dot(z, w1_ref[...], preferred_element_type=jnp.float32)
        a = jnp.maximum(a + b1_ref[...], 0.0)
        z2 = jnp.dot(a, w2_ref[...], preferred_element_type=jnp.float32)
        hn = jnp.maximum(z2 * s_ref[...] + c_ref[...], 0.0)
        ho_ref[...] = hn
        ids = bt_ref[0, 0:1, :]
        seg = lax.broadcasted_iota(jnp.int32, (G, 1), 0)
        oh = (ids == seg).astype(jnp.float32)
        acc = jnp.dot(oh, hn, preferred_element_type=jnp.float32)

        @pl.when(i == 0)
        def _():
            pool_ref[...] = acc

        @pl.when(i > 0)
        def _():
            pool_ref[...] += acc

    return pl.pallas_call(
        body,
        grid=(NBLK,),
        in_specs=[
            pl.BlockSpec((BR, H), lambda i: (i, 0)),
            pl.BlockSpec((NC, BR, H), lambda i: (0, i, 0)),
            pl.BlockSpec((H, H), lambda i: (0, 0)),
            pl.BlockSpec((1, H), lambda i: (0, 0)),
            pl.BlockSpec((H, H), lambda i: (0, 0)),
            pl.BlockSpec((1, H), lambda i: (0, 0)),
            pl.BlockSpec((1, H), lambda i: (0, 0)),
            pl.BlockSpec((1, 8, BR), lambda i: (i, 0, 0)),
        ],
        out_specs=[
            pl.BlockSpec((BR, H), lambda i: (i, 0)),
            pl.BlockSpec((G, H), lambda i: (0, 0)),
        ],
        out_shape=[
            jax.ShapeDtypeStruct((N, H), jnp.float32),
            jax.ShapeDtypeStruct((G, H), jnp.float32),
        ],
    )(h, parts, w1, b1r, w2, sr, cr, batch8)


def _tc_head(emb, fc1W, fc1b, fc2W, fc2b):
    def body(e_ref, w1_ref, b1_ref, w2_ref, b2_ref, o_ref):
        v = jnp.dot(e_ref[...], w1_ref[...], preferred_element_type=jnp.float32)
        v = v + b1_ref[...]
        v = jnp.where(v >= 0.0, v, 0.01 * v)
        u = jnp.dot(v, w2_ref[...], preferred_element_type=jnp.float32)
        u = u + b2_ref[...]
        o_ref[...] = 1.0 / (1.0 + jnp.exp(-u))

    return pl.pallas_call(
        body,
        out_shape=jax.ShapeDtypeStruct((G, K), jnp.float32),
    )(emb, fc1W, fc1b.reshape(1, K * 2), fc2W, fc2b.reshape(1, K))


def kernel(x, edge_index, batch, W1, b1, W2, b2, bn_gamma, bn_beta,
           fc1_W, fc1_b, fc2_W, fc2_b):
    npad = EPAD - EPT
    spread = jnp.arange(npad, dtype=jnp.int32)
    src_pad = jnp.broadcast_to((spread * 37) % N, (NW, npad))
    dst_pad = jnp.broadcast_to(N + (spread % 256), (NW, npad))
    src3 = jnp.concatenate(
        [edge_index[0].reshape(NW, EPT), src_pad], axis=1).reshape(NW, NCHUNK, CH)
    dst3 = jnp.concatenate(
        [edge_index[1].reshape(NW, EPT), dst_pad], axis=1).reshape(NW, NCHUNK, CH)
    inv_std = 1.0 / math.sqrt(1.0 + BN_EPS)
    zeros_init = jnp.zeros((ROWS_PER_TILE, H), jnp.float32)
    batch8 = jnp.broadcast_to(batch.reshape(NBLK, 1, BR), (NBLK, 8, BR))
    s_all = bn_gamma * inv_std
    c_all = b2 * s_all + bn_beta

    h = x
    pooled = []
    for l in range(L):
        parts = _sc_aggregate(h, src3, dst3, zeros_init)
        h, pool = _tc_layer(h, parts, W1[l], b1[l].reshape(1, H), W2[l],
                            s_all[l].reshape(1, H), c_all[l].reshape(1, H),
                            batch8)
        pooled.append(pool)
    emb = jnp.concatenate(pooled, axis=1)
    return _tc_head(emb, fc1_W, fc1_b, fc2_W, fc2_b)

# --- scband reference (transcript-rebuilt; emitter-appended) ---
"""Pipeline reference for scband-lipstickmodel-28123445854359 (READ-ONLY COPY).

The authoritative reference and input builder live on the scoring server;
editing this copy changes nothing except your own understanding.
"""

import jax, jax.numpy as jnp
import numpy as np

N = 10000      # n_nodes
E = 320000     # n_edges
D = 128        # num_node_features
H = 128        # hidden_dim
L = 5          # num_layers
G = 16         # num graphs in batch
K = 64         # key_size
BN_EPS = 1e-5


def setup_inputs(seed: int = 0) -> dict:
    key = jax.random.key(seed)
    ks = jax.random.split(key, 16)
    x = jax.random.normal(ks[0], (N, D), dtype=jnp.float32)
    edge_index = jax.random.randint(ks[1], (2, E), 0, N, dtype=jnp.int32)
    batch = jnp.sort(jax.random.randint(ks[2], (N,), 0, G, dtype=jnp.int32))
    s = 1.0 / np.sqrt(H)
    W1 = jax.random.normal(ks[3], (L, H, H), dtype=jnp.float32) * s
    b1 = jnp.zeros((L, H), dtype=jnp.float32)
    W2 = jax.random.normal(ks[4], (L, H, H), dtype=jnp.float32) * s
    b2 = jnp.zeros((L, H), dtype=jnp.float32)
    bn_gamma = jnp.ones((L, H), dtype=jnp.float32)
    bn_beta = jnp.zeros((L, H), dtype=jnp.float32)
    fc1_W = jax.random.normal(ks[5], (H * L, H), dtype=jnp.float32) * (1.0 / np.sqrt(H * L))
    fc1_b = jnp.zeros((H,), dtype=jnp.float32)
    fc2_W = jax.random.normal(ks[6], (H, K), dtype=jnp.float32) * s
    fc2_b = jnp.zeros((K,), dtype=jnp.float32)
    return {
        'x': x, 'edge_index': edge_index, 'batch': batch,
        'W1': W1, 'b1': b1, 'W2': W2, 'b2': b2,
        'bn_gamma': bn_gamma, 'bn_beta': bn_beta,
        'fc1_W': fc1_W, 'fc1_b': fc1_b, 'fc2_W': fc2_W, 'fc2_b': fc2_b,
    }


def _leaky_relu(v, slope=0.01):
    return jnp.where(v >= 0, v, slope * v)


def reference(x, edge_index, batch, W1, b1, W2, b2, bn_gamma, bn_beta, fc1_W, fc1_b, fc2_W, fc2_b):
    # GIN backbone: num_layers GINConv layers (eps=0), each followed by
    # BatchNorm (eval mode: running mean 0, var 1) + ReLU; per-layer
    # global_add_pool over graph assignment; concat pooled embeddings.
    src = edge_index[0]
    dst = edge_index[1]
    inv_std = 1.0 / jnp.sqrt(1.0 + BN_EPS)
    h = x
    pooled_list = []
    for l in range(L):
        agg = jax.ops.segment_sum(h[src], dst, num_segments=N)  # sum aggregation
        z = h + agg                                             # (1+eps)*x + sum, eps=0
        z = jax.nn.relu(z @ W1[l] + b1[l])                      # GIN MLP layer 1
        z = z @ W2[l] + b2[l]                                   # GIN MLP layer 2
        z = (z * inv_std) * bn_gamma[l] + bn_beta[l]            # BatchNorm (eval)
        h = jax.nn.relu(z)
        pooled_list.append(jax.ops.segment_sum(h, batch, num_segments=G))
    embeddings = jnp.concatenate(pooled_list, axis=1)           # [G, H*L]
    key_logits = _leaky_relu(embeddings @ fc1_W + fc1_b)        # fc1 + LeakyReLU(0.01)
    # dropout is a no-op in eval mode
    key_pred = jax.nn.sigmoid(key_logits @ fc2_W + fc2_b)       # fc2 + sigmoid
    return key_pred                                             # [G, K]


if False:  # reference __main__ guard neutralized (emitter)
    out = reference(**setup_inputs())
    print(out.shape, out.dtype)

if __name__ == "__main__":
    import jax
    _d = setup_inputs()
    print(jax.jit(kernel)(*tuple(_d.values())))

</pallas_src>

<mosaic_0001>
#map = affine_map<(d0, d1) -> (0, 0)>
#map1 = affine_map<(d0, d1) -> (0, 0, 0)>
module attributes {stable_mosaic.version = 14 : i64} {
  func.func @k(%arg0: i32, %arg1: i32, %arg2: memref<10000x128xf32, #tpu.memory_space<hbm>>, %arg3: memref<32x80x128xi32, #tpu.memory_space<hbm>>, %arg4: memref<32x80x128xi32, #tpu.memory_space<hbm>>, %arg5: memref<624x128xf32, #tpu.memory_space<hbm>>, %arg6: memref<2x10000x128xf32, #tpu.memory_space<hbm>>, %arg7: memref<80x128xi32, #tpu.memory_space<vmem>>, %arg8: memref<80x128xi32, #tpu.memory_space<vmem>>, %arg9: memref<128x128xf32, #tpu.memory_space<vmem>>, %arg10: memref<10256x128xf32, #tpu.memory_space<vmem_shared>>, %arg11: memref<!tpu.dma_semaphore, #tpu.memory_space<semaphore_mem>>) attributes {dimension_semantics = [#tpu.dimension_semantics<core_parallel>, #tpu.dimension_semantics<subcore_parallel>], iteration_bounds = array<i64: 2, 16>, scalar_prefetch = 0 : i64, scratch_operands = 5 : i64, tpu.core_type = #tpu.core_type<sc_vector_subcore>, window_params = [{transform_indices = #map}, {transform_indices = #map1}, {transform_indices = #map1}, {transform_indices = #map}, {transform_indices = #map1}]} {
    %mul3A = arith.constant 16 : i32
    %mul3A_0 = arith.muli %arg0, %mul3A : i32
    %add3A = arith.addi %mul3A_0, %arg1 : i32
    %mul3A_1 = arith.constant 624 : i32
    %mul3A_2 = arith.muli %arg1, %mul3A_1 : i32
    "tpu.region"() ({
      %run_scoped3A = tpu.sem_alloc : memref<!tpu.dma_semaphore, #tpu.memory_space<semaphore_mem>>
      %dma_start3A = arith.constant 0 : i32
      %dma_start3A_16 = arith.constant 0 : i32
      %dma_start3A_17 = tpu.memref_slice %arg3[%add3A, %dma_start3A, %dma_start3A_16] : memref<32x80x128xi32, #tpu.memory_space<hbm>> -> memref<1x80x128xi32, #tpu.memory_space<hbm>>
      %dma_start3A_18 = tpu.memref_squeeze %dma_start3A_17 : memref<1x80x128xi32, #tpu.memory_space<hbm>> -> memref<80x128xi32, #tpu.memory_space<hbm>>
      %dma_start3A_19 = arith.constant 0 : i32
      %dma_start3A_20 = arith.constant 0 : i32
      %dma_start3A_21 = tpu.memref_slice %arg3[%add3A, %dma_start3A_19, %dma_start3A_20] : memref<32x80x128xi32, #tpu.memory_space<hbm>> -> memref<1x80x128xi32, #tpu.memory_space<hbm>>
      %dma_start3A_22 = tpu.memref_squeeze %dma_start3A_21 : memref<1x80x128xi32, #tpu.memory_space<hbm>> -> memref<80x128xi32, #tpu.memory_space<hbm>>
      tpu.enqueue_dma source(%dma_start3A_22 : memref<80x128xi32, #tpu.memory_space<hbm>>) target(%arg7 : memref<80x128xi32, #tpu.memory_space<vmem>>) target_semaphore(%run_scoped3A : memref<!tpu.dma_semaphore, #tpu.memory_space<semaphore_mem>>)
      %dma_wait3A = arith.constant 0 : i32
      %dma_wait3A_23 = arith.constant 0 : i32
      %dma_wait3A_24 = tpu.memref_slice %arg3[%add3A, %dma_wait3A, %dma_wait3A_23] : memref<32x80x128xi32, #tpu.memory_space<hbm>> -> memref<1x80x128xi32, #tpu.memory_space<hbm>>
      %dma_wait3A_25 = tpu.memref_squeeze %dma_wait3A_24 : memref<1x80x128xi32, #tpu.memory_space<hbm>> -> memref<80x128xi32, #tpu.memory_space<hbm>>
      %dma_wait3A_26 = arith.constant 0 : i32
      %dma_wait3A_27 = arith.constant 0 : i32
      %dma_wait3A_28 = tpu.memref_slice %arg3[%add3A, %dma_wait3A_26, %dma_wait3A_27] : memref<32x80x128xi32, #tpu.memory_space<hbm>> -> memref<1x80x128xi32, #tpu.memory_space<hbm>>
      %dma_wait3A_29 = tpu.memref_squeeze %dma_wait3A_28 : memref<1x80x128xi32, #tpu.memory_space<hbm>> -> memref<80x128xi32, #tpu.memory_space<hbm>>
      tpu.wait_dma2 semaphore(%run_scoped3A : memref<!tpu.dma_semaphore, #tpu.memory_space<semaphore_mem>>) src(%dma_wait3A_29 : memref<80x128xi32, #tpu.memory_space<hbm>>) dst(%arg7 : memref<80x128xi32, #tpu.memory_space<vmem>>)
      tpu.yield
    }) : () -> ()
    "tpu.region"() ({
      %run_scoped3A = tpu.sem_alloc : memref<!tpu.dma_semaphore, #tpu.memory_space<semaphore_mem>>
      %dma_start3A = arith.constant 0 : i32
      %dma_start3A_16 = arith.constant 0 : i32
      %dma_start3A_17 = tpu.memref_slice %arg4[%add3A, %dma_start3A, %dma_start3A_16] : memref<32x80x128xi32, #tpu.memory_space<hbm>> -> memref<1x80x128xi32, #tpu.memory_space<hbm>>
      %dma_start3A_18 = tpu.memref_squeeze %dma_start3A_17 : memref<1x80x128xi32, #tpu.memory_space<hbm>> -> memref<80x128xi32, #tpu.memory_space<hbm>>
      %dma_start3A_19 = arith.constant 0 : i32
      %dma_start3A_20 = arith.constant 0 : i32
      %dma_start3A_21 = tpu.memref_slice %arg4[%add3A, %dma_start3A_19, %dma_start3A_20] : memref<32x80x128xi32, #tpu.memory_space<hbm>> -> memref<1x80x128xi32, #tpu.memory_space<hbm>>
      %dma_start3A_22 = tpu.memref_squeeze %dma_start3A_21 : memref<1x80x128xi32, #tpu.memory_space<hbm>> -> memref<80x128xi32, #tpu.memory_space<hbm>>
      tpu.enqueue_dma source(%dma_start3A_22 : memref<80x128xi32, #tpu.memory_space<hbm>>) target(%arg8 : memref<80x128xi32, #tpu.memory_space<vmem>>) target_semaphore(%run_scoped3A : memref<!tpu.dma_semaphore, #tpu.memory_space<semaphore_mem>>)
      %dma_wait3A = arith.constant 0 : i32
      %dma_wait3A_23 = arith.constant 0 : i32
      %dma_wait3A_24 = tpu.memref_slice %arg4[%add3A, %dma_wait3A, %dma_wait3A_23] : memref<32x80x128xi32, #tpu.memory_space<hbm>> -> memref<1x80x128xi32, #tpu.memory_space<hbm>>
      %dma_wait3A_25 = tpu.memref_squeeze %dma_wait3A_24 : memref<1x80x128xi32, #tpu.memory_space<hbm>> -> memref<80x128xi32, #tpu.memory_space<hbm>>
      %dma_wait3A_26 = arith.constant 0 : i32
      %dma_wait3A_27 = arith.constant 0 : i32
      %dma_wait3A_28 = tpu.memref_slice %arg4[%add3A, %dma_wait3A_26, %dma_wait3A_27] : memref<32x80x128xi32, #tpu.memory_space<hbm>> -> memref<1x80x128xi32, #tpu.memory_space<hbm>>
      %dma_wait3A_29 = tpu.memref_squeeze %dma_wait3A_28 : memref<1x80x128xi32, #tpu.memory_space<hbm>> -> memref<80x128xi32, #tpu.memory_space<hbm>>
      tpu.wait_dma2 semaphore(%run_scoped3A : memref<!tpu.dma_semaphore, #tpu.memory_space<semaphore_mem>>) src(%dma_wait3A_29 : memref<80x128xi32, #tpu.memory_space<hbm>>) dst(%arg8 : memref<80x128xi32, #tpu.memory_space<vmem>>)
      tpu.yield
    }) : () -> ()
    "tpu.region"() ({
      %run_scoped3A = tpu.sem_alloc : memref<!tpu.dma_semaphore, #tpu.memory_space<semaphore_mem>>
      %dma_start3A = arith.constant 0 : i32
      %dma_start3A_16 = tpu.memref_slice %arg10[%mul3A_2, %dma_start3A] : memref<10256x128xf32, #tpu.memory_space<vmem_shared>> -> memref<624x128xf32, #tpu.memory_space<vmem_shared>>
      %dma_start3A_17 = arith.constant 0 : i32
      %dma_start3A_18 = arith.constant 0 : i32
      %dma_start3A_19 = tpu.memref_slice %arg5[%dma_start3A_17, %dma_start3A_18] : memref<624x128xf32, #tpu.memory_space<hbm>> -> memref<624x128xf32, #tpu.memory_space<hbm>>
      tpu.enqueue_dma source(%dma_start3A_19 : memref<624x128xf32, #tpu.memory_space<hbm>>) target(%dma_start3A_16 : memref<624x128xf32, #tpu.memory_space<vmem_shared>>) target_semaphore(%run_scoped3A : memref<!tpu.dma_semaphore, #tpu.memory_space<semaphore_mem>>)
      %dma_wait3A = arith.constant 0 : i32
      %dma_wait3A_20 = tpu.memref_slice %arg10[%mul3A_2, %dma_wait3A] : memref<10256x128xf32, #tpu.memory_space<vmem_shared>> -> memref<624x128xf32, #tpu.memory_space<vmem_shared>>
      %dma_wait3A_21 = arith.constant 0 : i32
      %dma_wait3A_22 = arith.constant 0 : i32
      %dma_wait3A_23 = tpu.memref_slice %arg5[%dma_wait3A_21, %dma_wait3A_22] : memref<624x128xf32, #tpu.memory_space<hbm>> -> memref<624x128xf32, #tpu.memory_space<hbm>>
      tpu.wait_dma2 semaphore(%run_scoped3A : memref<!tpu.dma_semaphore, #tpu.memory_space<semaphore_mem>>) src(%dma_wait3A_23 : memref<624x128xf32, #tpu.memory_space<hbm>>) dst(%dma_wait3A_20 : memref<624x128xf32, #tpu.memory_space<vmem_shared>>)
      tpu.yield
    }) : () -> ()
    %eq3A = arith.constant 15 : i32
    %eq3A_3 = arith.cmpi eq, %arg1, %eq3A : i32
    %convert_element_type3A = arith.extui %eq3A_3 : i1 to i32
    %cond3A = arith.constant 0 : i32
    %cond3A_4 = arith.cmpi ne, %convert_element_type3A, %cond3A : i32
    scf.if %cond3A_4 {
      "tpu.region"() ({
        %run_scoped3A = tpu.sem_alloc : memref<!tpu.dma_semaphore, #tpu.memory_space<semaphore_mem>>
        %dma_start3A = arith.constant 9984 : i32
        %dma_start3A_16 = arith.constant 0 : i32
        %dma_start3A_17 = tpu.memref_slice %arg10[%dma_start3A, %dma_start3A_16] : memref<10256x128xf32, #tpu.memory_space<vmem_shared>> -> memref<16x128xf32, #tpu.memory_space<vmem_shared>>
        %dma_start3A_18 = arith.constant 0 : i32
        %dma_start3A_19 = arith.constant 0 : i32
        %dma_start3A_20 = tpu.memref_slice %arg5[%dma_start3A_18, %dma_start3A_19] : memref<624x128xf32, #tpu.memory_space<hbm>> -> memref<16x128xf32, #tpu.memory_space<hbm>>
        tpu.enqueue_dma source(%dma_start3A_20 : memref<16x128xf32, #tpu.memory_space<hbm>>) target(%dma_start3A_17 : memref<16x128xf32, #tpu.memory_space<vmem_shared>>) target_semaphore(%run_scoped3A : memref<!tpu.dma_semaphore, #tpu.memory_space<semaphore_mem>>)
        %dma_wait3A = arith.constant 9984 : i32
        %dma_wait3A_21 = arith.constant 0 : i32
        %dma_wait3A_22 = tpu.memref_slice %arg10[%dma_wait3A, %dma_wait3A_21] : memref<10256x128xf32, #tpu.memory_space<vmem_shared>> -> memref<16x128xf32, #tpu.memory_space<vmem_shared>>
        %dma_wait3A_23 = arith.constant 0 : i32
        %dma_wait3A_24 = arith.constant 0 : i32
        %dma_wait3A_25 = tpu.memref_slice %arg5[%dma_wait3A_23, %dma_wait3A_24] : memref<624x128xf32, #tpu.memory_space<hbm>> -> memref<16x128xf32, #tpu.memory_space<hbm>>
        tpu.wait_dma2 semaphore(%run_scoped3A : memref<!tpu.dma_semaphore, #tpu.memory_space<semaphore_mem>>) src(%dma_wait3A_25 : memref<16x128xf32, #tpu.memory_space<hbm>>) dst(%dma_wait3A_22 : memref<16x128xf32, #tpu.memory_space<vmem_shared>>)
        tpu.yield
      }) : () -> ()
    } else {
    }
    %barrier3A = arith.constant 0 : index
    tpu.barrier barrier_id(%barrier3A)
    %scan3A = arith.constant 0 : i32
    %scan3A_5 = arith.constant 0 : i32
    %scan3A_6 = arith.constant 80 : i32
    %scan3A_7 = arith.addi %scan3A_5, %scan3A_6 : i32
    %scan3A_8 = arith.constant 1 : i32
    scf.for %scan3A_16 = %scan3A_5 to %scan3A_7 step %scan3A_8  : i32 {
      %dma_start3A = arith.constant 0 : i32
      %dma_start3A_17 = tpu.memref_slice %arg7[%scan3A_16, %dma_start3A] : memref<80x128xi32, #tpu.memory_space<vmem>> -> memref<1x128xi32, #tpu.memory_space<vmem>>
      %dma_start3A_18 = tpu.memref_squeeze %dma_start3A_17 : memref<1x128xi32, #tpu.memory_space<vmem>> -> memref<128xi32, #tpu.memory_space<vmem>>
      %dma_start3A_19 = arith.constant 0 : i32
      %dma_start3A_20 = arith.constant 0 : i32
      %dma_start3A_21 = tpu.memref_slice %arg2[%dma_start3A_19, %dma_start3A_20] : memref<10000x128xf32, #tpu.memory_space<hbm>> -> memref<10000x128xf32, #tpu.memory_space<hbm>>
      tpu.enqueue_indirect_dma source(%dma_start3A_21 : memref<10000x128xf32, #tpu.memory_space<hbm>>) target(%arg9 : memref<128x128xf32, #tpu.memory_space<vmem>>) offsets(%dma_start3A_18 : memref<128xi32, #tpu.memory_space<vmem>>) semaphore(%arg11 : memref<!tpu.dma_semaphore, #tpu.memory_space<semaphore_mem>>)
      %dma_wait3A = arith.constant 0 : i32
      %dma_wait3A_22 = tpu.memref_slice %arg7[%scan3A_16, %dma_wait3A] : memref<80x128xi32, #tpu.memory_space<vmem>> -> memref<1x128xi32, #tpu.memory_space<vmem>>
      %dma_wait3A_23 = tpu.memref_squeeze %dma_wait3A_22 : memref<1x128xi32, #tpu.memory_space<vmem>> -> memref<128xi32, #tpu.memory_space<vmem>>
      %dma_wait3A_24 = arith.constant 0 : i32
      %dma_wait3A_25 = arith.constant 0 : i32
      %dma_wait3A_26 = tpu.memref_slice %arg2[%dma_wait3A_24, %dma_wait3A_25] : memref<10000x128xf32, #tpu.memory_space<hbm>> -> memref<10000x128xf32, #tpu.memory_space<hbm>>
      tpu.wait_indirect_dma semaphore(%arg11 : memref<!tpu.dma_semaphore, #tpu.memory_space<semaphore_mem>>) src(%dma_wait3A_26 : memref<10000x128xf32, #tpu.memory_space<hbm>>) dst(%arg9 : memref<128x128xf32, #tpu.memory_space<vmem>>)
      "tpu.region"() ({
        %run_scoped3A = tpu.sem_alloc : memref<!tpu.dma_semaphore, #tpu.memory_space<semaphore_mem>>
        %dma_start3A_27 = arith.constant 0 : i32
        %dma_start3A_28 = tpu.memref_slice %arg8[%scan3A_16, %dma_start3A_27] : memref<80x128xi32, #tpu.memory_space<vmem>> -> memref<1x128xi32, #tpu.memory_space<vmem>>
        %dma_start3A_29 = tpu.memref_squeeze %dma_start3A_28 : memref<1x128xi32, #tpu.memory_space<vmem>> -> memref<128xi32, #tpu.memory_space<vmem>>
        %dma_start3A_30 = arith.constant 0 : i32
        %dma_start3A_31 = arith.constant 0 : i32
        %dma_start3A_32 = tpu.memref_slice %arg10[%dma_start3A_30, %dma_start3A_31] : memref<10256x128xf32, #tpu.memory_space<vmem_shared>> -> memref<10256x128xf32, #tpu.memory_space<vmem_shared>>
        tpu.enqueue_indirect_dma source(%arg9 : memref<128x128xf32, #tpu.memory_space<vmem>>) target(%dma_start3A_32 : memref<10256x128xf32, #tpu.memory_space<vmem_shared>>) offsets(%dma_start3A_29 : memref<128xi32, #tpu.memory_space<vmem>>) semaphore(%run_scoped3A : memref<!tpu.dma_semaphore, #tpu.memory_space<semaphore_mem>>) {add = true}
        %dma_wait3A_33 = arith.constant 0 : i32
        %dma_wait3A_34 = tpu.memref_slice %arg8[%scan3A_16, %dma_wait3A_33] : memref<80x128xi32, #tpu.memory_space<vmem>> -> memref<1x128xi32, #tpu.memory_space<vmem>>
        %dma_wait3A_35 = tpu.memref_squeeze %dma_wait3A_34 : memref<1x128xi32, #tpu.memory_space<vmem>> -> memref<128xi32, #tpu.memory_space<vmem>>
        %dma_wait3A_36 = arith.constant 0 : i32
        %dma_wait3A_37 = arith.constant 0 : i32
        %dma_wait3A_38 = tpu.memref_slice %arg10[%dma_wait3A_36, %dma_wait3A_37] : memref<10256x128xf32, #tpu.memory_space<vmem_shared>> -> memref<10256x128xf32, #tpu.memory_space<vmem_shared>>
        tpu.wait_indirect_dma semaphore(%run_scoped3A : memref<!tpu.dma_semaphore, #tpu.memory_space<semaphore_mem>>) src(%arg9 : memref<128x128xf32, #tpu.memory_space<vmem>>) dst(%dma_wait3A_38 : memref<10256x128xf32, #tpu.memory_space<vmem_shared>>)
        tpu.yield
      }) : () -> ()
    }
    %scan3A_9 = arith.constant 80 : i32
    %barrier3A_10 = arith.constant 0 : index
    tpu.barrier barrier_id(%barrier3A_10)
    "tpu.region"() ({
      %run_scoped3A = tpu.sem_alloc : memref<!tpu.dma_semaphore, #tpu.memory_space<semaphore_mem>>
      %dma_start3A = arith.constant 0 : i32
      %dma_start3A_16 = tpu.memref_slice %arg6[%arg0, %mul3A_2, %dma_start3A] : memref<2x10000x128xf32, #tpu.memory_space<hbm>> -> memref<1x624x128xf32, #tpu.memory_space<hbm>>
      %dma_start3A_17 = tpu.memref_squeeze %dma_start3A_16 : memref<1x624x128xf32, #tpu.memory_space<hbm>> -> memref<624x128xf32, #tpu.memory_space<hbm>>
      %dma_start3A_18 = arith.constant 0 : i32
      %dma_start3A_19 = tpu.memref_slice %arg10[%mul3A_2, %dma_start3A_18] : memref<10256x128xf32, #tpu.memory_space<vmem_shared>> -> memref<624x128xf32, #tpu.memory_space<vmem_shared>>
      tpu.enqueue_dma source(%dma_start3A_19 : memref<624x128xf32, #tpu.memory_space<vmem_shared>>) target(%dma_start3A_17 : memref<624x128xf32, #tpu.memory_space<hbm>>) target_semaphore(%run_scoped3A : memref<!tpu.dma_semaphore, #tpu.memory_space<semaphore_mem>>)
      %dma_wait3A = arith.constant 0 : i32
      %dma_wait3A_20 = tpu.memref_slice %arg6[%arg0, %mul3A_2, %dma_wait3A] : memref<2x10000x128xf32, #tpu.memory_space<hbm>> -> memref<1x624x128xf32, #tpu.memory_space<hbm>>
      %dma_wait3A_21 = tpu.memref_squeeze %dma_wait3A_20 : memref<1x624x128xf32, #tpu.memory_space<hbm>> -> memref<624x128xf32, #tpu.memory_space<hbm>>
      %dma_wait3A_22 = arith.constant 0 : i32
      %dma_wait3A_23 = tpu.memref_slice %arg10[%mul3A_2, %dma_wait3A_22] : memref<10256x128xf32, #tpu.memory_space<vmem_shared>> -> memref<624x128xf32, #tpu.memory_space<vmem_shared>>
      tpu.wait_dma2 semaphore(%run_scoped3A : memref<!tpu.dma_semaphore, #tpu.memory_space<semaphore_mem>>) src(%dma_wait3A_23 : memref<624x128xf32, #tpu.memory_space<vmem_shared>>) dst(%dma_wait3A_21 : memref<624x128xf32, #tpu.memory_space<hbm>>)
      tpu.yield
    }) : () -> ()
    %eq3A_11 = arith.constant 15 : i32
    %eq3A_12 = arith.cmpi eq, %arg1, %eq3A_11 : i32
    %convert_element_type3A_13 = arith.extui %eq3A_12 : i1 to i32
    %cond3A_14 = arith.constant 0 : i32
    %cond3A_15 = arith.cmpi ne, %convert_element_type3A_13, %cond3A_14 : i32
    scf.if %cond3A_15 {
      "tpu.region"() ({
        %run_scoped3A = tpu.sem_alloc : memref<!tpu.dma_semaphore, #tpu.memory_space<semaphore_mem>>
        %dma_start3A = arith.constant 9984 : i32
        %dma_start3A_16 = arith.constant 0 : i32
        %dma_start3A_17 = tpu.memref_slice %arg6[%arg0, %dma_start3A, %dma_start3A_16] : memref<2x10000x128xf32, #tpu.memory_space<hbm>> -> memref<1x16x128xf32, #tpu.memory_space<hbm>>
        %dma_start3A_18 = tpu.memref_squeeze %dma_start3A_17 : memref<1x16x128xf32, #tpu.memory_space<hbm>> -> memref<16x128xf32, #tpu.memory_space<hbm>>
        %dma_start3A_19 = arith.constant 9984 : i32
        %dma_start3A_20 = arith.constant 0 : i32
        %dma_start3A_21 = tpu.memref_slice %arg10[%dma_start3A_19, %dma_start3A_20] : memref<10256x128xf32, #tpu.memory_space<vmem_shared>> -> memref<16x128xf32, #tpu.memory_space<vmem_shared>>
        tpu.enqueue_dma source(%dma_start3A_21 : memref<16x128xf32, #tpu.memory_space<vmem_shared>>) target(%dma_start3A_18 : memref<16x128xf32, #tpu.memory_space<hbm>>) target_semaphore(%run_scoped3A : memref<!tpu.dma_semaphore, #tpu.memory_space<semaphore_mem>>)
        %dma_wait3A = arith.constant 9984 : i32
        %dma_wait3A_22 = arith.constant 0 : i32
        %dma_wait3A_23 = tpu.memref_slice %arg6[%arg0, %dma_wait3A, %dma_wait3A_22] : memref<2x10000x128xf32, #tpu.memory_space<hbm>> -> memref<1x16x128xf32, #tpu.memory_space<hbm>>
        %dma_wait3A_24 = tpu.memref_squeeze %dma_wait3A_23 : memref<1x16x128xf32, #tpu.memory_space<hbm>> -> memref<16x128xf32, #tpu.memory_space<hbm>>
        %dma_wait3A_25 = arith.constant 9984 : i32
        %dma_wait3A_26 = arith.constant 0 : i32
        %dma_wait3A_27 = tpu.memref_slice %arg10[%dma_wait3A_25, %dma_wait3A_26] : memref<10256x128xf32, #tpu.memory_space<vmem_shared>> -> memref<16x128xf32, #tpu.memory_space<vmem_shared>>
        tpu.wait_dma2 semaphore(%run_scoped3A : memref<!tpu.dma_semaphore, #tpu.memory_space<semaphore_mem>>) src(%dma_wait3A_27 : memref<16x128xf32, #tpu.memory_space<vmem_shared>>) dst(%dma_wait3A_24 : memref<16x128xf32, #tpu.memory_space<hbm>>)
        tpu.yield
      }) : () -> ()
    } else {
    }
    return
  }
}

#map = affine_map<(d0, d1) -> (0, 0)>
#map1 = affine_map<(d0, d1) -> (0, 0, 0)>
module attributes {stable_mosaic.version = 14 : i64} {
  func.func @k(%arg0: i32, %arg1: i32, %arg2: memref<10000x128xf32, #tpu.memory_space<hbm>>, %arg3: memref<32x80x128xi32, #tpu.memory_space<hbm>>, %arg4: memref<32x80x128xi32, #tpu.memory_space<hbm>>, %arg5: memref<624x128xf32, #tpu.memory_space<hbm>>, %arg6: memref<2x10000x128xf32, #tpu.memory_space<hbm>>, %arg7: memref<80x128xi32, #tpu.memory_space<vmem>>, %arg8: memref<80x128xi32, #tpu.memory_space<vmem>>, %arg9: memref<128x128xf32, #tpu.memory_space<vmem>>, %arg10: memref<10256x128xf32, #tpu.memory_space<vmem_shared>>, %arg11: memref<!tpu.dma_semaphore, #tpu.memory_space<semaphore_mem>>) attributes {dimension_semantics = [#tpu.dimension_semantics<core_parallel>, #tpu.dimension_semantics<subcore_parallel>], iteration_bounds = array<i64: 2, 16>, scalar_prefetch = 0 : i64, scratch_operands = 5 : i64, tpu.core_type = #tpu.core_type<sc_vector_subcore>, window_params = [{transform_indices = #map}, {transform_indices = #map1}, {transform_indices = #map1}, {transform_indices = #map}, {transform_indices = #map1}]} {
    %mul3A = arith.constant 16 : i32
    %mul3A_0 = arith.muli %arg0, %mul3A : i32
    %add3A = arith.addi %mul3A_0, %arg1 : i32
    %mul3A_1 = arith.constant 624 : i32
    %mul3A_2 = arith.muli %arg1, %mul3A_1 : i32
    "tpu.region"() ({
      %run_scoped3A = tpu.sem_alloc : memref<!tpu.dma_semaphore, #tpu.memory_space<semaphore_mem>>
      %dma_start3A = arith.constant 0 : i32
      %dma_start3A_16 = arith.constant 0 : i32
      %dma_start3A_17 = tpu.memref_slice %arg3[%add3A, %dma_start3A, %dma_start3A_16] : memref<32x80x128xi32, #tpu.memory_space<hbm>> -> memref<1x80x128xi32, #tpu.memory_space<hbm>>
      %dma_start3A_18 = tpu.memref_squeeze %dma_start3A_17 : memref<1x80x128xi32, #tpu.memory_space<hbm>> -> memref<80x128xi32, #tpu.memory_space<hbm>>
      %dma_start3A_19 = arith.constant 0 : i32
      %dma_start3A_20 = arith.constant 0 : i32
      %dma_start3A_21 = tpu.memref_slice %arg3[%add3A, %dma_start3A_19, %dma_start3A_20] : memref<32x80x128xi32, #tpu.memory_space<hbm>> -> memref<1x80x128xi32, #tpu.memory_space<hbm>>
      %dma_start3A_22 = tpu.memref_squeeze %dma_start3A_21 : memref<1x80x128xi32, #tpu.memory_space<hbm>> -> memref<80x128xi32, #tpu.memory_space<hbm>>
      tpu.enqueue_dma source(%dma_start3A_22 : memref<80x128xi32, #tpu.memory_space<hbm>>) target(%arg7 : memref<80x128xi32, #tpu.memory_space<vmem>>) target_semaphore(%run_scoped3A : memref<!tpu.dma_semaphore, #tpu.memory_space<semaphore_mem>>)
      %dma_wait3A = arith.constant 0 : i32
      %dma_wait3A_23 = arith.constant 0 : i32
      %dma_wait3A_24 = tpu.memref_slice %arg3[%add3A, %dma_wait3A, %dma_wait3A_23] : memref<32x80x128xi32, #tpu.memory_space<hbm>> -> memref<1x80x128xi32, #tpu.memory_space<hbm>>
      %dma_wait3A_25 = tpu.memref_squeeze %dma_wait3A_24 : memref<1x80x128xi32, #tpu.memory_space<hbm>> -> memref<80x128xi32, #tpu.memory_space<hbm>>
      %dma_wait3A_26 = arith.constant 0 : i32
      %dma_wait3A_27 = arith.constant 0 : i32
      %dma_wait3A_28 = tpu.memref_slice %arg3[%add3A, %dma_wait3A_26, %dma_wait3A_27] : memref<32x80x128xi32, #tpu.memory_space<hbm>> -> memref<1x80x128xi32, #tpu.memory_space<hbm>>
      %dma_wait3A_29 = tpu.memref_squeeze %dma_wait3A_28 : memref<1x80x128xi32, #tpu.memory_space<hbm>> -> memref<80x128xi32, #tpu.memory_space<hbm>>
      tpu.wait_dma2 semaphore(%run_scoped3A : memref<!tpu.dma_semaphore, #tpu.memory_space<semaphore_mem>>) src(%dma_wait3A_29 : memref<80x128xi32, #tpu.memory_space<hbm>>) dst(%arg7 : memref<80x128xi32, #tpu.memory_space<vmem>>)
      tpu.yield
    }) : () -> ()
    "tpu.region"() ({
      %run_scoped3A = tpu.sem_alloc : memref<!tpu.dma_semaphore, #tpu.memory_space<semaphore_mem>>
      %dma_start3A = arith.constant 0 : i32
      %dma_start3A_16 = arith.constant 0 : i32
      %dma_start3A_17 = tpu.memref_slice %arg4[%add3A, %dma_start3A, %dma_start3A_16] : memref<32x80x128xi32, #tpu.memory_space<hbm>> -> memref<1x80x128xi32, #tpu.memory_space<hbm>>
      %dma_start3A_18 = tpu.memref_squeeze %dma_start3A_17 : memref<1x80x128xi32, #tpu.memory_space<hbm>> -> memref<80x128xi32, #tpu.memory_space<hbm>>
      %dma_start3A_19 = arith.constant 0 : i32
      %dma_start3A_20 = arith.constant 0 : i32
      %dma_start3A_21 = tpu.memref_slice %arg4[%add3A, %dma_start3A_19, %dma_start3A_20] : memref<32x80x128xi32, #tpu.memory_space<hbm>> -> memref<1x80x128xi32, #tpu.memory_space<hbm>>
      %dma_start3A_22 = tpu.memref_squeeze %dma_start3A_21 : memref<1x80x128xi32, #tpu.memory_space<hbm>> -> memref<80x128xi32, #tpu.memory_space<hbm>>
      tpu.enqueue_dma source(%dma_start3A_22 : memref<80x128xi32, #tpu.memory_space<hbm>>) target(%arg8 : memref<80x128xi32, #tpu.memory_space<vmem>>) target_semaphore(%run_scoped3A : memref<!tpu.dma_semaphore, #tpu.memory_space<semaphore_mem>>)
      %dma_wait3A = arith.constant 0 : i32
      %dma_wait3A_23 = arith.constant 0 : i32
      %dma_wait3A_24 = tpu.memref_slice %arg4[%add3A, %dma_wait3A, %dma_wait3A_23] : memref<32x80x128xi32, #tpu.memory_space<hbm>> -> memref<1x80x128xi32, #tpu.memory_space<hbm>>
      %dma_wait3A_25 = tpu.memref_squeeze %dma_wait3A_24 : memref<1x80x128xi32, #tpu.memory_space<hbm>> -> memref<80x128xi32, #tpu.memory_space<hbm>>
      %dma_wait3A_26 = arith.constant 0 : i32
      %dma_wait3A_27 = arith.constant 0 : i32
      %dma_wait3A_28 = tpu.memref_slice %arg4[%add3A, %dma_wait3A_26, %dma_wait3A_27] : memref<32x80x128xi32, #tpu.memory_space<hbm>> -> memref<1x80x128xi32, #tpu.memory_space<hbm>>
      %dma_wait3A_29 = tpu.memref_squeeze %dma_wait3A_28 : memref<1x80x128xi32, #tpu.memory_space<hbm>> -> memref<80x128xi32, #tpu.memory_space<hbm>>
      tpu.wait_dma2 semaphore(%run_scoped3A : memref<!tpu.dma_semaphore, #tpu.memory_space<semaphore_mem>>) src(%dma_wait3A_29 : memref<80x128xi32, #tpu.memory_space<hbm>>) dst(%arg8 : memref<80x128xi32, #tpu.memory_space<vmem>>)
      tpu.yield
    }) : () -> ()
    "tpu.region"() ({
      %run_scoped3A = tpu.sem_alloc : memref<!tpu.dma_semaphore, #tpu.memory_space<semaphore_mem>>
      %dma_start3A = arith.constant 0 : i32
      %dma_start3A_16 = tpu.memref_slice %arg10[%mul3A_2, %dma_start3A] : memref<10256x128xf32, #tpu.memory_space<vmem_shared>> -> memref<624x128xf32, #tpu.memory_space<vmem_shared>>
      %dma_start3A_17 = arith.constant 0 : i32
      %dma_start3A_18 = arith.constant 0 : i32
      %dma_start3A_19 = tpu.memref_slice %arg5[%dma_start3A_17, %dma_start3A_18] : memref<624x128xf32, #tpu.memory_space<hbm>> -> memref<624x128xf32, #tpu.memory_space<hbm>>
      tpu.enqueue_dma source(%dma_start3A_19 : memref<624x128xf32, #tpu.memory_space<hbm>>) target(%dma_start3A_16 : memref<624x128xf32, #tpu.memory_space<vmem_shared>>) target_semaphore(%run_scoped3A : memref<!tpu.dma_semaphore, #tpu.memory_space<semaphore_mem>>)
      %dma_wait3A = arith.constant 0 : i32
      %dma_wait3A_20 = tpu.memref_slice %arg10[%mul3A_2, %dma_wait3A] : memref<10256x128xf32, #tpu.memory_space<vmem_shared>> -> memref<624x128xf32, #tpu.memory_space<vmem_shared>>
      %dma_wait3A_21 = arith.constant 0 : i32
      %dma_wait3A_22 = arith.constant 0 : i32
      %dma_wait3A_23 = tpu.memref_slice %arg5[%dma_wait3A_21, %dma_wait3A_22] : memref<624x128xf32, #tpu.memory_space<hbm>> -> memref<624x128xf32, #tpu.memory_space<hbm>>
      tpu.wait_dma2 semaphore(%run_scoped3A : memref<!tpu.dma_semaphore, #tpu.memory_space<semaphore_mem>>) src(%dma_wait3A_23 : memref<624x128xf32, #tpu.memory_space<hbm>>) dst(%dma_wait3A_20 : memref<624x128xf32, #tpu.memory_space<vmem_shared>>)
      tpu.yield
    }) : () -> ()
    %eq3A = arith.constant 15 : i32
    %eq3A_3 = arith.cmpi eq, %arg1, %eq3A : i32
    %convert_element_type3A = arith.extui %eq3A_3 : i1 to i32
    %cond3A = arith.constant 0 : i32
    %cond3A_4 = arith.cmpi ne, %convert_element_type3A, %cond3A : i32
    scf.if %cond3A_4 {
      "tpu.region"() ({
        %run_scoped3A = tpu.sem_alloc : memref<!tpu.dma_semaphore, #tpu.memory_space<semaphore_mem>>
        %dma_start3A = arith.constant 9984 : i32
        %dma_start3A_16 = arith.constant 0 : i32
        %dma_start3A_17 = tpu.memref_slice %arg10[%dma_start3A, %dma_start3A_16] : memref<10256x128xf32, #tpu.memory_space<vmem_shared>> -> memref<16x128xf32, #tpu.memory_space<vmem_shared>>
        %dma_start3A_18 = arith.constant 0 : i32
        %dma_start3A_19 = arith.constant 0 : i32
        %dma_start3A_20 = tpu.memref_slice %arg5[%dma_start3A_18, %dma_start3A_19] : memref<624x128xf32, #tpu.memory_space<hbm>> -> memref<16x128xf32, #tpu.memory_space<hbm>>
        tpu.enqueue_dma source(%dma_start3A_20 : memref<16x128xf32, #tpu.memory_space<hbm>>) target(%dma_start3A_17 : memref<16x128xf32, #tpu.memory_space<vmem_shared>>) target_semaphore(%run_scoped3A : memref<!tpu.dma_semaphore, #tpu.memory_space<semaphore_mem>>)
        %dma_wait3A = arith.constant 9984 : i32
        %dma_wait3A_21 = arith.constant 0 : i32
        %dma_wait3A_22 = tpu.memref_slice %arg10[%dma_wait3A, %dma_wait3A_21] : memref<10256x128xf32, #tpu.memory_space<vmem_shared>> -> memref<16x128xf32, #tpu.memory_space<vmem_shared>>
        %dma_wait3A_23 = arith.constant 0 : i32
        %dma_wait3A_24 = arith.constant 0 : i32
        %dma_wait3A_25 = tpu.memref_slice %arg5[%dma_wait3A_23, %dma_wait3A_24] : memref<624x128xf32, #tpu.memory_space<hbm>> -> memref<16x128xf32, #tpu.memory_space<hbm>>
        tpu.wait_dma2 semaphore(%run_scoped3A : memref<!tpu.dma_semaphore, #tpu.memory_space<semaphore_mem>>) src(%dma_wait3A_25 : memref<16x128xf32, #tpu.memory_space<hbm>>) dst(%dma_wait3A_22 : memref<16x128xf32, #tpu.memory_space<vmem_shared>>)
        tpu.yield
      }) : () -> ()
    } else {
    }
    %barrier3A = arith.constant 0 : index
    tpu.barrier barrier_id(%barrier3A)
    %scan3A = arith.constant 0 : i32
    %scan3A_5 = arith.constant 0 : i32
    %scan3A_6 = arith.constant 80 : i32
    %scan3A_7 = arith.addi %scan3A_5, %scan3A_6 : i32
    %scan3A_8 = arith.constant 1 : i32
    scf.for %scan3A_16 = %scan3A_5 to %scan3A_7 step %scan3A_8  : i32 {
      %dma_start3A = arith.constant 0 : i32
      %dma_start3A_17 = tpu.memref_slice %arg7[%scan3A_16, %dma_start3A] : memref<80x128xi32, #tpu.memory_space<vmem>> -> memref<1x128xi32, #tpu.memory_space<vmem>>
      %dma_start3A_18 = tpu.memref_squeeze %dma_start3A_17 : memref<1x128xi32, #tpu.memory_space<vmem>> -> memref<128xi32, #tpu.memory_space<vmem>>
      %dma_start3A_19 = arith.constant 0 : i32
      %dma_start3A_20 = arith.constant 0 : i32
      %dma_start3A_21 = tpu.memref_slice %arg2[%dma_start3A_19, %dma_start3A_20] : memref<10000x128xf32, #tpu.memory_space<hbm>> -> memref<10000x128xf32, #tpu.memory_space<hbm>>
      tpu.enqueue_indirect_dma source(%dma_start3A_21 : memref<10000x128xf32, #tpu.memory_space<hbm>>) target(%arg9 : memref<128x128xf32, #tpu.memory_space<vmem>>) offsets(%dma_start3A_18 : memref<128xi32, #tpu.memory_space<vmem>>) semaphore(%arg11 : memref<!tpu.dma_semaphore, #tpu.memory_space<semaphore_mem>>)
      %dma_wait3A = arith.constant 0 : i32
      %dma_wait3A_22 = tpu.memref_slice %arg7[%scan3A_16, %dma_wait3A] : memref<80x128xi32, #tpu.memory_space<vmem>> -> memref<1x128xi32, #tpu.memory_space<vmem>>
      %dma_wait3A_23 = tpu.memref_squeeze %dma_wait3A_22 : memref<1x128xi32, #tpu.memory_space<vmem>> -> memref<128xi32, #tpu.memory_space<vmem>>
      %dma_wait3A_24 = arith.constant 0 : i32
      %dma_wait3A_25 = arith.constant 0 : i32
      %dma_wait3A_26 = tpu.memref_slice %arg2[%dma_wait3A_24, %dma_wait3A_25] : memref<10000x128xf32, #tpu.memory_space<hbm>> -> memref<10000x128xf32, #tpu.memory_space<hbm>>
      tpu.wait_indirect_dma semaphore(%arg11 : memref<!tpu.dma_semaphore, #tpu.memory_space<semaphore_mem>>) src(%dma_wait3A_26 : memref<10000x128xf32, #tpu.memory_space<hbm>>) dst(%arg9 : memref<128x128xf32, #tpu.memory_space<vmem>>)
      "tpu.region"() ({
        %run_scoped3A = tpu.sem_alloc : memref<!tpu.dma_semaphore, #tpu.memory_space<semaphore_mem>>
        %dma_start3A_27 = arith.constant 0 : i32
        %dma_start3A_28 = tpu.memref_slice %arg8[%scan3A_16, %dma_start3A_27] : memref<80x128xi32, #tpu.memory_space<vmem>> -> memref<1x128xi32, #tpu.memory_space<vmem>>
        %dma_start3A_29 = tpu.memref_squeeze %dma_start3A_28 : memref<1x128xi32, #tpu.memory_space<vmem>> -> memref<128xi32, #tpu.memory_space<vmem>>
        %dma_start3A_30 = arith.constant 0 : i32
        %dma_start3A_31 = arith.constant 0 : i32
        %dma_start3A_32 = tpu.memref_slice %arg10[%dma_start3A_30, %dma_start3A_31] : memref<10256x128xf32, #tpu.memory_space<vmem_shared>> -> memref<10256x128xf32, #tpu.memory_space<vmem_shared>>
        tpu.enqueue_indirect_dma source(%arg9 : memref<128x128xf32, #tpu.memory_space<vmem>>) target(%dma_start3A_32 : memref<10256x128xf32, #tpu.memory_space<vmem_shared>>) offsets(%dma_start3A_29 : memref<128xi32, #tpu.memory_space<vmem>>) semaphore(%run_scoped3A : memref<!tpu.dma_semaphore, #tpu.memory_space<semaphore_mem>>) {add = true}
        %dma_wait3A_33 = arith.constant 0 : i32
        %dma_wait3A_34 = tpu.memref_slice %arg8[%scan3A_16, %dma_wait3A_33] : memref<80x128xi32, #tpu.memory_space<vmem>> -> memref<1x128xi32, #tpu.memory_space<vmem>>
        %dma_wait3A_35 = tpu.memref_squeeze %dma_wait3A_34 : memref<1x128xi32, #tpu.memory_space<vmem>> -> memref<128xi32, #tpu.memory_space<vmem>>
        %dma_wait3A_36 = arith.constant 0 : i32
        %dma_wait3A_37 = arith.constant 0 : i32
        %dma_wait3A_38 = tpu.memref_slice %arg10[%dma_wait3A_36, %dma_wait3A_37] : memref<10256x128xf32, #tpu.memory_space<vmem_shared>> -> memref<10256x128xf32, #tpu.memory_space<vmem_shared>>
        tpu.wait_indirect_dma semaphore(%run_scoped3A : memref<!tpu.dma_semaphore, #tpu.memory_space<semaphore_mem>>) src(%arg9 : memref<128x128xf32, #tpu.memory_space<vmem>>) dst(%dma_wait3A_38 : memref<10256x128xf32, #tpu.memory_space<vmem_shared>>)
        tpu.yield
      }) : () -> ()
    }
    %scan3A_9 = arith.constant 80 : i32
    %barrier3A_10 = arith.constant 0 : index
    tpu.barrier barrier_id(%barrier3A_10)
    "tpu.region"() ({
      %run_scoped3A = tpu.sem_alloc : memref<!tpu.dma_semaphore, #tpu.memory_space<semaphore_mem>>
      %dma_start3A = arith.constant 0 : i32
      %dma_start3A_16 = tpu.memref_slice %arg6[%arg0, %mul3A_2, %dma_start3A] : memref<2x10000x128xf32, #tpu.memory_space<hbm>> -> memref<1x624x128xf32, #tpu.memory_space<hbm>>
      %dma_start3A_17 = tpu.memref_squeeze %dma_start3A_16 : memref<1x624x128xf32, #tpu.memory_space<hbm>> -> memref<624x128xf32, #tpu.memory_space<hbm>>
      %dma_start3A_18 = arith.constant 0 : i32
      %dma_start3A_19 = tpu.memref_slice %arg10[%mul3A_2, %dma_start3A_18] : memref<10256x128xf32, #tpu.memory_space<vmem_shared>> -> memref<624x128xf32, #tpu.memory_space<vmem_shared>>
      tpu.enqueue_dma source(%dma_start3A_19 : memref<624x128xf32, #tpu.memory_space<vmem_shared>>) target(%dma_start3A_17 : memref<624x128xf32, #tpu.memory_space<hbm>>) target_semaphore(%run_scoped3A : memref<!tpu.dma_semaphore, #tpu.memory_space<semaphore_mem>>)
      %dma_wait3A = arith.constant 0 : i32
      %dma_wait3A_20 = tpu.memref_slice %arg6[%arg0, %mul3A_2, %dma_wait3A] : memref<2x10000x128xf32, #tpu.memory_space<hbm>> -> memref<1x624x128xf32, #tpu.memory_space<hbm>>
      %dma_wait3A_21 = tpu.memref_squeeze %dma_wait3A_20 : memref<1x624x128xf32, #tpu.memory_space<hbm>> -> memref<624x128xf32, #tpu.memory_space<hbm>>
      %dma_wait3A_22 = arith.constant 0 : i32
      %dma_wait3A_23 = tpu.memref_slice %arg10[%mul3A_2, %dma_wait3A_22] : memref<10256x128xf32, #tpu.memory_space<vmem_shared>> -> memref<624x128xf32, #tpu.memory_space<vmem_shared>>
      tpu.wait_dma2 semaphore(%run_scoped3A : memref<!tpu.dma_semaphore, #tpu.memory_space<semaphore_mem>>) src(%dma_wait3A_23 : memref<624x128xf32, #tpu.memory_space<vmem_shared>>) dst(%dma_wait3A_21 : memref<624x128xf32, #tpu.memory_space<hbm>>)
      tpu.yield
    }) : () -> ()
    %eq3A_11 = arith.constant 15 : i32
    %eq3A_12 = arith.cmpi eq, %arg1, %eq3A_11 : i32
    %convert_element_type3A_13 = arith.extui %eq3A_12 : i1 to i32
    %cond3A_14 = arith.constant 0 : i32
    %cond3A_15 = arith.cmpi ne, %convert_element_type3A_13, %cond3A_14 : i32
    scf.if %cond3A_15 {
      "tpu.region"() ({
        %run_scoped3A = tpu.sem_alloc : memref<!tpu.dma_semaphore, #tpu.memory_space<semaphore_mem>>
        %dma_start3A = arith.constant 9984 : i32
        %dma_start3A_16 = arith.constant 0 : i32
        %dma_start3A_17 = tpu.memref_slice %arg6[%arg0, %dma_start3A, %dma_start3A_16] : memref<2x10000x128xf32, #tpu.memory_space<hbm>> -> memref<1x16x128xf32, #tpu.memory_space<hbm>>
        %dma_start3A_18 = tpu.memref_squeeze %dma_start3A_17 : memref<1x16x128xf32, #tpu.memory_space<hbm>> -> memref<16x128xf32, #tpu.memory_space<hbm>>
        %dma_start3A_19 = arith.constant 9984 : i32
        %dma_start3A_20 = arith.constant 0 : i32
        %dma_start3A_21 = tpu.memref_slice %arg10[%dma_start3A_19, %dma_start3A_20] : memref<10256x128xf32, #tpu.memory_space<vmem_shared>> -> memref<16x128xf32, #tpu.memory_space<vmem_shared>>
        tpu.enqueue_dma source(%dma_start3A_21 : memref<16x128xf32, #tpu.memory_space<vmem_shared>>) target(%dma_start3A_18 : memref<16x128xf32, #tpu.memory_space<hbm>>) target_semaphore(%run_scoped3A : memref<!tpu.dma_semaphore, #tpu.memory_space<semaphore_mem>>)
        %dma_wait3A = arith.constant 9984 : i32
        %dma_wait3A_22 = arith.constant 0 : i32
        %dma_wait3A_23 = tpu.memref_slice %arg6[%arg0, %dma_wait3A, %dma_wait3A_22] : memref<2x10000x128xf32, #tpu.memory_space<hbm>> -> memref<1x16x128xf32, #tpu.memory_space<hbm>>
        %dma_wait3A_24 = tpu.memref_squeeze %dma_wait3A_23 : memref<1x16x128xf32, #tpu.memory_space<hbm>> -> memref<16x128xf32, #tpu.memory_space<hbm>>
        %dma_wait3A_25 = arith.constant 9984 : i32
        %dma_wait3A_26 = arith.constant 0 : i32
        %dma_wait3A_27 = tpu.memref_slice %arg10[%dma_wait3A_25, %dma_wait3A_26] : memref<10256x128xf32, #tpu.memory_space<vmem_shared>> -> memref<16x128xf32, #tpu.memory_space<vmem_shared>>
        tpu.wait_dma2 semaphore(%run_scoped3A : memref<!tpu.dma_semaphore, #tpu.memory_space<semaphore_mem>>) src(%dma_wait3A_27 : memref<16x128xf32, #tpu.memory_space<vmem_shared>>) dst(%dma_wait3A_24 : memref<16x128xf32, #tpu.memory_space<hbm>>)
        tpu.yield
      }) : () -> ()
    } else {
    }
    return
  }
}

#map = affine_map<(d0, d1) -> (0, 0)>
#map1 = affine_map<(d0, d1) -> (0, 0, 0)>
module attributes {stable_mosaic.version = 14 : i64} {
  func.func @k(%arg0: i32, %arg1: i32, %arg2: memref<10000x128xf32, #tpu.memory_space<hbm>>, %arg3: memref<32x80x128xi32, #tpu.memory_space<hbm>>, %arg4: memref<32x80x128xi32, #tpu.memory_space<hbm>>, %arg5: memref<624x128xf32, #tpu.memory_space<hbm>>, %arg6: memref<2x10000x128xf32, #tpu.memory_space<hbm>>, %arg7: memref<80x128xi32, #tpu.memory_space<vmem>>, %arg8: memref<80x128xi32, #tpu.memory_space<vmem>>, %arg9: memref<128x128xf32, #tpu.memory_space<vmem>>, %arg10: memref<10256x128xf32, #tpu.memory_space<vmem_shared>>, %arg11: memref<!tpu.dma_semaphore, #tpu.memory_space<semaphore_mem>>) attributes {dimension_semantics = [#tpu.dimension_semantics<core_parallel>, #tpu.dimension_semantics<subcore_parallel>], iteration_bounds = array<i64: 2, 16>, scalar_prefetch = 0 : i64, scratch_operands = 5 : i64, tpu.core_type = #tpu.core_type<sc_vector_subcore>, window_params = [{transform_indices = #map}, {transform_indices = #map1}, {transform_indices = #map1}, {transform_indices = #map}, {transform_indices = #map1}]} {
    %mul3A = arith.constant 16 : i32
    %mul3A_0 = arith.muli %arg0, %mul3A : i32
    %add3A = arith.addi %mul3A_0, %arg1 : i32
    %mul3A_1 = arith.constant 624 : i32
    %mul3A_2 = arith.muli %arg1, %mul3A_1 : i32
    "tpu.region"() ({
      %run_scoped3A = tpu.sem_alloc : memref<!tpu.dma_semaphore, #tpu.memory_space<semaphore_mem>>
      %dma_start3A = arith.constant 0 : i32
      %dma_start3A_16 = arith.constant 0 : i32
      %dma_start3A_17 = tpu.memref_slice %arg3[%add3A, %dma_start3A, %dma_start3A_16] : memref<32x80x128xi32, #tpu.memory_space<hbm>> -> memref<1x80x128xi32, #tpu.memory_space<hbm>>
      %dma_start3A_18 = tpu.memref_squeeze %dma_start3A_17 : memref<1x80x128xi32, #tpu.memory_space<hbm>> -> memref<80x128xi32, #tpu.memory_space<hbm>>
      %dma_start3A_19 = arith.constant 0 : i32
      %dma_start3A_20 = arith.constant 0 : i32
      %dma_start3A_21 = tpu.memref_slice %arg3[%add3A, %dma_start3A_19, %dma_start3A_20] : memref<32x80x128xi32, #tpu.memory_space<hbm>> -> memref<1x80x128xi32, #tpu.memory_space<hbm>>
      %dma_start3A_22 = tpu.memref_squeeze %dma_start3A_21 : memref<1x80x128xi32, #tpu.memory_space<hbm>> -> memref<80x128xi32, #tpu.memory_space<hbm>>
      tpu.enqueue_dma source(%dma_start3A_22 : memref<80x128xi32, #tpu.memory_space<hbm>>) target(%arg7 : memref<80x128xi32, #tpu.memory_space<vmem>>) target_semaphore(%run_scoped3A : memref<!tpu.dma_semaphore, #tpu.memory_space<semaphore_mem>>)
      %dma_wait3A = arith.constant 0 : i32
      %dma_wait3A_23 = arith.constant 0 : i32
      %dma_wait3A_24 = tpu.memref_slice %arg3[%add3A, %dma_wait3A, %dma_wait3A_23] : memref<32x80x128xi32, #tpu.memory_space<hbm>> -> memref<1x80x128xi32, #tpu.memory_space<hbm>>
      %dma_wait3A_25 = tpu.memref_squeeze %dma_wait3A_24 : memref<1x80x128xi32, #tpu.memory_space<hbm>> -> memref<80x128xi32, #tpu.memory_space<hbm>>
      %dma_wait3A_26 = arith.constant 0 : i32
      %dma_wait3A_27 = arith.constant 0 : i32
      %dma_wait3A_28 = tpu.memref_slice %arg3[%add3A, %dma_wait3A_26, %dma_wait3A_27] : memref<32x80x128xi32, #tpu.memory_space<hbm>> -> memref<1x80x128xi32, #tpu.memory_space<hbm>>
      %dma_wait3A_29 = tpu.memref_squeeze %dma_wait3A_28 : memref<1x80x128xi32, #tpu.memory_space<hbm>> -> memref<80x128xi32, #tpu.memory_space<hbm>>
      tpu.wait_dma2 semaphore(%run_scoped3A : memref<!tpu.dma_semaphore, #tpu.memory_space<semaphore_mem>>) src(%dma_wait3A_29 : memref<80x128xi32, #tpu.memory_space<hbm>>) dst(%arg7 : memref<80x128xi32, #tpu.memory_space<vmem>>)
      tpu.yield
    }) : () -> ()
    "tpu.region"() ({
      %run_scoped3A = tpu.sem_alloc : memref<!tpu.dma_semaphore, #tpu.memory_space<semaphore_mem>>
      %dma_start3A = arith.constant 0 : i32
      %dma_start3A_16 = arith.constant 0 : i32
      %dma_start3A_17 = tpu.memref_slice %arg4[%add3A, %dma_start3A, %dma_start3A_16] : memref<32x80x128xi32, #tpu.memory_space<hbm>> -> memref<1x80x128xi32, #tpu.memory_space<hbm>>
      %dma_start3A_18 = tpu.memref_squeeze %dma_start3A_17 : memref<1x80x128xi32, #tpu.memory_space<hbm>> -> memref<80x128xi32, #tpu.memory_space<hbm>>
      %dma_start3A_19 = arith.constant 0 : i32
      %dma_start3A_20 = arith.constant 0 : i32
      %dma_start3A_21 = tpu.memref_slice %arg4[%add3A, %dma_start3A_19, %dma_start3A_20] : memref<32x80x128xi32, #tpu.memory_space<hbm>> -> memref<1x80x128xi32, #tpu.memory_space<hbm>>
      %dma_start3A_22 = tpu.memref_squeeze %dma_start3A_21 : memref<1x80x128xi32, #tpu.memory_space<hbm>> -> memref<80x128xi32, #tpu.memory_space<hbm>>
      tpu.enqueue_dma source(%dma_start3A_22 : memref<80x128xi32, #tpu.memory_space<hbm>>) target(%arg8 : memref<80x128xi32, #tpu.memory_space<vmem>>) target_semaphore(%run_scoped3A : memref<!tpu.dma_semaphore, #tpu.memory_space<semaphore_mem>>)
      %dma_wait3A = arith.constant 0 : i32
      %dma_wait3A_23 = arith.constant 0 : i32
      %dma_wait3A_24 = tpu.memref_slice %arg4[%add3A, %dma_wait3A, %dma_wait3A_23] : memref<32x80x128xi32, #tpu.memory_space<hbm>> -> memref<1x80x128xi32, #tpu.memory_space<hbm>>
      %dma_wait3A_25 = tpu.memref_squeeze %dma_wait3A_24 : memref<1x80x128xi32, #tpu.memory_space<hbm>> -> memref<80x128xi32, #tpu.memory_space<hbm>>
      %dma_wait3A_26 = arith.constant 0 : i32
      %dma_wait3A_27 = arith.constant 0 : i32
      %dma_wait3A_28 = tpu.memref_slice %arg4[%add3A, %dma_wait3A_26, %dma_wait3A_27] : memref<32x80x128xi32, #tpu.memory_space<hbm>> -> memref<1x80x128xi32, #tpu.memory_space<hbm>>
      %dma_wait3A_29 = tpu.memref_squeeze %dma_wait3A_28 : memref<1x80x128xi32, #tpu.memory_space<hbm>> -> memref<80x128xi32, #tpu.memory_space<hbm>>
      tpu.wait_dma2 semaphore(%run_scoped3A : memref<!tpu.dma_semaphore, #tpu.memory_space<semaphore_mem>>) src(%dma_wait3A_29 : memref<80x128xi32, #tpu.memory_space<hbm>>) dst(%arg8 : memref<80x128xi32, #tpu.memory_space<vmem>>)
      tpu.yield
    }) : () -> ()
    "tpu.region"() ({
      %run_scoped3A = tpu.sem_alloc : memref<!tpu.dma_semaphore, #tpu.memory_space<semaphore_mem>>
      %dma_start3A = arith.constant 0 : i32
      %dma_start3A_16 = tpu.memref_slice %arg10[%mul3A_2, %dma_start3A] : memref<10256x128xf32, #tpu.memory_space<vmem_shared>> -> memref<624x128xf32, #tpu.memory_space<vmem_shared>>
      %dma_start3A_17 = arith.constant 0 : i32
      %dma_start3A_18 = arith.constant 0 : i32
      %dma_start3A_19 = tpu.memref_slice %arg5[%dma_start3A_17, %dma_start3A_18] : memref<624x128xf32, #tpu.memory_space<hbm>> -> memref<624x128xf32, #tpu.memory_space<hbm>>
      tpu.enqueue_dma source(%dma_start3A_19 : memref<624x128xf32, #tpu.memory_space<hbm>>) target(%dma_start3A_16 : memref<624x128xf32, #tpu.memory_space<vmem_shared>>) target_semaphore(%run_scoped3A : memref<!tpu.dma_semaphore, #tpu.memory_space<semaphore_mem>>)
      %dma_wait3A = arith.constant 0 : i32
      %dma_wait3A_20 = tpu.memref_slice %arg10[%mul3A_2, %dma_wait3A] : memref<10256x128xf32, #tpu.memory_space<vmem_shared>> -> memref<624x128xf32, #tpu.memory_space<vmem_shared>>
      %dma_wait3A_21 = arith.constant 0 : i32
      %dma_wait3A_22 = arith.constant 0 : i32
      %dma_wait3A_23 = tpu.memref_slice %arg5[%dma_wait3A_21, %dma_wait3A_22] : memref<624x128xf32, #tpu.memory_space<hbm>> -> memref<624x128xf32, #tpu.memory_space<hbm>>
      tpu.wait_dma2 semaphore(%run_scoped3A : memref<!tpu.dma_semaphore, #tpu.memory_space<semaphore_mem>>) src(%dma_wait3A_23 : memref<624x128xf32, #tpu.memory_space<hbm>>) dst(%dma_wait3A_20 : memref<624x128xf32, #tpu.memory_space<vmem_shared>>)
      tpu.yield
    }) : () -> ()
    %eq3A = arith.constant 15 : i32
    %eq3A_3 = arith.cmpi eq, %arg1, %eq3A : i32
    %convert_element_type3A = arith.extui %eq3A_3 : i1 to i32
    %cond3A = arith.constant 0 : i32
    %cond3A_4 = arith.cmpi ne, %convert_element_type3A, %cond3A : i32
    scf.if %cond3A_4 {
      "tpu.region"() ({
        %run_scoped3A = tpu.sem_alloc : memref<!tpu.dma_semaphore, #tpu.memory_space<semaphore_mem>>
        %dma_start3A = arith.constant 9984 : i32
        %dma_start3A_16 = arith.constant 0 : i32
        %dma_start3A_17 = tpu.memref_slice %arg10[%dma_start3A, %dma_start3A_16] : memref<10256x128xf32, #tpu.memory_space<vmem_shared>> -> memref<16x128xf32, #tpu.memory_space<vmem_shared>>
        %dma_start3A_18 = arith.constant 0 : i32
        %dma_start3A_19 = arith.constant 0 : i32
        %dma_start3A_20 = tpu.memref_slice %arg5[%dma_start3A_18, %dma_start3A_19] : memref<624x128xf32, #tpu.memory_space<hbm>> -> memref<16x128xf32, #tpu.memory_space<hbm>>
        tpu.enqueue_dma source(%dma_start3A_20 : memref<16x128xf32, #tpu.memory_space<hbm>>) target(%dma_start3A_17 : memref<16x128xf32, #tpu.memory_space<vmem_shared>>) target_semaphore(%run_scoped3A : memref<!tpu.dma_semaphore, #tpu.memory_space<semaphore_mem>>)
        %dma_wait3A = arith.constant 9984 : i32
        %dma_wait3A_21 = arith.constant 0 : i32
        %dma_wait3A_22 = tpu.memref_slice %arg10[%dma_wait3A, %dma_wait3A_21] : memref<10256x128xf32, #tpu.memory_space<vmem_shared>> -> memref<16x128xf32, #tpu.memory_space<vmem_shared>>
        %dma_wait3A_23 = arith.constant 0 : i32
        %dma_wait3A_24 = arith.constant 0 : i32
        %dma_wait3A_25 = tpu.memref_slice %arg5[%dma_wait3A_23, %dma_wait3A_24] : memref<624x128xf32, #tpu.memory_space<hbm>> -> memref<16x128xf32, #tpu.memory_space<hbm>>
        tpu.wait_dma2 semaphore(%run_scoped3A : memref<!tpu.dma_semaphore, #tpu.memory_space<semaphore_mem>>) src(%dma_wait3A_25 : memref<16x128xf32, #tpu.memory_space<hbm>>) dst(%dma_wait3A_22 : memref<16x128xf32, #tpu.memory_space<vmem_shared>>)
        tpu.yield
      }) : () -> ()
    } else {
    }
    %barrier3A = arith.constant 0 : index
    tpu.barrier barrier_id(%barrier3A)
    %scan3A = arith.constant 0 : i32
    %scan3A_5 = arith.constant 0 : i32
    %scan3A_6 = arith.constant 80 : i32
    %scan3A_7 = arith.addi %scan3A_5, %scan3A_6 : i32
    %scan3A_8 = arith.constant 1 : i32
    scf.for %scan3A_16 = %scan3A_5 to %scan3A_7 step %scan3A_8  : i32 {
      %dma_start3A = arith.constant 0 : i32
      %dma_start3A_17 = tpu.memref_slice %arg7[%scan3A_16, %dma_start3A] : memref<80x128xi32, #tpu.memory_space<vmem>> -> memref<1x128xi32, #tpu.memory_space<vmem>>
      %dma_start3A_18 = tpu.memref_squeeze %dma_start3A_17 : memref<1x128xi32, #tpu.memory_space<vmem>> -> memref<128xi32, #tpu.memory_space<vmem>>
      %dma_start3A_19 = arith.constant 0 : i32
      %dma_start3A_20 = arith.constant 0 : i32
      %dma_start3A_21 = tpu.memref_slice %arg2[%dma_start3A_19, %dma_start3A_20] : memref<10000x128xf32, #tpu.memory_space<hbm>> -> memref<10000x128xf32, #tpu.memory_space<hbm>>
      tpu.enqueue_indirect_dma source(%dma_start3A_21 : memref<10000x128xf32, #tpu.memory_space<hbm>>) target(%arg9 : memref<128x128xf32, #tpu.memory_space<vmem>>) offsets(%dma_start3A_18 : memref<128xi32, #tpu.memory_space<vmem>>) semaphore(%arg11 : memref<!tpu.dma_semaphore, #tpu.memory_space<semaphore_mem>>)
      %dma_wait3A = arith.constant 0 : i32
      %dma_wait3A_22 = tpu.memref_slice %arg7[%scan3A_16, %dma_wait3A] : memref<80x128xi32, #tpu.memory_space<vmem>> -> memref<1x128xi32, #tpu.memory_space<vmem>>
      %dma_wait3A_23 = tpu.memref_squeeze %dma_wait3A_22 : memref<1x128xi32, #tpu.memory_space<vmem>> -> memref<128xi32, #tpu.memory_space<vmem>>
      %dma_wait3A_24 = arith.constant 0 : i32
      %dma_wait3A_25 = arith.constant 0 : i32
      %dma_wait3A_26 = tpu.memref_slice %arg2[%dma_wait3A_24, %dma_wait3A_25] : memref<10000x128xf32, #tpu.memory_space<hbm>> -> memref<10000x128xf32, #tpu.memory_space<hbm>>
      tpu.wait_indirect_dma semaphore(%arg11 : memref<!tpu.dma_semaphore, #tpu.memory_space<semaphore_mem>>) src(%dma_wait3A_26 : memref<10000x128xf32, #tpu.memory_space<hbm>>) dst(%arg9 : memref<128x128xf32, #tpu.memory_space<vmem>>)
      "tpu.region"() ({
        %run_scoped3A = tpu.sem_alloc : memref<!tpu.dma_semaphore, #tpu.memory_space<semaphore_mem>>
        %dma_start3A_27 = arith.constant 0 : i32
        %dma_start3A_28 = tpu.memref_slice %arg8[%scan3A_16, %dma_start3A_27] : memref<80x128xi32, #tpu.memory_space<vmem>> -> memref<1x128xi32, #tpu.memory_space<vmem>>
        %dma_start3A_29 = tpu.memref_squeeze %dma_start3A_28 : memref<1x128xi32, #tpu.memory_space<vmem>> -> memref<128xi32, #tpu.memory_space<vmem>>
        %dma_start3A_30 = arith.constant 0 : i32
        %dma_start3A_31 = arith.constant 0 : i32
        %dma_start3A_32 = tpu.memref_slice %arg10[%dma_start3A_30, %dma_start3A_31] : memref<10256x128xf32, #tpu.memory_space<vmem_shared>> -> memref<10256x128xf32, #tpu.memory_space<vmem_shared>>
        tpu.enqueue_indirect_dma source(%arg9 : memref<128x128xf32, #tpu.memory_space<vmem>>) target(%dma_start3A_32 : memref<10256x128xf32, #tpu.memory_space<vmem_shared>>) offsets(%dma_start3A_29 : memref<128xi32, #tpu.memory_space<vmem>>) semaphore(%run_scoped3A : memref<!tpu.dma_semaphore, #tpu.memory_space<semaphore_mem>>) {add = true}
        %dma_wait3A_33 = arith.constant 0 : i32
        %dma_wait3A_34 = tpu.memref_slice %arg8[%scan3A_16, %dma_wait3A_33] : memref<80x128xi32, #tpu.memory_space<vmem>> -> memref<1x128xi32, #tpu.memory_space<vmem>>
        %dma_wait3A_35 = tpu.memref_squeeze %dma_wait3A_34 : memref<1x128xi32, #tpu.memory_space<vmem>> -> memref<128xi32, #tpu.memory_space<vmem>>
        %dma_wait3A_36 = arith.constant 0 : i32
        %dma_wait3A_37 = arith.constant 0 : i32
        %dma_wait3A_38 = tpu.memref_slice %arg10[%dma_wait3A_36, %dma_wait3A_37] : memref<10256x128xf32, #tpu.memory_space<vmem_shared>> -> memref<10256x128xf32, #tpu.memory_space<vmem_shared>>
        tpu.wait_indirect_dma semaphore(%run_scoped3A : memref<!tpu.dma_semaphore, #tpu.memory_space<semaphore_mem>>) src(%arg9 : memref<128x128xf32, #tpu.memory_space<vmem>>) dst(%dma_wait3A_38 : memref<10256x128xf32, #tpu.memory_space<vmem_shared>>)
        tpu.yield
      }) : () -> ()
    }
    %scan3A_9 = arith.constant 80 : i32
    %barrier3A_10 = arith.constant 0 : index
    tpu.barrier barrier_id(%barrier3A_10)
    "tpu.region"() ({
      %run_scoped3A = tpu.sem_alloc : memref<!tpu.dma_semaphore, #tpu.memory_space<semaphore_mem>>
      %dma_start3A = arith.constant 0 : i32
      %dma_start3A_16 = tpu.memref_slice %arg6[%arg0, %mul3A_2, %dma_start3A] : memref<2x10000x128xf32, #tpu.memory_space<hbm>> -> memref<1x624x128xf32, #tpu.memory_space<hbm>>
      %dma_start3A_17 = tpu.memref_squeeze %dma_start3A_16 : memref<1x624x128xf32, #tpu.memory_space<hbm>> -> memref<624x128xf32, #tpu.memory_space<hbm>>
      %dma_start3A_18 = arith.constant 0 : i32
      %dma_start3A_19 = tpu.memref_slice %arg10[%mul3A_2, %dma_start3A_18] : memref<10256x128xf32, #tpu.memory_space<vmem_shared>> -> memref<624x128xf32, #tpu.memory_space<vmem_shared>>
      tpu.enqueue_dma source(%dma_start3A_19 : memref<624x128xf32, #tpu.memory_space<vmem_shared>>) target(%dma_start3A_17 : memref<624x128xf32, #tpu.memory_space<hbm>>) target_semaphore(%run_scoped3A : memref<!tpu.dma_semaphore, #tpu.memory_space<semaphore_mem>>)
      %dma_wait3A = arith.constant 0 : i32
      %dma_wait3A_20 = tpu.memref_slice %arg6[%arg0, %mul3A_2, %dma_wait3A] : memref<2x10000x128xf32, #tpu.memory_space<hbm>> -> memref<1x624x128xf32, #tpu.memory_space<hbm>>
      %dma_wait3A_21 = tpu.memref_squeeze %dma_wait3A_20 : memref<1x624x128xf32, #tpu.memory_space<hbm>> -> memref<624x128xf32, #tpu.memory_space<hbm>>
      %dma_wait3A_22 = arith.constant 0 : i32
      %dma_wait3A_23 = tpu.memref_slice %arg10[%mul3A_2, %dma_wait3A_22] : memref<10256x128xf32, #tpu.memory_space<vmem_shared>> -> memref<624x128xf32, #tpu.memory_space<vmem_shared>>
      tpu.wait_dma2 semaphore(%run_scoped3A : memref<!tpu.dma_semaphore, #tpu.memory_space<semaphore_mem>>) src(%dma_wait3A_23 : memref<624x128xf32, #tpu.memory_space<vmem_shared>>) dst(%dma_wait3A_21 : memref<624x128xf32, #tpu.memory_space<hbm>>)
      tpu.yield
    }) : () -> ()
    %eq3A_11 = arith.constant 15 : i32
    %eq3A_12 = arith.cmpi eq, %arg1, %eq3A_11 : i32
    %convert_element_type3A_13 = arith.extui %eq3A_12 : i1 to i32
    %cond3A_14 = arith.constant 0 : i32
    %cond3A_15 = arith.cmpi ne, %convert_element_type3A_13, %cond3A_14 : i32
    scf.if %cond3A_15 {
      "tpu.region"() ({
        %run_scoped3A = tpu.sem_alloc : memref<!tpu.dma_semaphore, #tpu.memory_space<semaphore_mem>>
        %dma_start3A = arith.constant 9984 : i32
        %dma_start3A_16 = arith.constant 0 : i32
        %dma_start3A_17 = tpu.memref_slice %arg6[%arg0, %dma_start3A, %dma_start3A_16] : memref<2x10000x128xf32, #tpu.memory_space<hbm>> -> memref<1x16x128xf32, #tpu.memory_space<hbm>>
        %dma_start3A_18 = tpu.memref_squeeze %dma_start3A_17 : memref<1x16x128xf32, #tpu.memory_space<hbm>> -> memref<16x128xf32, #tpu.memory_space<hbm>>
        %dma_start3A_19 = arith.constant 9984 : i32
        %dma_start3A_20 = arith.constant 0 : i32
        %dma_start3A_21 = tpu.memref_slice %arg10[%dma_start3A_19, %dma_start3A_20] : memref<10256x128xf32, #tpu.memory_space<vmem_shared>> -> memref<16x128xf32, #tpu.memory_space<vmem_shared>>
        tpu.enqueue_dma source(%dma_start3A_21 : memref<16x128xf32, #tpu.memory_space<vmem_shared>>) target(%dma_start3A_18 : memref<16x128xf32, #tpu.memory_space<hbm>>) target_semaphore(%run_scoped3A : memref<!tpu.dma_semaphore, #tpu.memory_space<semaphore_mem>>)
        %dma_wait3A = arith.constant 9984 : i32
        %dma_wait3A_22 = arith.constant 0 : i32
        %dma_wait3A_23 = tpu.memref_slice %arg6[%arg0, %dma_wait3A, %dma_wait3A_22] : memref<2x10000x128xf32, #tpu.memory_space<hbm>> -> memref<1x16x128xf32, #tpu.memory_space<hbm>>
        %dma_wait3A_24 = tpu.memref_squeeze %dma_wait3A_23 : memref<1x16x128xf32, #tpu.memory_space<hbm>> -> memref<16x128xf32, #tpu.memory_space<hbm>>
        %dma_wait3A_25 = arith.constant 9984 : i32
        %dma_wait3A_26 = arith.constant 0 : i32
        %dma_wait3A_27 = tpu.memref_slice %arg10[%dma_wait3A_25, %dma_wait3A_26] : memref<10256x128xf32, #tpu.memory_space<vmem_shared>> -> memref<16x128xf32, #tpu.memory_space<vmem_shared>>
        tpu.wait_dma2 semaphore(%run_scoped3A : memref<!tpu.dma_semaphore, #tpu.memory_space<semaphore_mem>>) src(%dma_wait3A_27 : memref<16x128xf32, #tpu.memory_space<vmem_shared>>) dst(%dma_wait3A_24 : memref<16x128xf32, #tpu.memory_space<hbm>>)
        tpu.yield
      }) : () -> ()
    } else {
    }
    return
  }
}

#map = affine_map<(d0, d1) -> (0, 0)>
#map1 = affine_map<(d0, d1) -> (0, 0, 0)>
module attributes {stable_mosaic.version = 14 : i64} {
  func.func @k(%arg0: i32, %arg1: i32, %arg2: memref<10000x128xf32, #tpu.memory_space<hbm>>, %arg3: memref<32x80x128xi32, #tpu.memory_space<hbm>>, %arg4: memref<32x80x128xi32, #tpu.memory_space<hbm>>, %arg5: memref<624x128xf32, #tpu.memory_space<hbm>>, %arg6: memref<2x10000x128xf32, #tpu.memory_space<hbm>>, %arg7: memref<80x128xi32, #tpu.memory_space<vmem>>, %arg8: memref<80x128xi32, #tpu.memory_space<vmem>>, %arg9: memref<128x128xf32, #tpu.memory_space<vmem>>, %arg10: memref<10256x128xf32, #tpu.memory_space<vmem_shared>>, %arg11: memref<!tpu.dma_semaphore, #tpu.memory_space<semaphore_mem>>) attributes {dimension_semantics = [#tpu.dimension_semantics<core_parallel>, #tpu.dimension_semantics<subcore_parallel>], iteration_bounds = array<i64: 2, 16>, scalar_prefetch = 0 : i64, scratch_operands = 5 : i64, tpu.core_type = #tpu.core_type<sc_vector_subcore>, window_params = [{transform_indices = #map}, {transform_indices = #map1}, {transform_indices = #map1}, {transform_indices = #map}, {transform_indices = #map1}]} {
    %mul3A = arith.constant 16 : i32
    %mul3A_0 = arith.muli %arg0, %mul3A : i32
    %add3A = arith.addi %mul3A_0, %arg1 : i32
    %mul3A_1 = arith.constant 624 : i32
    %mul3A_2 = arith.muli %arg1, %mul3A_1 : i32
    "tpu.region"() ({
      %run_scoped3A = tpu.sem_alloc : memref<!tpu.dma_semaphore, #tpu.memory_space<semaphore_mem>>
      %dma_start3A = arith.constant 0 : i32
      %dma_start3A_16 = arith.constant 0 : i32
      %dma_start3A_17 = tpu.memref_slice %arg3[%add3A, %dma_start3A, %dma_start3A_16] : memref<32x80x128xi32, #tpu.memory_space<hbm>> -> memref<1x80x128xi32, #tpu.memory_space<hbm>>
      %dma_start3A_18 = tpu.memref_squeeze %dma_start3A_17 : memref<1x80x128xi32, #tpu.memory_space<hbm>> -> memref<80x128xi32, #tpu.memory_space<hbm>>
      %dma_start3A_19 = arith.constant 0 : i32
      %dma_start3A_20 = arith.constant 0 : i32
      %dma_start3A_21 = tpu.memref_slice %arg3[%add3A, %dma_start3A_19, %dma_start3A_20] : memref<32x80x128xi32, #tpu.memory_space<hbm>> -> memref<1x80x128xi32, #tpu.memory_space<hbm>>
      %dma_start3A_22 = tpu.memref_squeeze %dma_start3A_21 : memref<1x80x128xi32, #tpu.memory_space<hbm>> -> memref<80x128xi32, #tpu.memory_space<hbm>>
      tpu.enqueue_dma source(%dma_start3A_22 : memref<80x128xi32, #tpu.memory_space<hbm>>) target(%arg7 : memref<80x128xi32, #tpu.memory_space<vmem>>) target_semaphore(%run_scoped3A : memref<!tpu.dma_semaphore, #tpu.memory_space<semaphore_mem>>)
      %dma_wait3A = arith.constant 0 : i32
      %dma_wait3A_23 = arith.constant 0 : i32
      %dma_wait3A_24 = tpu.memref_slice %arg3[%add3A, %dma_wait3A, %dma_wait3A_23] : memref<32x80x128xi32, #tpu.memory_space<hbm>> -> memref<1x80x128xi32, #tpu.memory_space<hbm>>
      %dma_wait3A_25 = tpu.memref_squeeze %dma_wait3A_24 : memref<1x80x128xi32, #tpu.memory_space<hbm>> -> memref<80x128xi32, #tpu.memory_space<hbm>>
      %dma_wait3A_26 = arith.constant 0 : i32
      %dma_wait3A_27 = arith.constant 0 : i32
      %dma_wait3A_28 = tpu.memref_slice %arg3[%add3A, %dma_wait3A_26, %dma_wait3A_27] : memref<32x80x128xi32, #tpu.memory_space<hbm>> -> memref<1x80x128xi32, #tpu.memory_space<hbm>>
      %dma_wait3A_29 = tpu.memref_squeeze %dma_wait3A_28 : memref<1x80x128xi32, #tpu.memory_space<hbm>> -> memref<80x128xi32, #tpu.memory_space<hbm>>
      tpu.wait_dma2 semaphore(%run_scoped3A : memref<!tpu.dma_semaphore, #tpu.memory_space<semaphore_mem>>) src(%dma_wait3A_29 : memref<80x128xi32, #tpu.memory_space<hbm>>) dst(%arg7 : memref<80x128xi32, #tpu.memory_space<vmem>>)
      tpu.yield
    }) : () -> ()
    "tpu.region"() ({
      %run_scoped3A = tpu.sem_alloc : memref<!tpu.dma_semaphore, #tpu.memory_space<semaphore_mem>>
      %dma_start3A = arith.constant 0 : i32
      %dma_start3A_16 = arith.constant 0 : i32
      %dma_start3A_17 = tpu.memref_slice %arg4[%add3A, %dma_start3A, %dma_start3A_16] : memref<32x80x128xi32, #tpu.memory_space<hbm>> -> memref<1x80x128xi32, #tpu.memory_space<hbm>>
      %dma_start3A_18 = tpu.memref_squeeze %dma_start3A_17 : memref<1x80x128xi32, #tpu.memory_space<hbm>> -> memref<80x128xi32, #tpu.memory_space<hbm>>
      %dma_start3A_19 = arith.constant 0 : i32
      %dma_start3A_20 = arith.constant 0 : i32
      %dma_start3A_21 = tpu.memref_slice %arg4[%add3A, %dma_start3A_19, %dma_start3A_20] : memref<32x80x128xi32, #tpu.memory_space<hbm>> -> memref<1x80x128xi32, #tpu.memory_space<hbm>>
      %dma_start3A_22 = tpu.memref_squeeze %dma_start3A_21 : memref<1x80x128xi32, #tpu.memory_space<hbm>> -> memref<80x128xi32, #tpu.memory_space<hbm>>
      tpu.enqueue_dma source(%dma_start3A_22 : memref<80x128xi32, #tpu.memory_space<hbm>>) target(%arg8 : memref<80x128xi32, #tpu.memory_space<vmem>>) target_semaphore(%run_scoped3A : memref<!tpu.dma_semaphore, #tpu.memory_space<semaphore_mem>>)
      %dma_wait3A = arith.constant 0 : i32
      %dma_wait3A_23 = arith.constant 0 : i32
      %dma_wait3A_24 = tpu.memref_slice %arg4[%add3A, %dma_wait3A, %dma_wait3A_23] : memref<32x80x128xi32, #tpu.memory_space<hbm>> -> memref<1x80x128xi32, #tpu.memory_space<hbm>>
      %dma_wait3A_25 = tpu.memref_squeeze %dma_wait3A_24 : memref<1x80x128xi32, #tpu.memory_space<hbm>> -> memref<80x128xi32, #tpu.memory_space<hbm>>
      %dma_wait3A_26 = arith.constant 0 : i32
      %dma_wait3A_27 = arith.constant 0 : i32
      %dma_wait3A_28 = tpu.memref_slice %arg4[%add3A, %dma_wait3A_26, %dma_wait3A_27] : memref<32x80x128xi32, #tpu.memory_space<hbm>> -> memref<1x80x128xi32, #tpu.memory_space<hbm>>
      %dma_wait3A_29 = tpu.memref_squeeze %dma_wait3A_28 : memref<1x80x128xi32, #tpu.memory_space<hbm>> -> memref<80x128xi32, #tpu.memory_space<hbm>>
      tpu.wait_dma2 semaphore(%run_scoped3A : memref<!tpu.dma_semaphore, #tpu.memory_space<semaphore_mem>>) src(%dma_wait3A_29 : memref<80x128xi32, #tpu.memory_space<hbm>>) dst(%arg8 : memref<80x128xi32, #tpu.memory_space<vmem>>)
      tpu.yield
    }) : () -> ()
    "tpu.region"() ({
      %run_scoped3A = tpu.sem_alloc : memref<!tpu.dma_semaphore, #tpu.memory_space<semaphore_mem>>
      %dma_start3A = arith.constant 0 : i32
      %dma_start3A_16 = tpu.memref_slice %arg10[%mul3A_2, %dma_start3A] : memref<10256x128xf32, #tpu.memory_space<vmem_shared>> -> memref<624x128xf32, #tpu.memory_space<vmem_shared>>
      %dma_start3A_17 = arith.constant 0 : i32
      %dma_start3A_18 = arith.constant 0 : i32
      %dma_start3A_19 = tpu.memref_slice %arg5[%dma_start3A_17, %dma_start3A_18] : memref<624x128xf32, #tpu.memory_space<hbm>> -> memref<624x128xf32, #tpu.memory_space<hbm>>
      tpu.enqueue_dma source(%dma_start3A_19 : memref<624x128xf32, #tpu.memory_space<hbm>>) target(%dma_start3A_16 : memref<624x128xf32, #tpu.memory_space<vmem_shared>>) target_semaphore(%run_scoped3A : memref<!tpu.dma_semaphore, #tpu.memory_space<semaphore_mem>>)
      %dma_wait3A = arith.constant 0 : i32
      %dma_wait3A_20 = tpu.memref_slice %arg10[%mul3A_2, %dma_wait3A] : memref<10256x128xf32, #tpu.memory_space<vmem_shared>> -> memref<624x128xf32, #tpu.memory_space<vmem_shared>>
      %dma_wait3A_21 = arith.constant 0 : i32
      %dma_wait3A_22 = arith.constant 0 : i32
      %dma_wait3A_23 = tpu.memref_slice %arg5[%dma_wait3A_21, %dma_wait3A_22] : memref<624x128xf32, #tpu.memory_space<hbm>> -> memref<624x128xf32, #tpu.memory_space<hbm>>
      tpu.wait_dma2 semaphore(%run_scoped3A : memref<!tpu.dma_semaphore, #tpu.memory_space<semaphore_mem>>) src(%dma_wait3A_23 : memref<624x128xf32, #tpu.memory_space<hbm>>) dst(%dma_wait3A_20 : memref<624x128xf32, #tpu.memory_space<vmem_shared>>)
      tpu.yield
    }) : () -> ()
    %eq3A = arith.constant 15 : i32
    %eq3A_3 = arith.cmpi eq, %arg1, %eq3A : i32
    %convert_element_type3A = arith.extui %eq3A_3 : i1 to i32
    %cond3A = arith.constant 0 : i32
    %cond3A_4 = arith.cmpi ne, %convert_element_type3A, %cond3A : i32
    scf.if %cond3A_4 {
      "tpu.region"() ({
        %run_scoped3A = tpu.sem_alloc : memref<!tpu.dma_semaphore, #tpu.memory_space<semaphore_mem>>
        %dma_start3A = arith.constant 9984 : i32
        %dma_start3A_16 = arith.constant 0 : i32
        %dma_start3A_17 = tpu.memref_slice %arg10[%dma_start3A, %dma_start3A_16] : memref<10256x128xf32, #tpu.memory_space<vmem_shared>> -> memref<16x128xf32, #tpu.memory_space<vmem_shared>>
        %dma_start3A_18 = arith.constant 0 : i32
        %dma_start3A_19 = arith.constant 0 : i32
        %dma_start3A_20 = tpu.memref_slice %arg5[%dma_start3A_18, %dma_start3A_19] : memref<624x128xf32, #tpu.memory_space<hbm>> -> memref<16x128xf32, #tpu.memory_space<hbm>>
        tpu.enqueue_dma source(%dma_start3A_20 : memref<16x128xf32, #tpu.memory_space<hbm>>) target(%dma_start3A_17 : memref<16x128xf32, #tpu.memory_space<vmem_shared>>) target_semaphore(%run_scoped3A : memref<!tpu.dma_semaphore, #tpu.memory_space<semaphore_mem>>)
        %dma_wait3A = arith.constant 9984 : i32
        %dma_wait3A_21 = arith.constant 0 : i32
        %dma_wait3A_22 = tpu.memref_slice %arg10[%dma_wait3A, %dma_wait3A_21] : memref<10256x128xf32, #tpu.memory_space<vmem_shared>> -> memref<16x128xf32, #tpu.memory_space<vmem_shared>>
        %dma_wait3A_23 = arith.constant 0 : i32
        %dma_wait3A_24 = arith.constant 0 : i32
        %dma_wait3A_25 = tpu.memref_slice %arg5[%dma_wait3A_23, %dma_wait3A_24] : memref<624x128xf32, #tpu.memory_space<hbm>> -> memref<16x128xf32, #tpu.memory_space<hbm>>
        tpu.wait_dma2 semaphore(%run_scoped3A : memref<!tpu.dma_semaphore, #tpu.memory_space<semaphore_mem>>) src(%dma_wait3A_25 : memref<16x128xf32, #tpu.memory_space<hbm>>) dst(%dma_wait3A_22 : memref<16x128xf32, #tpu.memory_space<vmem_shared>>)
        tpu.yield
      }) : () -> ()
    } else {
    }
    %barrier3A = arith.constant 0 : index
    tpu.barrier barrier_id(%barrier3A)
    %scan3A = arith.constant 0 : i32
    %scan3A_5 = arith.constant 0 : i32
    %scan3A_6 = arith.constant 80 : i32
    %scan3A_7 = arith.addi %scan3A_5, %scan3A_6 : i32
    %scan3A_8 = arith.constant 1 : i32
    scf.for %scan3A_16 = %scan3A_5 to %scan3A_7 step %scan3A_8  : i32 {
      %dma_start3A = arith.constant 0 : i32
      %dma_start3A_17 = tpu.memref_slice %arg7[%scan3A_16, %dma_start3A] : memref<80x128xi32, #tpu.memory_space<vmem>> -> memref<1x128xi32, #tpu.memory_space<vmem>>
      %dma_start3A_18 = tpu.memref_squeeze %dma_start3A_17 : memref<1x128xi32, #tpu.memory_space<vmem>> -> memref<128xi32, #tpu.memory_space<vmem>>
      %dma_start3A_19 = arith.constant 0 : i32
      %dma_start3A_20 = arith.constant 0 : i32
      %dma_start3A_21 = tpu.memref_slice %arg2[%dma_start3A_19, %dma_start3A_20] : memref<10000x128xf32, #tpu.memory_space<hbm>> -> memref<10000x128xf32, #tpu.memory_space<hbm>>
      tpu.enqueue_indirect_dma source(%dma_start3A_21 : memref<10000x128xf32, #tpu.memory_space<hbm>>) target(%arg9 : memref<128x128xf32, #tpu.memory_space<vmem>>) offsets(%dma_start3A_18 : memref<128xi32, #tpu.memory_space<vmem>>) semaphore(%arg11 : memref<!tpu.dma_semaphore, #tpu.memory_space<semaphore_mem>>)
      %dma_wait3A = arith.constant 0 : i32
      %dma_wait3A_22 = tpu.memref_slice %arg7[%scan3A_16, %dma_wait3A] : memref<80x128xi32, #tpu.memory_space<vmem>> -> memref<1x128xi32, #tpu.memory_space<vmem>>
      %dma_wait3A_23 = tpu.memref_squeeze %dma_wait3A_22 : memref<1x128xi32, #tpu.memory_space<vmem>> -> memref<128xi32, #tpu.memory_space<vmem>>
      %dma_wait3A_24 = arith.constant 0 : i32
      %dma_wait3A_25 = arith.constant 0 : i32
      %dma_wait3A_26 = tpu.memref_slice %arg2[%dma_wait3A_24, %dma_wait3A_25] : memref<10000x128xf32, #tpu.memory_space<hbm>> -> memref<10000x128xf32, #tpu.memory_space<hbm>>
      tpu.wait_indirect_dma semaphore(%arg11 : memref<!tpu.dma_semaphore, #tpu.memory_space<semaphore_mem>>) src(%dma_wait3A_26 : memref<10000x128xf32, #tpu.memory_space<hbm>>) dst(%arg9 : memref<128x128xf32, #tpu.memory_space<vmem>>)
      "tpu.region"() ({
        %run_scoped3A = tpu.sem_alloc : memref<!tpu.dma_semaphore, #tpu.memory_space<semaphore_mem>>
        %dma_start3A_27 = arith.constant 0 : i32
        %dma_start3A_28 = tpu.memref_slice %arg8[%scan3A_16, %dma_start3A_27] : memref<80x128xi32, #tpu.memory_space<vmem>> -> memref<1x128xi32, #tpu.memory_space<vmem>>
        %dma_start3A_29 = tpu.memref_squeeze %dma_start3A_28 : memref<1x128xi32, #tpu.memory_space<vmem>> -> memref<128xi32, #tpu.memory_space<vmem>>
        %dma_start3A_30 = arith.constant 0 : i32
        %dma_start3A_31 = arith.constant 0 : i32
        %dma_start3A_32 = tpu.memref_slice %arg10[%dma_start3A_30, %dma_start3A_31] : memref<10256x128xf32, #tpu.memory_space<vmem_shared>> -> memref<10256x128xf32, #tpu.memory_space<vmem_shared>>
        tpu.enqueue_indirect_dma source(%arg9 : memref<128x128xf32, #tpu.memory_space<vmem>>) target(%dma_start3A_32 : memref<10256x128xf32, #tpu.memory_space<vmem_shared>>) offsets(%dma_start3A_29 : memref<128xi32, #tpu.memory_space<vmem>>) semaphore(%run_scoped3A : memref<!tpu.dma_semaphore, #tpu.memory_space<semaphore_mem>>) {add = true}
        %dma_wait3A_33 = arith.constant 0 : i32
        %dma_wait3A_34 = tpu.memref_slice %arg8[%scan3A_16, %dma_wait3A_33] : memref<80x128xi32, #tpu.memory_space<vmem>> -> memref<1x128xi32, #tpu.memory_space<vmem>>
        %dma_wait3A_35 = tpu.memref_squeeze %dma_wait3A_34 : memref<1x128xi32, #tpu.memory_space<vmem>> -> memref<128xi32, #tpu.memory_space<vmem>>
        %dma_wait3A_36 = arith.constant 0 : i32
        %dma_wait3A_37 = arith.constant 0 : i32
        %dma_wait3A_38 = tpu.memref_slice %arg10[%dma_wait3A_36, %dma_wait3A_37] : memref<10256x128xf32, #tpu.memory_space<vmem_shared>> -> memref<10256x128xf32, #tpu.memory_space<vmem_shared>>
        tpu.wait_indirect_dma semaphore(%run_scoped3A : memref<!tpu.dma_semaphore, #tpu.memory_space<semaphore_mem>>) src(%arg9 : memref<128x128xf32, #tpu.memory_space<vmem>>) dst(%dma_wait3A_38 : memref<10256x128xf32, #tpu.memory_space<vmem_shared>>)
        tpu.yield
      }) : () -> ()
    }
    %scan3A_9 = arith.constant 80 : i32
    %barrier3A_10 = arith.constant 0 : index
    tpu.barrier barrier_id(%barrier3A_10)
    "tpu.region"() ({
      %run_scoped3A = tpu.sem_alloc : memref<!tpu.dma_semaphore, #tpu.memory_space<semaphore_mem>>
      %dma_start3A = arith.constant 0 : i32
      %dma_start3A_16 = tpu.memref_slice %arg6[%arg0, %mul3A_2, %dma_start3A] : memref<2x10000x128xf32, #tpu.memory_space<hbm>> -> memref<1x624x128xf32, #tpu.memory_space<hbm>>
      %dma_start3A_17 = tpu.memref_squeeze %dma_start3A_16 : memref<1x624x128xf32, #tpu.memory_space<hbm>> -> memref<624x128xf32, #tpu.memory_space<hbm>>
      %dma_start3A_18 = arith.constant 0 : i32
      %dma_start3A_19 = tpu.memref_slice %arg10[%mul3A_2, %dma_start3A_18] : memref<10256x128xf32, #tpu.memory_space<vmem_shared>> -> memref<624x128xf32, #tpu.memory_space<vmem_shared>>
      tpu.enqueue_dma source(%dma_start3A_19 : memref<624x128xf32, #tpu.memory_space<vmem_shared>>) target(%dma_start3A_17 : memref<624x128xf32, #tpu.memory_space<hbm>>) target_semaphore(%run_scoped3A : memref<!tpu.dma_semaphore, #tpu.memory_space<semaphore_mem>>)
      %dma_wait3A = arith.constant 0 : i32
      %dma_wait3A_20 = tpu.memref_slice %arg6[%arg0, %mul3A_2, %dma_wait3A] : memref<2x10000x128xf32, #tpu.memory_space<hbm>> -> memref<1x624x128xf32, #tpu.memory_space<hbm>>
      %dma_wait3A_21 = tpu.memref_squeeze %dma_wait3A_20 : memref<1x624x128xf32, #tpu.memory_space<hbm>> -> memref<624x128xf32, #tpu.memory_space<hbm>>
      %dma_wait3A_22 = arith.constant 0 : i32
      %dma_wait3A_23 = tpu.memref_slice %arg10[%mul3A_2, %dma_wait3A_22] : memref<10256x128xf32, #tpu.memory_space<vmem_shared>> -> memref<624x128xf32, #tpu.memory_space<vmem_shared>>
      tpu.wait_dma2 semaphore(%run_scoped3A : memref<!tpu.dma_semaphore, #tpu.memory_space<semaphore_mem>>) src(%dma_wait3A_23 : memref<624x128xf32, #tpu.memory_space<vmem_shared>>) dst(%dma_wait3A_21 : memref<624x128xf32, #tpu.memory_space<hbm>>)
      tpu.yield
    }) : () -> ()
    %eq3A_11 = arith.constant 15 : i32
    %eq3A_12 = arith.cmpi eq, %arg1, %eq3A_11 : i32
    %convert_element_type3A_13 = arith.extui %eq3A_12 : i1 to i32
    %cond3A_14 = arith.constant 0 : i32
    %cond3A_15 = arith.cmpi ne, %convert_element_type3A_13, %cond3A_14 : i32
    scf.if %cond3A_15 {
      "tpu.region"() ({
        %run_scoped3A = tpu.sem_alloc : memref<!tpu.dma_semaphore, #tpu.memory_space<semaphore_mem>>
        %dma_start3A = arith.constant 9984 : i32
        %dma_start3A_16 = arith.constant 0 : i32
        %dma_start3A_17 = tpu.memref_slice %arg6[%arg0, %dma_start3A, %dma_start3A_16] : memref<2x10000x128xf32, #tpu.memory_space<hbm>> -> memref<1x16x128xf32, #tpu.memory_space<hbm>>
        %dma_start3A_18 = tpu.memref_squeeze %dma_start3A_17 : memref<1x16x128xf32, #tpu.memory_space<hbm>> -> memref<16x128xf32, #tpu.memory_space<hbm>>
        %dma_start3A_19 = arith.constant 9984 : i32
        %dma_start3A_20 = arith.constant 0 : i32
        %dma_start3A_21 = tpu.memref_slice %arg10[%dma_start3A_19, %dma_start3A_20] : memref<10256x128xf32, #tpu.memory_space<vmem_shared>> -> memref<16x128xf32, #tpu.memory_space<vmem_shared>>
        tpu.enqueue_dma source(%dma_start3A_21 : memref<16x128xf32, #tpu.memory_space<vmem_shared>>) target(%dma_start3A_18 : memref<16x128xf32, #tpu.memory_space<hbm>>) target_semaphore(%run_scoped3A : memref<!tpu.dma_semaphore, #tpu.memory_space<semaphore_mem>>)
        %dma_wait3A = arith.constant 9984 : i32
        %dma_wait3A_22 = arith.constant 0 : i32
        %dma_wait3A_23 = tpu.memref_slice %arg6[%arg0, %dma_wait3A, %dma_wait3A_22] : memref<2x10000x128xf32, #tpu.memory_space<hbm>> -> memref<1x16x128xf32, #tpu.memory_space<hbm>>
        %dma_wait3A_24 = tpu.memref_squeeze %dma_wait3A_23 : memref<1x16x128xf32, #tpu.memory_space<hbm>> -> memref<16x128xf32, #tpu.memory_space<hbm>>
        %dma_wait3A_25 = arith.constant 9984 : i32
        %dma_wait3A_26 = arith.constant 0 : i32
        %dma_wait3A_27 = tpu.memref_slice %arg10[%dma_wait3A_25, %dma_wait3A_26] : memref<10256x128xf32, #tpu.memory_space<vmem_shared>> -> memref<16x128xf32, #tpu.memory_space<vmem_shared>>
        tpu.wait_dma2 semaphore(%run_scoped3A : memref<!tpu.dma_semaphore, #tpu.memory_space<semaphore_mem>>) src(%dma_wait3A_27 : memref<16x128xf32, #tpu.memory_space<vmem_shared>>) dst(%dma_wait3A_24 : memref<16x128xf32, #tpu.memory_space<hbm>>)
        tpu.yield
      }) : () -> ()
    } else {
    }
    return
  }
}

#map = affine_map<(d0, d1) -> (0, 0)>
#map1 = affine_map<(d0, d1) -> (0, 0, 0)>
module attributes {stable_mosaic.version = 14 : i64} {
  func.func @k(%arg0: i32, %arg1: i32, %arg2: memref<10000x128xf32, #tpu.memory_space<hbm>>, %arg3: memref<32x80x128xi32, #tpu.memory_space<hbm>>, %arg4: memref<32x80x128xi32, #tpu.memory_space<hbm>>, %arg5: memref<624x128xf32, #tpu.memory_space<hbm>>, %arg6: memref<2x10000x128xf32, #tpu.memory_space<hbm>>, %arg7: memref<80x128xi32, #tpu.memory_space<vmem>>, %arg8: memref<80x128xi32, #tpu.memory_space<vmem>>, %arg9: memref<128x128xf32, #tpu.memory_space<vmem>>, %arg10: memref<10256x128xf32, #tpu.memory_space<vmem_shared>>, %arg11: memref<!tpu.dma_semaphore, #tpu.memory_space<semaphore_mem>>) attributes {dimension_semantics = [#tpu.dimension_semantics<core_parallel>, #tpu.dimension_semantics<subcore_parallel>], iteration_bounds = array<i64: 2, 16>, scalar_prefetch = 0 : i64, scratch_operands = 5 : i64, tpu.core_type = #tpu.core_type<sc_vector_subcore>, window_params = [{transform_indices = #map}, {transform_indices = #map1}, {transform_indices = #map1}, {transform_indices = #map}, {transform_indices = #map1}]} {
    %mul3A = arith.constant 16 : i32
    %mul3A_0 = arith.muli %arg0, %mul3A : i32
    %add3A = arith.addi %mul3A_0, %arg1 : i32
    %mul3A_1 = arith.constant 624 : i32
    %mul3A_2 = arith.muli %arg1, %mul3A_1 : i32
    "tpu.region"() ({
      %run_scoped3A = tpu.sem_alloc : memref<!tpu.dma_semaphore, #tpu.memory_space<semaphore_mem>>
      %dma_start3A = arith.constant 0 : i32
      %dma_start3A_16 = arith.constant 0 : i32
      %dma_start3A_17 = tpu.memref_slice %arg3[%add3A, %dma_start3A, %dma_start3A_16] : memref<32x80x128xi32, #tpu.memory_space<hbm>> -> memref<1x80x128xi32, #tpu.memory_space<hbm>>
      %dma_start3A_18 = tpu.memref_squeeze %dma_start3A_17 : memref<1x80x128xi32, #tpu.memory_space<hbm>> -> memref<80x128xi32, #tpu.memory_space<hbm>>
      %dma_start3A_19 = arith.constant 0 : i32
      %dma_start3A_20 = arith.constant 0 : i32
      %dma_start3A_21 = tpu.memref_slice %arg3[%add3A, %dma_start3A_19, %dma_start3A_20] : memref<32x80x128xi32, #tpu.memory_space<hbm>> -> memref<1x80x128xi32, #tpu.memory_space<hbm>>
      %dma_start3A_22 = tpu.memref_squeeze %dma_start3A_21 : memref<1x80x128xi32, #tpu.memory_space<hbm>> -> memref<80x128xi32, #tpu.memory_space<hbm>>
      tpu.enqueue_dma source(%dma_start3A_22 : memref<80x128xi32, #tpu.memory_space<hbm>>) target(%arg7 : memref<80x128xi32, #tpu.memory_space<vmem>>) target_semaphore(%run_scoped3A : memref<!tpu.dma_semaphore, #tpu.memory_space<semaphore_mem>>)
      %dma_wait3A = arith.constant 0 : i32
      %dma_wait3A_23 = arith.constant 0 : i32
      %dma_wait3A_24 = tpu.memref_slice %arg3[%add3A, %dma_wait3A, %dma_wait3A_23] : memref<32x80x128xi32, #tpu.memory_space<hbm>> -> memref<1x80x128xi32, #tpu.memory_space<hbm>>
      %dma_wait3A_25 = tpu.memref_squeeze %dma_wait3A_24 : memref<1x80x128xi32, #tpu.memory_space<hbm>> -> memref<80x128xi32, #tpu.memory_space<hbm>>
      %dma_wait3A_26 = arith.constant 0 : i32
      %dma_wait3A_27 = arith.constant 0 : i32
      %dma_wait3A_28 = tpu.memref_slice %arg3[%add3A, %dma_wait3A_26, %dma_wait3A_27] : memref<32x80x128xi32, #tpu.memory_space<hbm>> -> memref<1x80x128xi32, #tpu.memory_space<hbm>>
      %dma_wait3A_29 = tpu.memref_squeeze %dma_wait3A_28 : memref<1x80x128xi32, #tpu.memory_space<hbm>> -> memref<80x128xi32, #tpu.memory_space<hbm>>
      tpu.wait_dma2 semaphore(%run_scoped3A : memref<!tpu.dma_semaphore, #tpu.memory_space<semaphore_mem>>) src(%dma_wait3A_29 : memref<80x128xi32, #tpu.memory_space<hbm>>) dst(%arg7 : memref<80x128xi32, #tpu.memory_space<vmem>>)
      tpu.yield
    }) : () -> ()
    "tpu.region"() ({
      %run_scoped3A = tpu.sem_alloc : memref<!tpu.dma_semaphore, #tpu.memory_space<semaphore_mem>>
      %dma_start3A = arith.constant 0 : i32
      %dma_start3A_16 = arith.constant 0 : i32
      %dma_start3A_17 = tpu.memref_slice %arg4[%add3A, %dma_start3A, %dma_start3A_16] : memref<32x80x128xi32, #tpu.memory_space<hbm>> -> memref<1x80x128xi32, #tpu.memory_space<hbm>>
      %dma_start3A_18 = tpu.memref_squeeze %dma_start3A_17 : memref<1x80x128xi32, #tpu.memory_space<hbm>> -> memref<80x128xi32, #tpu.memory_space<hbm>>
      %dma_start3A_19 = arith.constant 0 : i32
      %dma_start3A_20 = arith.constant 0 : i32
      %dma_start3A_21 = tpu.memref_slice %arg4[%add3A, %dma_start3A_19, %dma_start3A_20] : memref<32x80x128xi32, #tpu.memory_space<hbm>> -> memref<1x80x128xi32, #tpu.memory_space<hbm>>
      %dma_start3A_22 = tpu.memref_squeeze %dma_start3A_21 : memref<1x80x128xi32, #tpu.memory_space<hbm>> -> memref<80x128xi32, #tpu.memory_space<hbm>>
      tpu.enqueue_dma source(%dma_start3A_22 : memref<80x128xi32, #tpu.memory_space<hbm>>) target(%arg8 : memref<80x128xi32, #tpu.memory_space<vmem>>) target_semaphore(%run_scoped3A : memref<!tpu.dma_semaphore, #tpu.memory_space<semaphore_mem>>)
      %dma_wait3A = arith.constant 0 : i32
      %dma_wait3A_23 = arith.constant 0 : i32
      %dma_wait3A_24 = tpu.memref_slice %arg4[%add3A, %dma_wait3A, %dma_wait3A_23] : memref<32x80x128xi32, #tpu.memory_space<hbm>> -> memref<1x80x128xi32, #tpu.memory_space<hbm>>
      %dma_wait3A_25 = tpu.memref_squeeze %dma_wait3A_24 : memref<1x80x128xi32, #tpu.memory_space<hbm>> -> memref<80x128xi32, #tpu.memory_space<hbm>>
      %dma_wait3A_26 = arith.constant 0 : i32
      %dma_wait3A_27 = arith.constant 0 : i32
      %dma_wait3A_28 = tpu.memref_slice %arg4[%add3A, %dma_wait3A_26, %dma_wait3A_27] : memref<32x80x128xi32, #tpu.memory_space<hbm>> -> memref<1x80x128xi32, #tpu.memory_space<hbm>>
      %dma_wait3A_29 = tpu.memref_squeeze %dma_wait3A_28 : memref<1x80x128xi32, #tpu.memory_space<hbm>> -> memref<80x128xi32, #tpu.memory_space<hbm>>
      tpu.wait_dma2 semaphore(%run_scoped3A : memref<!tpu.dma_semaphore, #tpu.memory_space<semaphore_mem>>) src(%dma_wait3A_29 : memref<80x128xi32, #tpu.memory_space<hbm>>) dst(%arg8 : memref<80x128xi32, #tpu.memory_space<vmem>>)
      tpu.yield
    }) : () -> ()
    "tpu.region"() ({
      %run_scoped3A = tpu.sem_alloc : memref<!tpu.dma_semaphore, #tpu.memory_space<semaphore_mem>>
      %dma_start3A = arith.constant 0 : i32
      %dma_start3A_16 = tpu.memref_slice %arg10[%mul3A_2, %dma_start3A] : memref<10256x128xf32, #tpu.memory_space<vmem_shared>> -> memref<624x128xf32, #tpu.memory_space<vmem_shared>>
      %dma_start3A_17 = arith.constant 0 : i32
      %dma_start3A_18 = arith.constant 0 : i32
      %dma_start3A_19 = tpu.memref_slice %arg5[%dma_start3A_17, %dma_start3A_18] : memref<624x128xf32, #tpu.memory_space<hbm>> -> memref<624x128xf32, #tpu.memory_space<hbm>>
      tpu.enqueue_dma source(%dma_start3A_19 : memref<624x128xf32, #tpu.memory_space<hbm>>) target(%dma_start3A_16 : memref<624x128xf32, #tpu.memory_space<vmem_shared>>) target_semaphore(%run_scoped3A : memref<!tpu.dma_semaphore, #tpu.memory_space<semaphore_mem>>)
      %dma_wait3A = arith.constant 0 : i32
      %dma_wait3A_20 = tpu.memref_slice %arg10[%mul3A_2, %dma_wait3A] : memref<10256x128xf32, #tpu.memory_space<vmem_shared>> -> memref<624x128xf32, #tpu.memory_space<vmem_shared>>
      %dma_wait3A_21 = arith.constant 0 : i32
      %dma_wait3A_22 = arith.constant 0 : i32
      %dma_wait3A_23 = tpu.memref_slice %arg5[%dma_wait3A_21, %dma_wait3A_22] : memref<624x128xf32, #tpu.memory_space<hbm>> -> memref<624x128xf32, #tpu.memory_space<hbm>>
      tpu.wait_dma2 semaphore(%run_scoped3A : memref<!tpu.dma_semaphore, #tpu.memory_space<semaphore_mem>>) src(%dma_wait3A_23 : memref<624x128xf32, #tpu.memory_space<hbm>>) dst(%dma_wait3A_20 : memref<624x128xf32, #tpu.memory_space<vmem_shared>>)
      tpu.yield
    }) : () -> ()
    %eq3A = arith.constant 15 : i32
    %eq3A_3 = arith.cmpi eq, %arg1, %eq3A : i32
    %convert_element_type3A = arith.extui %eq3A_3 : i1 to i32
    %cond3A = arith.constant 0 : i32
    %cond3A_4 = arith.cmpi ne, %convert_element_type3A, %cond3A : i32
    scf.if %cond3A_4 {
      "tpu.region"() ({
        %run_scoped3A = tpu.sem_alloc : memref<!tpu.dma_semaphore, #tpu.memory_space<semaphore_mem>>
        %dma_start3A = arith.constant 9984 : i32
        %dma_start3A_16 = arith.constant 0 : i32
        %dma_start3A_17 = tpu.memref_slice %arg10[%dma_start3A, %dma_start3A_16] : memref<10256x128xf32, #tpu.memory_space<vmem_shared>> -> memref<16x128xf32, #tpu.memory_space<vmem_shared>>
        %dma_start3A_18 = arith.constant 0 : i32
        %dma_start3A_19 = arith.constant 0 : i32
        %dma_start3A_20 = tpu.memref_slice %arg5[%dma_start3A_18, %dma_start3A_19] : memref<624x128xf32, #tpu.memory_space<hbm>> -> memref<16x128xf32, #tpu.memory_space<hbm>>
        tpu.enqueue_dma source(%dma_start3A_20 : memref<16x128xf32, #tpu.memory_space<hbm>>) target(%dma_start3A_17 : memref<16x128xf32, #tpu.memory_space<vmem_shared>>) target_semaphore(%run_scoped3A : memref<!tpu.dma_semaphore, #tpu.memory_space<semaphore_mem>>)
        %dma_wait3A = arith.constant 9984 : i32
        %dma_wait3A_21 = arith.constant 0 : i32
        %dma_wait3A_22 = tpu.memref_slice %arg10[%dma_wait3A, %dma_wait3A_21] : memref<10256x128xf32, #tpu.memory_space<vmem_shared>> -> memref<16x128xf32, #tpu.memory_space<vmem_shared>>
        %dma_wait3A_23 = arith.constant 0 : i32
        %dma_wait3A_24 = arith.constant 0 : i32
        %dma_wait3A_25 = tpu.memref_slice %arg5[%dma_wait3A_23, %dma_wait3A_24] : memref<624x128xf32, #tpu.memory_space<hbm>> -> memref<16x128xf32, #tpu.memory_space<hbm>>
        tpu.wait_dma2 semaphore(%run_scoped3A : memref<!tpu.dma_semaphore, #tpu.memory_space<semaphore_mem>>) src(%dma_wait3A_25 : memref<16x128xf32, #tpu.memory_space<hbm>>) dst(%dma_wait3A_22 : memref<16x128xf32, #tpu.memory_space<vmem_shared>>)
        tpu.yield
      }) : () -> ()
    } else {
    }
    %barrier3A = arith.constant 0 : index
    tpu.barrier barrier_id(%barrier3A)
    %scan3A = arith.constant 0 : i32
    %scan3A_5 = arith.constant 0 : i32
    %scan3A_6 = arith.constant 80 : i32
    %scan3A_7 = arith.addi %scan3A_5, %scan3A_6 : i32
    %scan3A_8 = arith.constant 1 : i32
    scf.for %scan3A_16 = %scan3A_5 to %scan3A_7 step %scan3A_8  : i32 {
      %dma_start3A = arith.constant 0 : i32
      %dma_start3A_17 = tpu.memref_slice %arg7[%scan3A_16, %dma_start3A] : memref<80x128xi32, #tpu.memory_space<vmem>> -> memref<1x128xi32, #tpu.memory_space<vmem>>
      %dma_start3A_18 = tpu.memref_squeeze %dma_start3A_17 : memref<1x128xi32, #tpu.memory_space<vmem>> -> memref<128xi32, #tpu.memory_space<vmem>>
      %dma_start3A_19 = arith.constant 0 : i32
      %dma_start3A_20 = arith.constant 0 : i32
      %dma_start3A_21 = tpu.memref_slice %arg2[%dma_start3A_19, %dma_start3A_20] : memref<10000x128xf32, #tpu.memory_space<hbm>> -> memref<10000x128xf32, #tpu.memory_space<hbm>>
      tpu.enqueue_indirect_dma source(%dma_start3A_21 : memref<10000x128xf32, #tpu.memory_space<hbm>>) target(%arg9 : memref<128x128xf32, #tpu.memory_space<vmem>>) offsets(%dma_start3A_18 : memref<128xi32, #tpu.memory_space<vmem>>) semaphore(%arg11 : memref<!tpu.dma_semaphore, #tpu.memory_space<semaphore_mem>>)
      %dma_wait3A = arith.constant 0 : i32
      %dma_wait3A_22 = tpu.memref_slice %arg7[%scan3A_16, %dma_wait3A] : memref<80x128xi32, #tpu.memory_space<vmem>> -> memref<1x128xi32, #tpu.memory_space<vmem>>
      %dma_wait3A_23 = tpu.memref_squeeze %dma_wait3A_22 : memref<1x128xi32, #tpu.memory_space<vmem>> -> memref<128xi32, #tpu.memory_space<vmem>>
      %dma_wait3A_24 = arith.constant 0 : i32
      %dma_wait3A_25 = arith.constant 0 : i32
      %dma_wait3A_26 = tpu.memref_slice %arg2[%dma_wait3A_24, %dma_wait3A_25] : memref<10000x128xf32, #tpu.memory_space<hbm>> -> memref<10000x128xf32, #tpu.memory_space<hbm>>
      tpu.wait_indirect_dma semaphore(%arg11 : memref<!tpu.dma_semaphore, #tpu.memory_space<semaphore_mem>>) src(%dma_wait3A_26 : memref<10000x128xf32, #tpu.memory_space<hbm>>) dst(%arg9 : memref<128x128xf32, #tpu.memory_space<vmem>>)
      "tpu.region"() ({
        %run_scoped3A = tpu.sem_alloc : memref<!tpu.dma_semaphore, #tpu.memory_space<semaphore_mem>>
        %dma_start3A_27 = arith.constant 0 : i32
        %dma_start3A_28 = tpu.memref_slice %arg8[%scan3A_16, %dma_start3A_27] : memref<80x128xi32, #tpu.memory_space<vmem>> -> memref<1x128xi32, #tpu.memory_space<vmem>>
        %dma_start3A_29 = tpu.memref_squeeze %dma_start3A_28 : memref<1x128xi32, #tpu.memory_space<vmem>> -> memref<128xi32, #tpu.memory_space<vmem>>
        %dma_start3A_30 = arith.constant 0 : i32
        %dma_start3A_31 = arith.constant 0 : i32
        %dma_start3A_32 = tpu.memref_slice %arg10[%dma_start3A_30, %dma_start3A_31] : memref<10256x128xf32, #tpu.memory_space<vmem_shared>> -> memref<10256x128xf32, #tpu.memory_space<vmem_shared>>
        tpu.enqueue_indirect_dma source(%arg9 : memref<128x128xf32, #tpu.memory_space<vmem>>) target(%dma_start3A_32 : memref<10256x128xf32, #tpu.memory_space<vmem_shared>>) offsets(%dma_start3A_29 : memref<128xi32, #tpu.memory_space<vmem>>) semaphore(%run_scoped3A : memref<!tpu.dma_semaphore, #tpu.memory_space<semaphore_mem>>) {add = true}
        %dma_wait3A_33 = arith.constant 0 : i32
        %dma_wait3A_34 = tpu.memref_slice %arg8[%scan3A_16, %dma_wait3A_33] : memref<80x128xi32, #tpu.memory_space<vmem>> -> memref<1x128xi32, #tpu.memory_space<vmem>>
        %dma_wait3A_35 = tpu.memref_squeeze %dma_wait3A_34 : memref<1x128xi32, #tpu.memory_space<vmem>> -> memref<128xi32, #tpu.memory_space<vmem>>
        %dma_wait3A_36 = arith.constant 0 : i32
        %dma_wait3A_37 = arith.constant 0 : i32
        %dma_wait3A_38 = tpu.memref_slice %arg10[%dma_wait3A_36, %dma_wait3A_37] : memref<10256x128xf32, #tpu.memory_space<vmem_shared>> -> memref<10256x128xf32, #tpu.memory_space<vmem_shared>>
        tpu.wait_indirect_dma semaphore(%run_scoped3A : memref<!tpu.dma_semaphore, #tpu.memory_space<semaphore_mem>>) src(%arg9 : memref<128x128xf32, #tpu.memory_space<vmem>>) dst(%dma_wait3A_38 : memref<10256x128xf32, #tpu.memory_space<vmem_shared>>)
        tpu.yield
      }) : () -> ()
    }
    %scan3A_9 = arith.constant 80 : i32
    %barrier3A_10 = arith.constant 0 : index
    tpu.barrier barrier_id(%barrier3A_10)
    "tpu.region"() ({
      %run_scoped3A = tpu.sem_alloc : memref<!tpu.dma_semaphore, #tpu.memory_space<semaphore_mem>>
      %dma_start3A = arith.constant 0 : i32
      %dma_start3A_16 = tpu.memref_slice %arg6[%arg0, %mul3A_2, %dma_start3A] : memref<2x10000x128xf32, #tpu.memory_space<hbm>> -> memref<1x624x128xf32, #tpu.memory_space<hbm>>
      %dma_start3A_17 = tpu.memref_squeeze %dma_start3A_16 : memref<1x624x128xf32, #tpu.memory_space<hbm>> -> memref<624x128xf32, #tpu.memory_space<hbm>>
      %dma_start3A_18 = arith.constant 0 : i32
      %dma_start3A_19 = tpu.memref_slice %arg10[%mul3A_2, %dma_start3A_18] : memref<10256x128xf32, #tpu.memory_space<vmem_shared>> -> memref<624x128xf32, #tpu.memory_space<vmem_shared>>
      tpu.enqueue_dma source(%dma_start3A_19 : memref<624x128xf32, #tpu.memory_space<vmem_shared>>) target(%dma_start3A_17 : memref<624x128xf32, #tpu.memory_space<hbm>>) target_semaphore(%run_scoped3A : memref<!tpu.dma_semaphore, #tpu.memory_space<semaphore_mem>>)
      %dma_wait3A = arith.constant 0 : i32
      %dma_wait3A_20 = tpu.memref_slice %arg6[%arg0, %mul3A_2, %dma_wait3A] : memref<2x10000x128xf32, #tpu.memory_space<hbm>> -> memref<1x624x128xf32, #tpu.memory_space<hbm>>
      %dma_wait3A_21 = tpu.memref_squeeze %dma_wait3A_20 : memref<1x624x128xf32, #tpu.memory_space<hbm>> -> memref<624x128xf32, #tpu.memory_space<hbm>>
      %dma_wait3A_22 = arith.constant 0 : i32
      %dma_wait3A_23 = tpu.memref_slice %arg10[%mul3A_2, %dma_wait3A_22] : memref<10256x128xf32, #tpu.memory_space<vmem_shared>> -> memref<624x128xf32, #tpu.memory_space<vmem_shared>>
      tpu.wait_dma2 semaphore(%run_scoped3A : memref<!tpu.dma_semaphore, #tpu.memory_space<semaphore_mem>>) src(%dma_wait3A_23 : memref<624x128xf32, #tpu.memory_space<vmem_shared>>) dst(%dma_wait3A_21 : memref<624x128xf32, #tpu.memory_space<hbm>>)
      tpu.yield
    }) : () -> ()
    %eq3A_11 = arith.constant 15 : i32
    %eq3A_12 = arith.cmpi eq, %arg1, %eq3A_11 : i32
    %convert_element_type3A_13 = arith.extui %eq3A_12 : i1 to i32
    %cond3A_14 = arith.constant 0 : i32
    %cond3A_15 = arith.cmpi ne, %convert_element_type3A_13, %cond3A_14 : i32
    scf.if %cond3A_15 {
      "tpu.region"() ({
        %run_scoped3A = tpu.sem_alloc : memref<!tpu.dma_semaphore, #tpu.memory_space<semaphore_mem>>
        %dma_start3A = arith.constant 9984 : i32
        %dma_start3A_16 = arith.constant 0 : i32
        %dma_start3A_17 = tpu.memref_slice %arg6[%arg0, %dma_start3A, %dma_start3A_16] : memref<2x10000x128xf32, #tpu.memory_space<hbm>> -> memref<1x16x128xf32, #tpu.memory_space<hbm>>
        %dma_start3A_18 = tpu.memref_squeeze %dma_start3A_17 : memref<1x16x128xf32, #tpu.memory_space<hbm>> -> memref<16x128xf32, #tpu.memory_space<hbm>>
        %dma_start3A_19 = arith.constant 9984 : i32
        %dma_start3A_20 = arith.constant 0 : i32
        %dma_start3A_21 = tpu.memref_slice %arg10[%dma_start3A_19, %dma_start3A_20] : memref<10256x128xf32, #tpu.memory_space<vmem_shared>> -> memref<16x128xf32, #tpu.memory_space<vmem_shared>>
        tpu.enqueue_dma source(%dma_start3A_21 : memref<16x128xf32, #tpu.memory_space<vmem_shared>>) target(%dma_start3A_18 : memref<16x128xf32, #tpu.memory_space<hbm>>) target_semaphore(%run_scoped3A : memref<!tpu.dma_semaphore, #tpu.memory_space<semaphore_mem>>)
        %dma_wait3A = arith.constant 9984 : i32
        %dma_wait3A_22 = arith.constant 0 : i32
        %dma_wait3A_23 = tpu.memref_slice %arg6[%arg0, %dma_wait3A, %dma_wait3A_22] : memref<2x10000x128xf32, #tpu.memory_space<hbm>> -> memref<1x16x128xf32, #tpu.memory_space<hbm>>
        %dma_wait3A_24 = tpu.memref_squeeze %dma_wait3A_23 : memref<1x16x128xf32, #tpu.memory_space<hbm>> -> memref<16x128xf32, #tpu.memory_space<hbm>>
        %dma_wait3A_25 = arith.constant 9984 : i32
        %dma_wait3A_26 = arith.constant 0 : i32
        %dma_wait3A_27 = tpu.memref_slice %arg10[%dma_wait3A_25, %dma_wait3A_26] : memref<10256x128xf32, #tpu.memory_space<vmem_shared>> -> memref<16x128xf32, #tpu.memory_space<vmem_shared>>
        tpu.wait_dma2 semaphore(%run_scoped3A : memref<!tpu.dma_semaphore, #tpu.memory_space<semaphore_mem>>) src(%dma_wait3A_27 : memref<16x128xf32, #tpu.memory_space<vmem_shared>>) dst(%dma_wait3A_24 : memref<16x128xf32, #tpu.memory_space<hbm>>)
        tpu.yield
      }) : () -> ()
    } else {
    }
    return
  }
}

module attributes {stable_mosaic.version = 14 : i64} {
  func.func @body(%arg0: i32, %arg1: memref<1000x128xf32, #tpu.memory_space<vmem>>, %arg2: memref<2x1000x128xf32, #tpu.memory_space<vmem>>, %arg3: memref<128x128xf32, #tpu.memory_space<vmem>>, %arg4: memref<1x128xf32, #tpu.memory_space<vmem>>, %arg5: memref<128x128xf32, #tpu.memory_space<vmem>>, %arg6: memref<1x128xf32, #tpu.memory_space<vmem>>, %arg7: memref<1x128xf32, #tpu.memory_space<vmem>>, %arg8: memref<1x8x1000xi32, #tpu.memory_space<vmem>>, %arg9: memref<1000x128xf32, #tpu.memory_space<vmem>>, %arg10: memref<16x128xf32, #tpu.memory_space<vmem>>) attributes {dimension_semantics = [#tpu.dimension_semantics<arbitrary>], iteration_bounds = array<i64: 10>, scalar_prefetch = 0 : i64, scratch_operands = 0 : i64, tpu.core_type = #tpu.core_type<tc>, window_params = [{transform_indices = @transform_0, window_bounds = array<i64: 1000, 128>}, {transform_indices = @transform_1, window_bounds = array<i64: 2, 1000, 128>}, {pipeline_mode = #tpu.pipeline_mode<synchronous>, transform_indices = @transform_2, window_bounds = array<i64: 128, 128>}, {pipeline_mode = #tpu.pipeline_mode<synchronous>, transform_indices = @transform_3, window_bounds = array<i64: 1, 128>}, {pipeline_mode = #tpu.pipeline_mode<synchronous>, transform_indices = @transform_4, window_bounds = array<i64: 128, 128>}, {pipeline_mode = #tpu.pipeline_mode<synchronous>, transform_indices = @transform_5, window_bounds = array<i64: 1, 128>}, {pipeline_mode = #tpu.pipeline_mode<synchronous>, transform_indices = @transform_6, window_bounds = array<i64: 1, 128>}, {transform_indices = @transform_7, window_bounds = array<i64: 1, 8, 1000>}, {transform_indices = @transform_8, window_bounds = array<i64: 1000, 128>}, {pipeline_mode = #tpu.pipeline_mode<synchronous>, transform_indices = @transform_9, window_bounds = array<i64: 16, 128>}]} {
    %get3A = arith.constant 0 : index
    %get3A_0 = arith.constant 0 : index
    %get3A_1 = vector.load %arg1[%get3A, %get3A_0] : memref<1000x128xf32, #tpu.memory_space<vmem>>, vector<1000x128xf32>
    %get3A_2 = arith.constant 0 : index
    %get3A_3 = arith.constant 0 : index
    %get3A_4 = arith.constant 0 : index
    %get3A_5 = vector.load %arg2[%get3A_2, %get3A_3, %get3A_4] : memref<2x1000x128xf32, #tpu.memory_space<vmem>>, vector<1x1000x128xf32>
    %get3A_6 = vector.shape_cast %get3A_5 : vector<1x1000x128xf32> to vector<1000x128xf32>
    %add3A = arith.addf %get3A_1, %get3A_6 : vector<1000x128xf32>
    %get3A_7 = arith.constant 1 : index
    %get3A_8 = arith.constant 0 : index
    %get3A_9 = arith.constant 0 : index
    %get3A_10 = vector.load %arg2[%get3A_7, %get3A_8, %get3A_9] : memref<2x1000x128xf32, #tpu.memory_space<vmem>>, vector<1x1000x128xf32>
    %get3A_11 = vector.shape_cast %get3A_10 : vector<1x1000x128xf32> to vector<1000x128xf32>
    %add3A_12 = arith.addf %add3A, %get3A_11 : vector<1000x128xf32>
    %get3A_13 = arith.constant 0 : index
    %get3A_14 = arith.constant 0 : index
    %get3A_15 = vector.load %arg3[%get3A_13, %get3A_14] : memref<128x128xf32, #tpu.memory_space<vmem>>, vector<128x128xf32>
    %dot_general3A = arith.constant dense<0.000000e+00> : vector<1000x128xf32>
    %dot_general3A_16 = tpu.matmul %add3A_12, %get3A_15, %dot_general3A {dimension_numbers = #tpu.dot_dimension_numbers<[1], [0], [0], [1], [0, 0, 1, 1], [], []>, transpose_lhs_hint = false} : vector<1000x128xf32>, vector<128x128xf32>, vector<1000x128xf32> -> vector<1000x128xf32>
    %get3A_17 = arith.constant 0 : index
    %get3A_18 = arith.constant 0 : index
    %get3A_19 = vector.load %arg4[%get3A_17, %get3A_18] : memref<1x128xf32, #tpu.memory_space<vmem>>, vector<1x128xf32>
    %add3A_20 = vector.broadcast %get3A_19 : vector<1x128xf32> to vector<1000x128xf32>
    %add3A_21 = arith.addf %dot_general3A_16, %add3A_20 : vector<1000x128xf32>
    %max3A = arith.constant 0.000000e+00 : f32
    %max3A_22 = vector.broadcast %max3A : f32 to vector<1000x128xf32>
    %max3A_23 = arith.maximumf %add3A_21, %max3A_22 : vector<1000x128xf32>
    %get3A_24 = arith.constant 0 : index
    %get3A_25 = arith.constant 0 : index
    %get3A_26 = vector.load %arg5[%get3A_24, %get3A_25] : memref<128x128xf32, #tpu.memory_space<vmem>>, vector<128x128xf32>
    %dot_general3A_27 = arith.constant dense<0.000000e+00> : vector<1000x128xf32>
    %dot_general3A_28 = tpu.matmul %max3A_23, %get3A_26, %dot_general3A_27 {dimension_numbers = #tpu.dot_dimension_numbers<[1], [0], [0], [1], [0, 0, 1, 1], [], []>, transpose_lhs_hint = false} : vector<1000x128xf32>, vector<128x128xf32>, vector<1000x128xf32> -> vector<1000x128xf32>
    %get3A_29 = arith.constant 0 : index
    %get3A_30 = arith.constant 0 : index
    %get3A_31 = vector.load %arg6[%get3A_29, %get3A_30] : memref<1x128xf32, #tpu.memory_space<vmem>>, vector<1x128xf32>
    %mul3A = vector.broadcast %get3A_31 : vector<1x128xf32> to vector<1000x128xf32>
    %mul3A_32 = arith.mulf %dot_general3A_28, %mul3A : vector<1000x128xf32>
    %get3A_33 = arith.constant 0 : index
    %get3A_34 = arith.constant 0 : index
    %get3A_35 = vector.load %arg7[%get3A_33, %get3A_34] : memref<1x128xf32, #tpu.memory_space<vmem>>, vector<1x128xf32>
    %add3A_36 = vector.broadcast %get3A_35 : vector<1x128xf32> to vector<1000x128xf32>
    %add3A_37 = arith.addf %mul3A_32, %add3A_36 : vector<1000x128xf32>
    %max3A_38 = arith.constant 0.000000e+00 : f32
    %max3A_39 = vector.broadcast %max3A_38 : f32 to vector<1000x128xf32>
    %max3A_40 = arith.maximumf %add3A_37, %max3A_39 : vector<1000x128xf32>
    %swap3A = arith.constant 0 : index
    %swap3A_41 = arith.constant 0 : index
    %swap3A_42 = vector.load %arg9[%swap3A, %swap3A_41] : memref<1000x128xf32, #tpu.memory_space<vmem>>, vector<1000x128xf32>
    tpu.vector_store %arg9[%swap3A, %swap3A_41], %max3A_40 {strides = array<i32>} : memref<1000x128xf32, #tpu.memory_space<vmem>>, vector<1000x128xf32>,
    %get3A_43 = arith.constant 0 : index
    %get3A_44 = arith.constant 0 : index
    %get3A_45 = arith.constant 0 : index
    %get3A_46 = vector.load %arg8[%get3A_43, %get3A_44, %get3A_45] : memref<1x8x1000xi32, #tpu.memory_space<vmem>>, vector<1x1x1000xi32>
    %get3A_47 = vector.shape_cast %get3A_46 : vector<1x1x1000xi32> to vector<1x1000xi32>
    %iota3A = tpu.iota {dimensions = array<i32: 0>} : vector<16x1xi32>
    %eq3A = vector.broadcast %get3A_47 : vector<1x1000xi32> to vector<16x1000xi32>
    %eq3A_48 = vector.broadcast %iota3A : vector<16x1xi32> to vector<16x1000xi32>
    %eq3A_49 = arith.cmpi eq, %eq3A, %eq3A_48 : vector<16x1000xi32>
    %convert_element_type3A = arith.extui %eq3A_49 : vector<16x1000xi1> to vector<16x1000xi32>
    %convert_element_type3A_50 = arith.sitofp %convert_element_type3A : vector<16x1000xi32> to vector<16x1000xf32>
    %dot_general3A_51 = arith.constant dense<0.000000e+00> : vector<16x128xf32>
    %dot_general3A_52 = tpu.matmul %convert_element_type3A_50, %max3A_40, %dot_general3A_51 {dimension_numbers = #tpu.dot_dimension_numbers<[1], [0], [0], [1], [0, 0, 1, 1], [], []>, transpose_lhs_hint = false} : vector<16x1000xf32>, vector<1000x128xf32>, vector<16x128xf32> -> vector<16x128xf32>
    %eq3A_53 = arith.constant 0 : i32
    %eq3A_54 = arith.cmpi eq, %arg0, %eq3A_53 : i32
    %convert_element_type3A_55 = arith.extui %eq3A_54 : i1 to i32
    %cond3A = arith.constant 0 : i32
    %cond3A_56 = arith.cmpi ne, %convert_element_type3A_55, %cond3A : i32
    scf.if %cond3A_56 {
      %swap3A_61 = arith.constant 0 : index
      %swap3A_62 = arith.constant 0 : index
      %swap3A_63 = vector.load %arg10[%swap3A_61, %swap3A_62] : memref<16x128xf32, #tpu.memory_space<vmem>>, vector<16x128xf32>
      tpu.vector_store %arg10[%swap3A_61, %swap3A_62], %dot_general3A_52 {strides = array<i32>} : memref<16x128xf32, #tpu.memory_space<vmem>>, vector<16x128xf32>,
    } else {
    }
    %gt3A = arith.constant 0 : i32
    %gt3A_57 = arith.cmpi sgt, %arg0, %gt3A : i32
    %convert_element_type3A_58 = arith.extui %gt3A_57 : i1 to i32
    %cond3A_59 = arith.constant 0 : i32
    %cond3A_60 = arith.cmpi ne, %convert_element_type3A_58, %cond3A_59 : i32
    scf.if %cond3A_60 {
      %get3A_61 = arith.constant 0 : index
      %get3A_62 = arith.constant 0 : index
      %get3A_63 = vector.load %arg10[%get3A_61, %get3A_62] : memref<16x128xf32, #tpu.memory_space<vmem>>, vector<16x128xf32>
      %add3A_64 = arith.addf %get3A_63, %dot_general3A_52 : vector<16x128xf32>
      %swap3A_65 = arith.constant 0 : index
      %swap3A_66 = arith.constant 0 : index
      %swap3A_67 = vector.load %arg10[%swap3A_65, %swap3A_66] : memref<16x128xf32, #tpu.memory_space<vmem>>, vector<16x128xf32>
      tpu.vector_store %arg10[%swap3A_65, %swap3A_66], %add3A_64 {strides = array<i32>} : memref<16x128xf32, #tpu.memory_space<vmem>>, vector<16x128xf32>,
    } else {
    }
    return
  }
  func.func @transform_0(%arg0: i32) -> (i32, i32) {
    %c0_i32 = arith.constant 0 : i32
    %c0_i32_0 = arith.constant 0 : i32
    return %arg0, %c0_i32 : i32, i32
  }
  func.func @transform_1(%arg0: i32) -> (i32, i32, i32) {
    %c0_i32 = arith.constant 0 : i32
    %c0_i32_0 = arith.constant 0 : i32
    %c0_i32_1 = arith.constant 0 : i32
    return %c0_i32, %arg0, %c0_i32_0 : i32, i32, i32
  }
  func.func @transform_2(%arg0: i32) -> (i32, i32) {
    %c0_i32 = arith.constant 0 : i32
    %c0_i32_0 = arith.constant 0 : i32
    %c0_i32_1 = arith.constant 0 : i32
    return %c0_i32, %c0_i32_0 : i32, i32
  }
  func.func @transform_3(%arg0: i32) -> (i32, i32) {
    %c0_i32 = arith.constant 0 : i32
    %c0_i32_0 = arith.constant 0 : i32
    %c0_i32_1 = arith.constant 0 : i32
    return %c0_i32, %c0_i32_0 : i32, i32
  }
  func.func @transform_4(%arg0: i32) -> (i32, i32) {
    %c0_i32 = arith.constant 0 : i32
    %c0_i32_0 = arith.constant 0 : i32
    %c0_i32_1 = arith.constant 0 : i32
    return %c0_i32, %c0_i32_0 : i32, i32
  }
  func.func @transform_5(%arg0: i32) -> (i32, i32) {
    %c0_i32 = arith.constant 0 : i32
    %c0_i32_0 = arith.constant 0 : i32
    %c0_i32_1 = arith.constant 0 : i32
    return %c0_i32, %c0_i32_0 : i32, i32
  }
  func.func @transform_6(%arg0: i32) -> (i32, i32) {
    %c0_i32 = arith.constant 0 : i32
    %c0_i32_0 = arith.constant 0 : i32
    %c0_i32_1 = arith.constant 0 : i32
    return %c0_i32, %c0_i32_0 : i32, i32
  }
  func.func @transform_7(%arg0: i32) -> (i32, i32, i32) {
    %c0_i32 = arith.constant 0 : i32
    %c0_i32_0 = arith.constant 0 : i32
    %c0_i32_1 = arith.constant 0 : i32
    return %arg0, %c0_i32, %c0_i32_0 : i32, i32, i32
  }
  func.func @transform_8(%arg0: i32) -> (i32, i32) {
    %c0_i32 = arith.constant 0 : i32
    %c0_i32_0 = arith.constant 0 : i32
    return %arg0, %c0_i32 : i32, i32
  }
  func.func @transform_9(%arg0: i32) -> (i32, i32) {
    %c0_i32 = arith.constant 0 : i32
    %c0_i32_0 = arith.constant 0 : i32
    %c0_i32_1 = arith.constant 0 : i32
    return %c0_i32, %c0_i32_0 : i32, i32
  }
}

module attributes {stable_mosaic.version = 14 : i64} {
  func.func @body(%arg0: i32, %arg1: memref<1000x128xf32, #tpu.memory_space<vmem>>, %arg2: memref<2x1000x128xf32, #tpu.memory_space<vmem>>, %arg3: memref<128x128xf32, #tpu.memory_space<vmem>>, %arg4: memref<1x128xf32, #tpu.memory_space<vmem>>, %arg5: memref<128x128xf32, #tpu.memory_space<vmem>>, %arg6: memref<1x128xf32, #tpu.memory_space<vmem>>, %arg7: memref<1x128xf32, #tpu.memory_space<vmem>>, %arg8: memref<1x8x1000xi32, #tpu.memory_space<vmem>>, %arg9: memref<1000x128xf32, #tpu.memory_space<vmem>>, %arg10: memref<16x128xf32, #tpu.memory_space<vmem>>) attributes {dimension_semantics = [#tpu.dimension_semantics<arbitrary>], iteration_bounds = array<i64: 10>, scalar_prefetch = 0 : i64, scratch_operands = 0 : i64, tpu.core_type = #tpu.core_type<tc>, window_params = [{transform_indices = @transform_0, window_bounds = array<i64: 1000, 128>}, {transform_indices = @transform_1, window_bounds = array<i64: 2, 1000, 128>}, {pipeline_mode = #tpu.pipeline_mode<synchronous>, transform_indices = @transform_2, window_bounds = array<i64: 128, 128>}, {pipeline_mode = #tpu.pipeline_mode<synchronous>, transform_indices = @transform_3, window_bounds = array<i64: 1, 128>}, {pipeline_mode = #tpu.pipeline_mode<synchronous>, transform_indices = @transform_4, window_bounds = array<i64: 128, 128>}, {pipeline_mode = #tpu.pipeline_mode<synchronous>, transform_indices = @transform_5, window_bounds = array<i64: 1, 128>}, {pipeline_mode = #tpu.pipeline_mode<synchronous>, transform_indices = @transform_6, window_bounds = array<i64: 1, 128>}, {transform_indices = @transform_7, window_bounds = array<i64: 1, 8, 1000>}, {transform_indices = @transform_8, window_bounds = array<i64: 1000, 128>}, {pipeline_mode = #tpu.pipeline_mode<synchronous>, transform_indices = @transform_9, window_bounds = array<i64: 16, 128>}]} {
    %get3A = arith.constant 0 : index
    %get3A_0 = arith.constant 0 : index
    %get3A_1 = vector.load %arg1[%get3A, %get3A_0] : memref<1000x128xf32, #tpu.memory_space<vmem>>, vector<1000x128xf32>
    %get3A_2 = arith.constant 0 : index
    %get3A_3 = arith.constant 0 : index
    %get3A_4 = arith.constant 0 : index
    %get3A_5 = vector.load %arg2[%get3A_2, %get3A_3, %get3A_4] : memref<2x1000x128xf32, #tpu.memory_space<vmem>>, vector<1x1000x128xf32>
    %get3A_6 = vector.shape_cast %get3A_5 : vector<1x1000x128xf32> to vector<1000x128xf32>
    %add3A = arith.addf %get3A_1, %get3A_6 : vector<1000x128xf32>
    %get3A_7 = arith.constant 1 : index
    %get3A_8 = arith.constant 0 : index
    %get3A_9 = arith.constant 0 : index
    %get3A_10 = vector.load %arg2[%get3A_7, %get3A_8, %get3A_9] : memref<2x1000x128xf32, #tpu.memory_space<vmem>>, vector<1x1000x128xf32>
    %get3A_11 = vector.shape_cast %get3A_10 : vector<1x1000x128xf32> to vector<1000x128xf32>
    %add3A_12 = arith.addf %add3A, %get3A_11 : vector<1000x128xf32>
    %get3A_13 = arith.constant 0 : index
    %get3A_14 = arith.constant 0 : index
    %get3A_15 = vector.load %arg3[%get3A_13, %get3A_14] : memref<128x128xf32, #tpu.memory_space<vmem>>, vector<128x128xf32>
    %dot_general3A = arith.constant dense<0.000000e+00> : vector<1000x128xf32>
    %dot_general3A_16 = tpu.matmul %add3A_12, %get3A_15, %dot_general3A {dimension_numbers = #tpu.dot_dimension_numbers<[1], [0], [0], [1], [0, 0, 1, 1], [], []>, transpose_lhs_hint = false} : vector<1000x128xf32>, vector<128x128xf32>, vector<1000x128xf32> -> vector<1000x128xf32>
    %get3A_17 = arith.constant 0 : index
    %get3A_18 = arith.constant 0 : index
    %get3A_19 = vector.load %arg4[%get3A_17, %get3A_18] : memref<1x128xf32, #tpu.memory_space<vmem>>, vector<1x128xf32>
    %add3A_20 = vector.broadcast %get3A_19 : vector<1x128xf32> to vector<1000x128xf32>
    %add3A_21 = arith.addf %dot_general3A_16, %add3A_20 : vector<1000x128xf32>
    %max3A = arith.constant 0.000000e+00 : f32
    %max3A_22 = vector.broadcast %max3A : f32 to vector<1000x128xf32>
    %max3A_23 = arith.maximumf %add3A_21, %max3A_22 : vector<1000x128xf32>
    %get3A_24 = arith.constant 0 : index
    %get3A_25 = arith.constant 0 : index
    %get3A_26 = vector.load %arg5[%get3A_24, %get3A_25] : memref<128x128xf32, #tpu.memory_space<vmem>>, vector<128x128xf32>
    %dot_general3A_27 = arith.constant dense<0.000000e+00> : vector<1000x128xf32>
    %dot_general3A_28 = tpu.matmul %max3A_23, %get3A_26, %dot_general3A_27 {dimension_numbers = #tpu.dot_dimension_numbers<[1], [0], [0], [1], [0, 0, 1, 1], [], []>, transpose_lhs_hint = false} : vector<1000x128xf32>, vector<128x128xf32>, vector<1000x128xf32> -> vector<1000x128xf32>
    %get3A_29 = arith.constant 0 : index
    %get3A_30 = arith.constant 0 : index
    %get3A_31 = vector.load %arg6[%get3A_29, %get3A_30] : memref<1x128xf32, #tpu.memory_space<vmem>>, vector<1x128xf32>
    %mul3A = vector.broadcast %get3A_31 : vector<1x128xf32> to vector<1000x128xf32>
    %mul3A_32 = arith.mulf %dot_general3A_28, %mul3A : vector<1000x128xf32>
    %get3A_33 = arith.constant 0 : index
    %get3A_34 = arith.constant 0 : index
    %get3A_35 = vector.load %arg7[%get3A_33, %get3A_34] : memref<1x128xf32, #tpu.memory_space<vmem>>, vector<1x128xf32>
    %add3A_36 = vector.broadcast %get3A_35 : vector<1x128xf32> to vector<1000x128xf32>
    %add3A_37 = arith.addf %mul3A_32, %add3A_36 : vector<1000x128xf32>
    %max3A_38 = arith.constant 0.000000e+00 : f32
    %max3A_39 = vector.broadcast %max3A_38 : f32 to vector<1000x128xf32>
    %max3A_40 = arith.maximumf %add3A_37, %max3A_39 : vector<1000x128xf32>
    %swap3A = arith.constant 0 : index
    %swap3A_41 = arith.constant 0 : index
    %swap3A_42 = vector.load %arg9[%swap3A, %swap3A_41] : memref<1000x128xf32, #tpu.memory_space<vmem>>, vector<1000x128xf32>
    tpu.vector_store %arg9[%swap3A, %swap3A_41], %max3A_40 {strides = array<i32>} : memref<1000x128xf32, #tpu.memory_space<vmem>>, vector<1000x128xf32>,
    %get3A_43 = arith.constant 0 : index
    %get3A_44 = arith.constant 0 : index
    %get3A_45 = arith.constant 0 : index
    %get3A_46 = vector.load %arg8[%get3A_43, %get3A_44, %get3A_45] : memref<1x8x1000xi32, #tpu.memory_space<vmem>>, vector<1x1x1000xi32>
    %get3A_47 = vector.shape_cast %get3A_46 : vector<1x1x1000xi32> to vector<1x1000xi32>
    %iota3A = tpu.iota {dimensions = array<i32: 0>} : vector<16x1xi32>
    %eq3A = vector.broadcast %get3A_47 : vector<1x1000xi32> to vector<16x1000xi32>
    %eq3A_48 = vector.broadcast %iota3A : vector<16x1xi32> to vector<16x1000xi32>
    %eq3A_49 = arith.cmpi eq, %eq3A, %eq3A_48 : vector<16x1000xi32>
    %convert_element_type3A = arith.extui %eq3A_49 : vector<16x1000xi1> to vector<16x1000xi32>
    %convert_element_type3A_50 = arith.sitofp %convert_element_type3A : vector<16x1000xi32> to vector<16x1000xf32>
    %dot_general3A_51 = arith.constant dense<0.000000e+00> : vector<16x128xf32>
    %dot_general3A_52 = tpu.matmul %convert_element_type3A_50, %max3A_40, %dot_general3A_51 {dimension_numbers = #tpu.dot_dimension_numbers<[1], [0], [0], [1], [0, 0, 1, 1], [], []>, transpose_lhs_hint = false} : vector<16x1000xf32>, vector<1000x128xf32>, vector<16x128xf32> -> vector<16x128xf32>
    %eq3A_53 = arith.constant 0 : i32
    %eq3A_54 = arith.cmpi eq, %arg0, %eq3A_53 : i32
    %convert_element_type3A_55 = arith.extui %eq3A_54 : i1 to i32
    %cond3A = arith.constant 0 : i32
    %cond3A_56 = arith.cmpi ne, %convert_element_type3A_55, %cond3A : i32
    scf.if %cond3A_56 {
      %swap3A_61 = arith.constant 0 : index
      %swap3A_62 = arith.constant 0 : index
      %swap3A_63 = vector.load %arg10[%swap3A_61, %swap3A_62] : memref<16x128xf32, #tpu.memory_space<vmem>>, vector<16x128xf32>
      tpu.vector_store %arg10[%swap3A_61, %swap3A_62], %dot_general3A_52 {strides = array<i32>} : memref<16x128xf32, #tpu.memory_space<vmem>>, vector<16x128xf32>,
    } else {
    }
    %gt3A = arith.constant 0 : i32
    %gt3A_57 = arith.cmpi sgt, %arg0, %gt3A : i32
    %convert_element_type3A_58 = arith.extui %gt3A_57 : i1 to i32
    %cond3A_59 = arith.constant 0 : i32
    %cond3A_60 = arith.cmpi ne, %convert_element_type3A_58, %cond3A_59 : i32
    scf.if %cond3A_60 {
      %get3A_61 = arith.constant 0 : index
      %get3A_62 = arith.constant 0 : index
      %get3A_63 = vector.load %arg10[%get3A_61, %get3A_62] : memref<16x128xf32, #tpu.memory_space<vmem>>, vector<16x128xf32>
      %add3A_64 = arith.addf %get3A_63, %dot_general3A_52 : vector<16x128xf32>
      %swap3A_65 = arith.constant 0 : index
      %swap3A_66 = arith.constant 0 : index
      %swap3A_67 = vector.load %arg10[%swap3A_65, %swap3A_66] : memref<16x128xf32, #tpu.memory_space<vmem>>, vector<16x128xf32>
      tpu.vector_store %arg10[%swap3A_65, %swap3A_66], %add3A_64 {strides = array<i32>} : memref<16x128xf32, #tpu.memory_space<vmem>>, vector<16x128xf32>,
    } else {
    }
    return
  }
  func.func @transform_0(%arg0: i32) -> (i32, i32) {
    %c0_i32 = arith.constant 0 : i32
    %c0_i32_0 = arith.constant 0 : i32
    return %arg0, %c0_i32 : i32, i32
  }
  func.func @transform_1(%arg0: i32) -> (i32, i32, i32) {
    %c0_i32 = arith.constant 0 : i32
    %c0_i32_0 = arith.constant 0 : i32
    %c0_i32_1 = arith.constant 0 : i32
    return %c0_i32, %arg0, %c0_i32_0 : i32, i32, i32
  }
  func.func @transform_2(%arg0: i32) -> (i32, i32) {
    %c0_i32 = arith.constant 0 : i32
    %c0_i32_0 = arith.constant 0 : i32
    %c0_i32_1 = arith.constant 0 : i32
    return %c0_i32, %c0_i32_0 : i32, i32
  }
  func.func @transform_3(%arg0: i32) -> (i32, i32) {
    %c0_i32 = arith.constant 0 : i32
    %c0_i32_0 = arith.constant 0 : i32
    %c0_i32_1 = arith.constant 0 : i32
    return %c0_i32, %c0_i32_0 : i32, i32
  }
  func.func @transform_4(%arg0: i32) -> (i32, i32) {
    %c0_i32 = arith.constant 0 : i32
    %c0_i32_0 = arith.constant 0 : i32
    %c0_i32_1 = arith.constant 0 : i32
    return %c0_i32, %c0_i32_0 : i32, i32
  }
  func.func @transform_5(%arg0: i32) -> (i32, i32) {
    %c0_i32 = arith.constant 0 : i32
    %c0_i32_0 = arith.constant 0 : i32
    %c0_i32_1 = arith.constant 0 : i32
    return %c0_i32, %c0_i32_0 : i32, i32
  }
  func.func @transform_6(%arg0: i32) -> (i32, i32) {
    %c0_i32 = arith.constant 0 : i32
    %c0_i32_0 = arith.constant 0 : i32
    %c0_i32_1 = arith.constant 0 : i32
    return %c0_i32, %c0_i32_0 : i32, i32
  }
  func.func @transform_7(%arg0: i32) -> (i32, i32, i32) {
    %c0_i32 = arith.constant 0 : i32
    %c0_i32_0 = arith.constant 0 : i32
    %c0_i32_1 = arith.constant 0 : i32
    return %arg0, %c0_i32, %c0_i32_0 : i32, i32, i32
  }
  func.func @transform_8(%arg0: i32) -> (i32, i32) {
    %c0_i32 = arith.constant 0 : i32
    %c0_i32_0 = arith.constant 0 : i32
    return %arg0, %c0_i32 : i32, i32
  }
  func.func @transform_9(%arg0: i32) -> (i32, i32) {
    %c0_i32 = arith.constant 0 : i32
    %c0_i32_0 = arith.constant 0 : i32
    %c0_i32_1 = arith.constant 0 : i32
    return %c0_i32, %c0_i32_0 : i32, i32
  }
}

module attributes {stable_mosaic.version = 14 : i64} {
  func.func @body(%arg0: memref<16x640xf32, #tpu.memory_space<vmem>>, %arg1: memref<640x128xf32, #tpu.memory_space<vmem>>, %arg2: memref<1x128xf32, #tpu.memory_space<vmem>>, %arg3: memref<128x64xf32, #tpu.memory_space<vmem>>, %arg4: memref<1x64xf32, #tpu.memory_space<vmem>>, %arg5: memref<16x64xf32, #tpu.memory_space<vmem>>) attributes {dimension_semantics = [], scalar_prefetch = 0 : i64, scratch_operands = 0 : i64, tpu.core_type = #tpu.core_type<tc>} {
    %get3A = arith.constant 0 : index
    %get3A_0 = arith.constant 0 : index
    %get3A_1 = vector.load %arg0[%get3A, %get3A_0] : memref<16x640xf32, #tpu.memory_space<vmem>>, vector<16x640xf32>
    %get3A_2 = arith.constant 0 : index
    %get3A_3 = arith.constant 0 : index
    %get3A_4 = vector.load %arg1[%get3A_2, %get3A_3] : memref<640x128xf32, #tpu.memory_space<vmem>>, vector<640x128xf32>
    %dot_general3A = arith.constant dense<0.000000e+00> : vector<16x128xf32>
    %dot_general3A_5 = tpu.matmul %get3A_1, %get3A_4, %dot_general3A {dimension_numbers = #tpu.dot_dimension_numbers<[1], [0], [0], [1], [0, 0, 1, 1], [], []>, transpose_lhs_hint = false} : vector<16x640xf32>, vector<640x128xf32>, vector<16x128xf32> -> vector<16x128xf32>
    %get3A_6 = arith.constant 0 : index
    %get3A_7 = arith.constant 0 : index
    %get3A_8 = vector.load %arg2[%get3A_6, %get3A_7] : memref<1x128xf32, #tpu.memory_space<vmem>>, vector<1x128xf32>
    %add3A = vector.broadcast %get3A_8 : vector<1x128xf32> to vector<16x128xf32>
    %add3A_9 = arith.addf %dot_general3A_5, %add3A : vector<16x128xf32>
    %ge3A = arith.constant 0.000000e+00 : f32
    %ge3A_10 = vector.broadcast %ge3A : f32 to vector<16x128xf32>
    %ge3A_11 = arith.cmpf oge, %add3A_9, %ge3A_10 : vector<16x128xf32>
    %mul3A = arith.constant 0.00999999977 : f32
    %mul3A_12 = vector.broadcast %mul3A : f32 to vector<16x128xf32>
    %mul3A_13 = arith.mulf %mul3A_12, %add3A_9 : vector<16x128xf32>
    %select_n3A = arith.select %ge3A_11, %add3A_9, %mul3A_13 : vector<16x128xi1>, vector<16x128xf32>
    %get3A_14 = arith.constant 0 : index
    %get3A_15 = arith.constant 0 : index
    %get3A_16 = vector.load %arg3[%get3A_14, %get3A_15] : memref<128x64xf32, #tpu.memory_space<vmem>>, vector<128x64xf32>
    %dot_general3A_17 = arith.constant dense<0.000000e+00> : vector<16x64xf32>
    %dot_general3A_18 = tpu.matmul %select_n3A, %get3A_16, %dot_general3A_17 {dimension_numbers = #tpu.dot_dimension_numbers<[1], [0], [0], [1], [0, 0, 1, 1], [], []>, transpose_lhs_hint = false} : vector<16x128xf32>, vector<128x64xf32>, vector<16x64xf32> -> vector<16x64xf32>
    %get3A_19 = arith.constant 0 : index
    %get3A_20 = arith.constant 0 : index
    %get3A_21 = vector.load %arg4[%get3A_19, %get3A_20] : memref<1x64xf32, #tpu.memory_space<vmem>>, vector<1x64xf32>
    %add3A_22 = vector.broadcast %get3A_21 : vector<1x64xf32> to vector<16x64xf32>
    %add3A_23 = arith.addf %dot_general3A_18, %add3A_22 : vector<16x64xf32>
    %neg3A = arith.constant 0.000000e+00 : f32
    %neg3A_24 = vector.broadcast %neg3A : f32 to vector<16x64xf32>
    %neg3A_25 = arith.subf %neg3A_24, %add3A_23 : vector<16x64xf32>
    %exp3A = math.exp %neg3A_25 : vector<16x64xf32>
    %add3A_26 = arith.constant 1.000000e+00 : f32
    %add3A_27 = vector.broadcast %add3A_26 : f32 to vector<16x64xf32>
    %add3A_28 = arith.addf %add3A_27, %exp3A : vector<16x64xf32>
    %div3A = arith.constant 1.000000e+00 : f32
    %div3A_29 = vector.broadcast %div3A : f32 to vector<16x64xf32>
    %div3A_30 = arith.divf %div3A_29, %add3A_28 : vector<16x64xf32>
    %swap3A = arith.constant 0 : index
    %swap3A_31 = arith.constant 0 : index
    %swap3A_32 = vector.load %arg5[%swap3A, %swap3A_31] : memref<16x64xf32, #tpu.memory_space<vmem>>, vector<16x64xf32>
    tpu.vector_store %arg5[%swap3A, %swap3A_31], %div3A_30 {strides = array<i32>} : memref<16x64xf32, #tpu.memory_space<vmem>>, vector<16x64xf32>,
    return
  }
}

</mosaic_0001>

<sc_bundles>
// kernel: kernel.13.cloned.1.call-start
scs
__scs_entry_jumppad:
0x0: {  	(pc) =	sbr.rel $0x88, $3  }
0x1: {  	(tag) =	ssettag $0x0;
	lr =	simm.s32 $0x1  }
0x2: {  	[smem:$0x3F94] =	sst lr;
	_ =	strace $0xD0000000  }
0x3: {  	_ = 	snop  }
0x4: {  	_ = 	snop  }
0x5: {  	_ = 	snop  }
0x6: {  	_ = 	snop  }
0x7: {  	_ = 	snop  }
__scs_overlays_trampoline_lowered:
0x8: {  	[smem:$0x3FA3] =	sst s0  }
0x9: {  	[smem:$0x3FA4] =	sst s1  }
0xa: {  	[smem:$0x3FA5] =	sst s2  }
0xb: {  	[smem:$0x3FA6] =	sst s3  }
0xc: {  	[smem:$0x3FA7] =	sst s4  }
0xd: {  	[smem:$0x3FA8] =	sst s5  }
0xe: {  	[smem:$0x3FA9] =	sst s6  }
0xf: {  	[smem:$0x3FAA] =	sst s7  }
0x10: {  	[smem:$0x3FAB] =	sst s8  }
0x11: {  	[smem:$0x3FAC] =	sst s9;
	s0 =	simm.s32 @!p0 $0x0  }
0x12: {  	s1 =	sld [smem:$0x3F92];
	s0 =	simm.s32 @p0 $0x1  }
0x13: {  	[smem:$0x3FAD] =	sst s0;
	s0 =	simm.s32 @!p1 $0x0  }
0x14: {  	s2 =	sld [smem:$0x3F91];
	s0 =	simm.s32 @p1 $0x1  }
0x15: {  	[smem:$0x3FAE] =	sst s0;
	s0 =	simm.s32 @!p2 $0x0  }
0x16: {  	s3 =	sld [smem:$0x3FDB];
	s0 =	simm.s32 @p2 $0x1  }
0x17: {  	s4 =	simm.s32 $0x1BF5;
	[smem:$0x3FB0] =	sst s0  }
0x18: {  	s0 =	sld [smem:$0x3F93];
	_ =	swait.ge [sflag:s4], $0x0  }
0x19: {  	s7 =	sld [smem:$0x3F94]  }
0x1a: {  	s8 =	sadd.s32 $0xFFFFE003, lr  }
0x1b: {  	s9 =	sadd.s32 $0xFFFFFEF7, lr;
	s5 =	simm.s32 $0xFFFFFFFF;
	p2 =	slt.u32 s8, $0xFFFFF086  }
0x1c: {  	p1 =	slt.u32 s9, $0xF7A;
	s5 =	simm.s32 @!p2 $0x0  }
0x1d: {  	s5 =	simm.s32 @p1 $0x1;
	p0 =	seq.s32 s7, s2  }
0x1e: {  	s7 =	smul.u32 @!p0 $0xF7A, s2;
	p2 =	seq.s32 @!p0 s5, $0x0  }
0x1f: {  	s9 =	smul.u32 $0xF7A, s1;
	s8 =	simm.s32 @!p0 $0x1BF5;
	p2 =	por !p2, p0  }
0x20: {  	[sflag:s8] =	ssyncset.s32 @!p0 $0xFFFFF086;
	s6 =	sadd.s32 @!p0 s3, s7;
	s7 =	simm.s32 @!p0 $0x108  }
0x21: {  	s3 =	sadd.s32 s3, s9;
	s6 =	sadd.s32 @!p0 $0x88, s6;
	s7 =	simm.s32 @p2 $0x1082  }
0x22: {  	[simem:s7], [sflag:s8] =	dma.local @!p0 [hbm:s6], $0xF7A  }
0x23: {  	s9 =	sor.u32 $0xD0000000, s2;
	s6 =	simm.s32 $0x108;
	_ =	swait.ge @!p0 [sflag:s8], $0x0  }
0x24: {  	s3 =	sadd.s32 $0x88, s3;
	s6 =	simm.s32 @!p1 $0x1082;
	[sflag:s4] =	ssyncset.s32 $0xFFFFF086  }
0x25: {  	[simem:s6], [sflag:s4] =	dma.local [hbm:s3], $0xF7A  }
0x26: {  	[smem:$0x3F94] =	sst s1;
	(tag) =	ssettag s2;
	_ =	strace s9  }
0x27: {  	s1 =	sld [smem:$0x3FA4]  }
0x28: {  	s2 =	sld [smem:$0x3FA5]  }
0x29: {  	s4 =	sld [smem:$0x3FA7]  }
0x2a: {  	p0 =	seq.s32 s5, $0x0;
	s5 =	sld [smem:$0x3FA8]  }
0x2b: {  	s6 =	sld [smem:$0x3FA9]  }
0x2c: {  	s7 =	sld [smem:$0x3FAA]  }
0x2d: {  	s3 =	simm.s32 $0x108;
	s8 =	sld [smem:$0x3FAB]  }
0x2e: {  	s3 =	simm.s32 @!p0 $0x1082;
	s9 =	sld [smem:$0x3FAC]  }
0x2f: {  	lr =	sadd.s32 s0, s3;
	s0 =	sld [smem:$0x3FA3]  }
0x30: {  	s3 =	sld [smem:$0x3FA6]  }
0x31: {  	[smem:$0x3FAF] =	sst s10  }
0x32: {  	s10 =	sld [smem:$0x3FAD];
	_ =	sdelay $0x3  }
0x33: {  	p0 =	seq.s32 s10, $0x1;
	s10 =	sld [smem:$0x3FAF];
	_ =	sdelay $0x3  }
0x34: {  	[smem:$0x3FAF] =	sst s10  }
0x35: {  	s10 =	sld [smem:$0x3FAE];
	_ =	sdelay $0x3  }
0x36: {  	p1 =	seq.s32 s10, $0x1;
	s10 =	sld [smem:$0x3FAF];
	_ =	sdelay $0x3  }
0x37: {  	[smem:$0x3FAF] =	sst s10  }
0x38: {  	s10 =	sld [smem:$0x3FB0]  }
0x39: {  	_ = 	snop;
	(pc) =	sbr.ind lr, $3  }
0x3a: {  	_ = 	snop  }
0x3b: {  	_ = 	snop  }
0x3c: {  	p2 =	seq.s32 s10, $0x1;
	s10 =	sld [smem:$0x3FAF]  }
0x3d: {  	_ =	shalt  }
0x3e: {  	_ =	shalt  }
0x3f: {  	_ =	shalt  }
0x40: {  	_ =	shalt  }
0x41: {  	_ =	shalt  }
0x42: {  	_ =	shalt  }
0x43: {  	_ =	shalt  }
0x44: {  	_ =	shalt  }
0x45: {  	_ =	shalt  }
0x46: {  	_ =	shalt  }
0x47: {  	_ =	shalt  }
0x48: {  	_ =	shalt  }
0x49: {  	_ =	shalt  }
0x4a: {  	_ =	shalt  }
0x4b: {  	_ =	shalt  }
0x4c: {  	_ =	shalt  }
0x4d: {  	_ =	shalt  }
0x4e: {  	_ =	shalt  }
0x4f: {  	_ =	shalt  }
0x50: {  	_ =	shalt  }
0x51: {  	_ =	shalt  }
0x52: {  	_ =	shalt  }
0x53: {  	_ =	shalt  }
0x54: {  	_ =	shalt  }
0x55: {  	_ =	shalt  }
0x56: {  	_ =	shalt  }
0x57: {  	_ =	shalt  }
0x58: {  	_ =	shalt  }
0x59: {  	_ =	shalt  }
0x5a: {  	_ =	shalt  }
0x5b: {  	_ =	shalt  }
0x5c: {  	_ =	shalt  }
0x5d: {  	_ =	shalt  }
0x5e: {  	_ =	shalt  }
0x5f: {  	_ =	shalt  }
0x60: {  	_ =	shalt  }
0x61: {  	_ =	shalt  }
0x62: {  	_ =	shalt  }
0x63: {  	_ =	shalt  }
0x64: {  	_ =	shalt  }
0x65: {  	_ =	shalt  }
0x66: {  	_ =	shalt  }
0x67: {  	_ =	shalt  }
0x68: {  	_ =	shalt  }
0x69: {  	_ =	shalt  }
0x6a: {  	_ =	shalt  }
0x6b: {  	_ =	shalt  }
0x6c: {  	_ =	shalt  }
0x6d: {  	_ =	shalt  }
0x6e: {  	_ =	shalt  }
0x6f: {  	_ =	shalt  }
0x70: {  	_ =	shalt  }
0x71: {  	_ =	shalt  }
0x72: {  	_ =	shalt  }
0x73: {  	_ =	shalt  }
0x74: {  	_ =	shalt  }
0x75: {  	_ =	shalt  }
0x76: {  	_ =	shalt  }
0x77: {  	_ =	shalt  }
0x78: {  	_ =	shalt  }
0x79: {  	_ =	shalt  }
0x7a: {  	_ =	shalt  }
0x7b: {  	_ =	shalt  }
0x7c: {  	_ =	shalt  }
0x7d: {  	_ =	shalt  }
0x7e: {  	_ =	shalt  }
0x7f: {  	_ =	shalt  }
0x80: {  	_ =	shalt  }
0x81: {  	_ =	shalt  }
0x82: {  	_ =	shalt  }
0x83: {  	_ =	shalt  }
0x84: {  	_ =	shalt  }
0x85: {  	_ =	shalt  }
0x86: {  	_ =	shalt  }
0x87: {  	_ =	shalt  }
.Lfunc_end0:
.L_simem_size_0:
called_computation_lowered:
.L_overlay_start_0:
0x88: {  	s2 =	sld [smem:$0x3FD9]  }
0x89: {  	s3 =	sld [smem:$0x3FFE];
	_ =	sdelay $0x1  }
0x8a: {  	s1 =	srdreg.scid  }
0x8b: {  	s0 =	sand.u32 $0x1, s1  }
0x8c: {  	s17 =	sshll.u32 s0, $0xA;
	s2 =	sadd.s32 s3, s2  }
0x8d: {  	s2 =	sadd.s32 s2, s17  }
0x8e: {  	[smem:$0x3FBB] =	sst s2  }
0x8f: {  	_ = 	snop  }
0x90: {  	s2 =	sld [smem:$0x3FC9];
	(tm) =	ssettm $0x1  }
0x91: {  	s18 =	sld [smem:$0x3FFB];
	_ =	sdelay $0x3  }
0x92: {  	_ =	strace s18  }
0x93: {  	s3 =	sld [smem:$0x3FFC];
	_ =	sdelay $0x3  }
0x94: {  	_ =	strace s3  }
0x95: {  	s3 =	sld [smem:$0x3FFD];
	_ =	sdelay $0x3  }
0x96: {  	_ =	strace s3  }
0x97: {  	_ =	strace $0x8FFFFFFF  }
0x98: {  	s19 =	sld [smem:$0x3FDB];
	_ =	sdelay $0x1  }
0x99: {  	s4 =	simm.s32 $_scs_section_size  }
0x9a: {  	s5 =	simm.s32 $_size__tile_overlayer_lowered;
	s6 =	simm.s32 $_tile_overlayer_lowered  }
0x9b: {  	s22 =	simm.s32 $0x1BFF;
	s21 =	sshll.u32 s6, $0x1;
	s3 =	sadd.s32 s4, s19  }
0x9c: {  	s7 =	simm.s32 $0x0;
	s20 =	sshll.u32 s5, $0x1;
	s5 =	sadd.s32 s21, s3  }
0x9d: {  	[timem:s7], [sflag:s22] =	dma.local [hbm:s5], s20  }
0x9e: {  	_ =	swait.ge [sflag:s22], s20  }
0x9f: {  	s4 =	ssub.s32 $0x0, s20;
	[sflag:s22] =	ssyncset.done $0x0  }
0xa0: {  	[sflag:s22] =	ssyncadd.s32 s4;
	_ =	sdelay $0x1  }
0xa1: {  	s23 =	simm.s32 $0x1B8B  }
0xa2: {  	_ =	swait.ge [sflag:s23], $0x1  }
0xa3: {  	[sflag:s23] =	ssyncset.done $0x0  }
0xa4: {  	s25 =	simm.s32 $0x1B8E;
	s24 =	sld [smem:$0x3FFE];
	[sflag:s23] =	ssyncadd.s32 $0xFFFFFFFF  }
0xa5: {  	s26 =	simm.s32 $execute0_lowered;
	[smem:$0x3FD2] =	sst s25  }
0xa6: {  	s5 =	sshll.u32 s26, $0x1;
	_ =	strace $0x80000046;
	[dreg:$0x1] =	wrdreg $0xFFFFFFFF  }
0xa7: {  	s28 =	simm.s32 $_size_execute0_lowered;
	s3 =	sadd.s32 s3, s5;
	[dreg:$0x0] =	wrdreg $0x0  }
0xa8: {  	s5 =	sshll.u32 s28, $0x1;
	[dreg:$0x2] =	wrdreg s3  }
0xa9: {  	[dreg:$0x3] =	wrdreg s5  }
0xaa: {  	[dreg:$0x4] =	wrdreg $0xC0  }
0xab: {  	_ =	task [dreg:s7], $0x5FFFF  }
0xac: {  	[dreg:$0x1] =	wrdreg $0xFFFFFFFF  }
0xad: {  	[dreg:$0x0] =	wrdreg $0x60  }
0xae: {  	[dreg:$0x2] =	wrdreg s2  }
0xaf: {  	[dreg:$0x3] =	wrdreg s24  }
0xb0: {  	[dreg:$0x4] =	wrdreg $0x90000  }
0xb1: {  	[dreg:$0x5] =	wrdreg $0x9  }
0xb2: {  	_ =	task.clear_ibuf [dreg:s7], $0x6FFFF;
	_ =	strace $0x90000046  }
0xb3: {  	s29 =	simm.s32 $0x9;
	_ =	strace $0x80000048  }
0xb4: {  	_ =	swait.ge [sflag:s29], $0x1  }
0xb5: {  	[sflag:s29] =	ssyncadd.s32 $0xFFFFFFFF  }
0xb6: {  	_ =	strace $0x90000048  }
0xb7: {  	_ =	sfence  }
0xb8: {  	s30 =	sld [smem:$0x0];
	_ =	sdelay $0x2  }
0xb9: {  	s31 =	sshll.u32 s1, $0xD;
	s1 =	sshrl.u32 s1, $0x2  }
0xba: {  	s3 =	sand.u32 $0x4000, s31;
	s1 =	sadd.s32 s1, s30  }
0xbb: {  	s0 =	sor.u32 s3, s0;
	s1 =	sshll.u32 s1, $0x11  }
0xbc: {  	s0 =	sor.u32 s1, s0  }
0xbd: {  	s0 =	sadd.s32 $0x8F2B, s0  }
0xbe: {  	[sflag:s0] =	ssyncadd.remote.s32 $0x1  }
0xbf: {  	_ =	sfence.sel $0xFFFF  }
0xc0: {  	[dreg:$0x0] =	wrdreg $0xFFFFFFFF;
	(pc) =	sbr.abs _section_cstart, $3  }
0xc1: {  	[dreg:$0x1] =	wrdreg $0xFFFFFFFF  }
0xc2: {  	_ =	task.clear_ibuf [dreg:s7], $0x2FFFF;
	_ =	strace $0x9FFFFFFF  }
0xc3: {  	(tm) =	ssettm $0x7FFFFFFF  }
tec
execute0_lowered:
.L_overlay_start_1:
0x0: {  	(tag) =	ssettag $0x1  }
0x1: {  	s1 =	rddreg [dreg:$0x0]  }
0x2: {  	s0 =	srdreg.scid;
	s7 =	rddreg [dreg:$0x1]  }
0x3: {  	s3 =	rddreg [dreg:$0x2];
	s4 =	simm.s32 $0x0;
	s16 =	simm.s32 $0x80  }
0x4: {  	s17 =	simm.s32 $0x5000;
	s18 =	simm.s32 $0x1;
	s19 =	simm.s32 $0x0  }
0x5: {  	s6 =	sand.u32 $0x1, s0;
	s0 =	stileid.u32;
	[smem:$0x7FF] =	sst s4  }
0x6: {  	s12 =	sadd.s32 $0x1D600, s7;
	s15 =	sadd.s32 $0x138000, s3;
	s9 =	smul.u32 $0x4E000, s0  }
0x7: {  	s2 =	sshll.u32 s6, $0x4;
	s10 =	ssub.s32 $0x2, s6;
	s11 =	smul.u32 $0x138800, s6  }
0x8: {  	s13 =	smul.u32 $0x13800, s0;
	p0 =	sne.s32 s0, $0xF;
	s31 =	sshll.u32 s0, $0x6  }
0x9: {  	s5 =	sor.u32 s0, s2;
	s2 =	rddreg [dreg:$0x3];
	_ =	strace $0x80000047  }
0xa: {  	s25 =	sshrl.u32 s10, $0x1;
	s15 =	sshrl.u32 @!p0 s15, $0x3;
	s5 =	smul.u32 $0x500, s5  }
0xb: {  	s10 =	ssub.s32 s10, s25;
	s26 =	sshrl.u32 s9, $0x2;
	s28 =	sadd.s32 s13, s11  }
0xc: {  	s11 =	sshrl.u32 s11, $0x3;
	s13 =	sor.u32 $0x1C02, s31;
	s14 =	sadd.s32 s26, s3  }
0xd: {  	s29 =	sshrl.u32 s28, $0x3;
	s30 =	sadd.s32 s12, s11;
	s10 =	smax.u32 s10, $0x1  }
0xe: {  	s11 =	simm.s32 $0x2;
	s8 =	sadd.s32 s5, s7;
	s5 =	sadd.s32 $0x1AE00, s7  }
0xf: {  	s9 =	sadd.s32 $0x27000, s30;
	s14 =	sshrl.u32 s14, $0x3;
	s6 =	sadd.s32 $0x6E00, s8  }
0x10: {  	s7 =	sadd.s32 $0x10E00, s8;
	s8 =	sadd.s32 s12, s29;
	s12 =	simm.s32 $0x2800  }
.LBB2_1:
0x11: {  	[tilespmem:s4], [sflag:$0x2] =	stream.linear.gather [hbm4b:s6+s4], $0x2800, $0x38;
	[tilespmem:$0x1D080] =	vst v63  }
0x12: {  	_ =	swait.ge [sflag:s11], $0x2800  }
0x13: {  	[sflag:s11] =	ssyncset.done $0x0  }
0x14: {  	[sflag:s11] =	ssyncadd.s32 $0xFFFFD800  }
0x15: {  	[tilespmem:s12], [sflag:$0x2] =	stream.linear.gather [hbm4b:s7+s4], $0x2800, $0x38;
	[tilespmem:$0x1D080] =	vst v63  }
0x16: {  	_ =	swait.ge [sflag:s11], $0x2800  }
0x17: {  	[sflag:s11] =	ssyncset.done $0x0  }
0x18: {  	[sflag:s11] =	ssyncadd.s32 $0xFFFFD800  }
0x19: {  	[spmem:s14], [sflag:s13] =	dma.local [hbm:s5], $0x2700  }
0x1a: {  	_ =	swait.ge [sflag:s11], $0x2700  }
0x1b: {  	[sflag:s11] =	ssyncset.done $0x0  }
0x1c: {  	s20 =	simm.s32 @!p0 $0x2;
	[sflag:s11] =	ssyncadd.s32 $0xFFFFD900  }
0x1d: {  	[spmem:s15], [sflag:s13] =	dma.local @!p0 [hbm:s5], $0x100  }
0x1e: {  	_ =	swait.ge @!p0 [sflag:s20], $0x100  }
0x1f: {  	[sflag:s20] =	ssyncset.done @!p0 $0x0  }
0x20: {  	[sflag:s20] =	ssyncadd.s32 @!p0 $0xFFFFFF00  }
0x21: {  	s30 =	simm.s32 $0x0;
	[bflag:$0x0] =	sbarrier.arrive $0xFFFF  }
0x22: {  	[tilespmem:s17], [sflag:$0x1] =	stream.indirect.gather [hbm4b:s1+s16], $0x80, s30, s16, $0xb8;
	[tilespmem:$0x1D080] =	vst v63  }
0x23: {  	_ =	swait.ge [sflag:s18], $0x4000  }
0x24: {  	[sflag:s18] =	ssyncset.done $0x0  }
0x25: {  	s31 =	simm.s32 $0x2800;
	[sflag:s18] =	ssyncadd.s32 $0xFFFFC000  }
0x26: {  	[spmem:s3] =	stream.indirect.scatter.add.f32 [tilespmem:s17], [sflag:$0x2], $0x80, s31, s16, $0xb8;
	[tilespmem:$0x1D080] =	vst v63  }
0x27: {  	_ =	swait.ge [sflag:s11], $0x4000  }
0x28: {  	s21 =	simm.s32 $0x400;
	s20 =	simm.s32 $0x200;
	[sflag:s11] =	ssyncset.done $0x0  }
.LBB2_2:
0x29: {  	s22 =	sshra.s32 s20, $0x2  }
0x2a: {  	[sflag:s11] =	ssyncadd.s32 $0xFFFFC000;
	s20 =	smov.u32 s21;
	s23 =	sadd.s32 $0x200, s21  }
0x2b: {  	[tilespmem:s17], [sflag:$0x1] =	stream.indirect.gather [hbm4b:s1+s16], $0x80, s22, s16, $0xb8;
	[tilespmem:$0x1D080] =	vst v63  }
0x2c: {  	p1 =	sne.s32 s21, $0x9E00;
	_ =	swait.ge [sflag:s18], $0x4000  }
.Ltmp0:
0x2d: {  	[sflag:s18] =	ssyncset.done $0x0;
	(pc) =	sbr.rel @p1 .LBB2_2-.Ltmp0, $4  }
0x2e: {  	s21 =	sadd.s32 $0x2800, s22;
	[sflag:s18] =	ssyncadd.s32 $0xFFFFC000  }
0x2f: {  	[spmem:s3] =	stream.indirect.scatter.add.f32 [tilespmem:s17], [sflag:$0x2], $0x80, s21, s16, $0xb8;
	[tilespmem:$0x1D080] =	vst v63  }
0x30: {  	_ =	swait.ge [sflag:s11], $0x4000  }
0x31: {  	s21 =	smov.u32 s23;
	[sflag:s11] =	ssyncset.done $0x0  }
0x32: {  	s20 =	sshra.s32 s20, $0x2;
	[sflag:s11] =	ssyncadd.s32 $0xFFFFC000  }
0x33: {  	[tilespmem:s17], [sflag:$0x1] =	stream.indirect.gather [hbm4b:s1+s16], $0x80, s20, s16, $0xb8;
	[tilespmem:$0x1D080] =	vst v63  }
0x34: {  	_ =	swait.ge [sflag:s18], $0x4000  }
0x35: {  	[sflag:s18] =	ssyncset.done $0x0  }
0x36: {  	s20 =	sadd.s32 $0x2800, s20;
	[sflag:s18] =	ssyncadd.s32 $0xFFFFC000  }
0x37: {  	[spmem:s3] =	stream.indirect.scatter.add.f32 [tilespmem:s17], [sflag:$0x2], $0x80, s20, s16, $0xb8;
	[tilespmem:$0x1D080] =	vst v63  }
0x38: {  	_ =	swait.ge [sflag:s11], $0x4000  }
0x39: {  	[sflag:s11] =	ssyncset.done $0x0  }
0x3a: {  	[sflag:s11] =	ssyncadd.s32 $0xFFFFC000  }
0x3b: {  	[bflag:$0x0] =	sbarrier.arrive $0xFFFF  }
0x3c: {  	[hbm:s8], [sflag:s13] =	dma.local [spmem:s14], $0x2700  }
0x3d: {  	s19 =	sadd.s32 $0x1, s19;
	_ =	swait.ge [sflag:s11], $0x2700  }
0x3e: {  	p1 =	sne.s32 s19, s10;
	[sflag:s11] =	ssyncset.done $0x0  }
.Ltmp1:
0x3f: {  	s20 =	simm.s32 @!p0 $0x2;
	[sflag:s11] =	ssyncadd.s32 $0xFFFFD900;
	(pc) =	sbr.rel @p1 .LBB2_1-.Ltmp1, $4  }
0x40: {  	[hbm:s9], [sflag:s13] =	dma.local @!p0 [spmem:s15], $0x100  }
0x41: {  	_ =	swait.ge @!p0 [sflag:s20], $0x100  }
0x42: {  	[sflag:s20] =	ssyncset.done @!p0 $0x0  }
0x43: {  	[sflag:s20] =	ssyncadd.s32 @!p0 $0xFFFFFF00  }
0x44: {  	_ =	sfence.sel $0x180000  }
0x45: {  	[bflag:$0x0] =	sbarrier.arrive $0xFFFF  }
0x46: {  	p0 =	sne.s32 s0, $0x0;
	_ =	strace $0x90000047  }
0x47: {  	s0 =	sadd.s32 @!p0 $0x100000, s2;
	[bflag:$0x2] =	sbarrier.arrive $0xFFFF  }
0x48: {  	[sflag:s0] =	ssyncadd.tile.s32 @!p0 $0x1;
	_ =	shalt  }
.Lfunc_end2:
_tile_overlayer_lowered:
.L_overlay_start_2:
0x49: {  	(tag) =	ssettag $0x2  }
0x4a: {  	s0 =	rddreg [dreg:$0x0];
	s2 =	stileid.u32  }
0x4b: {  	s1 =	rddreg [dreg:$0x1];
	p0 =	sne.s32 s2, $0x0  }
0x4c: {  	s3 =	rddreg [dreg:$0x2];
	[bflag:$0x3] =	sbarrier.arrive $0xFFFF;
	s2 =	simm.s32 @!p0 $0x1C02  }
0x4d: {  	[timem:s3], [sflag:s2] =	dma.local @!p0 [hbm:s0], s1  }
0x4e: {  	s0 =	simm.s32 @!p0 $0x2  }
0x4f: {  	_ =	swait.ge @!p0 [sflag:s0], s1  }
0x50: {  	s1 =	ssub.s32 @!p0 $0x0, s1;
	[sflag:s0] =	ssyncset.done @!p0 $0x0  }
0x51: {  	[sflag:s0] =	ssyncadd.s32 @!p0 s1  }
0x52: {  	[bflag:$0x3] =	sbarrier.arrive $0xFFFF  }
0x53: {  	_ =	shalt  }

// kernel: kernel.16.cloned.1.call-start
scs
__scs_entry_jumppad:
0x0: {  	(pc) =	sbr.rel $0x88, $3  }
0x1: {  	(tag) =	ssettag $0x0;
	lr =	simm.s32 $0x1  }
0x2: {  	[smem:$0x3F94] =	sst lr;
	_ =	strace $0xD0000000  }
0x3: {  	_ = 	snop  }
0x4: {  	_ = 	snop  }
0x5: {  	_ = 	snop  }
0x6: {  	_ = 	snop  }
0x7: {  	_ = 	snop  }
__scs_overlays_trampoline_lowered:
0x8: {  	[smem:$0x3FA3] =	sst s0  }
0x9: {  	[smem:$0x3FA4] =	sst s1  }
0xa: {  	[smem:$0x3FA5] =	sst s2  }
0xb: {  	[smem:$0x3FA6] =	sst s3  }
0xc: {  	[smem:$0x3FA7] =	sst s4  }
0xd: {  	[smem:$0x3FA8] =	sst s5  }
0xe: {  	[smem:$0x3FA9] =	sst s6  }
0xf: {  	[smem:$0x3FAA] =	sst s7  }
0x10: {  	[smem:$0x3FAB] =	sst s8  }
0x11: {  	[smem:$0x3FAC] =	sst s9;
	s0 =	simm.s32 @!p0 $0x0  }
0x12: {  	s1 =	sld [smem:$0x3F92];
	s0 =	simm.s32 @p0 $0x1  }
0x13: {  	[smem:$0x3FAD] =	sst s0;
	s0 =	simm.s32 @!p1 $0x0  }
0x14: {  	s2 =	sld [smem:$0x3F91];
	s0 =	simm.s32 @p1 $0x1  }
0x15: {  	[smem:$0x3FAE] =	sst s0;
	s0 =	simm.s32 @!p2 $0x0  }
0x16: {  	s3 =	sld [smem:$0x3FDB];
	s0 =	simm.s32 @p2 $0x1  }
0x17: {  	s4 =	simm.s32 $0x1BF5;
	[smem:$0x3FB0] =	sst s0  }
0x18: {  	s0 =	sld [smem:$0x3F93];
	_ =	swait.ge [sflag:s4], $0x0  }
0x19: {  	s7 =	sld [smem:$0x3F94]  }
0x1a: {  	s8 =	sadd.s32 $0xFFFFE003, lr  }
0x1b: {  	s9 =	sadd.s32 $0xFFFFFEF7, lr;
	s5 =	simm.s32 $0xFFFFFFFF;
	p2 =	slt.u32 s8, $0xFFFFF086  }
0x1c: {  	p1 =	slt.u32 s9, $0xF7A;
	s5 =	simm.s32 @!p2 $0x0  }
0x1d: {  	s5 =	simm.s32 @p1 $0x1;
	p0 =	seq.s32 s7, s2  }
0x1e: {  	s7 =	smul.u32 @!p0 $0xF7A, s2;
	p2 =	seq.s32 @!p0 s5, $0x0  }
0x1f: {  	s9 =	smul.u32 $0xF7A, s1;
	s8 =	simm.s32 @!p0 $0x1BF5;
	p2 =	por !p2, p0  }
0x20: {  	[sflag:s8] =	ssyncset.s32 @!p0 $0xFFFFF086;
	s6 =	sadd.s32 @!p0 s3, s7;
	s7 =	simm.s32 @!p0 $0x108  }
0x21: {  	s3 =	sadd.s32 s3, s9;
	s6 =	sadd.s32 @!p0 $0x88, s6;
	s7 =	simm.s32 @p2 $0x1082  }
0x22: {  	[simem:s7], [sflag:s8] =	dma.local @!p0 [hbm:s6], $0xF7A  }
0x23: {  	s9 =	sor.u32 $0xD0000000, s2;
	s6 =	simm.s32 $0x108;
	_ =	swait.ge @!p0 [sflag:s8], $0x0  }
0x24: {  	s3 =	sadd.s32 $0x88, s3;
	s6 =	simm.s32 @!p1 $0x1082;
	[sflag:s4] =	ssyncset.s32 $0xFFFFF086  }
0x25: {  	[simem:s6], [sflag:s4] =	dma.local [hbm:s3], $0xF7A  }
0x26: {  	[smem:$0x3F94] =	sst s1;
	(tag) =	ssettag s2;
	_ =	strace s9  }
0x27: {  	s1 =	sld [smem:$0x3FA4]  }
0x28: {  	s2 =	sld [smem:$0x3FA5]  }
0x29: {  	s4 =	sld [smem:$0x3FA7]  }
0x2a: {  	p0 =	seq.s32 s5, $0x0;
	s5 =	sld [smem:$0x3FA8]  }
0x2b: {  	s6 =	sld [smem:$0x3FA9]  }
0x2c: {  	s7 =	sld [smem:$0x3FAA]  }
0x2d: {  	s3 =	simm.s32 $0x108;
	s8 =	sld [smem:$0x3FAB]  }
0x2e: {  	s3 =	simm.s32 @!p0 $0x1082;
	s9 =	sld [smem:$0x3FAC]  }
0x2f: {  	lr =	sadd.s32 s0, s3;
	s0 =	sld [smem:$0x3FA3]  }
0x30: {  	s3 =	sld [smem:$0x3FA6]  }
0x31: {  	[smem:$0x3FAF] =	sst s10  }
0x32: {  	s10 =	sld [smem:$0x3FAD];
	_ =	sdelay $0x3  }
0x33: {  	p0 =	seq.s32 s10, $0x1;
	s10 =	sld [smem:$0x3FAF];
	_ =	sdelay $0x3  }
0x34: {  	[smem:$0x3FAF] =	sst s10  }
0x35: {  	s10 =	sld [smem:$0x3FAE];
	_ =	sdelay $0x3  }
0x36: {  	p1 =	seq.s32 s10, $0x1;
	s10 =	sld [smem:$0x3FAF];
	_ =	sdelay $0x3  }
0x37: {  	[smem:$0x3FAF] =	sst s10  }
0x38: {  	s10 =	sld [smem:$0x3FB0]  }
0x39: {  	_ = 	snop;
	(pc) =	sbr.ind lr, $3  }
0x3a: {  	_ = 	snop  }
0x3b: {  	_ = 	snop  }
0x3c: {  	p2 =	seq.s32 s10, $0x1;
	s10 =	sld [smem:$0x3FAF]  }
0x3d: {  	_ =	shalt  }
0x3e: {  	_ =	shalt  }
0x3f: {  	_ =	shalt  }
0x40: {  	_ =	shalt  }
0x41: {  	_ =	shalt  }
0x42: {  	_ =	shalt  }
0x43: {  	_ =	shalt  }
0x44: {  	_ =	shalt  }
0x45: {  	_ =	shalt  }
0x46: {  	_ =	shalt  }
0x47: {  	_ =	shalt  }
0x48: {  	_ =	shalt  }
0x49: {  	_ =	shalt  }
0x4a: {  	_ =	shalt  }
0x4b: {  	_ =	shalt  }
0x4c: {  	_ =	shalt  }
0x4d: {  	_ =	shalt  }
0x4e: {  	_ =	shalt  }
0x4f: {  	_ =	shalt  }
0x50: {  	_ =	shalt  }
0x51: {  	_ =	shalt  }
0x52: {  	_ =	shalt  }
0x53: {  	_ =	shalt  }
0x54: {  	_ =	shalt  }
0x55: {  	_ =	shalt  }
0x56: {  	_ =	shalt  }
0x57: {  	_ =	shalt  }
0x58: {  	_ =	shalt  }
0x59: {  	_ =	shalt  }
0x5a: {  	_ =	shalt  }
0x5b: {  	_ =	shalt  }
0x5c: {  	_ =	shalt  }
0x5d: {  	_ =	shalt  }
0x5e: {  	_ =	shalt  }
0x5f: {  	_ =	shalt  }
0x60: {  	_ =	shalt  }
0x61: {  	_ =	shalt  }
0x62: {  	_ =	shalt  }
0x63: {  	_ =	shalt  }
0x64: {  	_ =	shalt  }
0x65: {  	_ =	shalt  }
0x66: {  	_ =	shalt  }
0x67: {  	_ =	shalt  }
0x68: {  	_ =	shalt  }
0x69: {  	_ =	shalt  }
0x6a: {  	_ =	shalt  }
0x6b: {  	_ =	shalt  }
0x6c: {  	_ =	shalt  }
0x6d: {  	_ =	shalt  }
0x6e: {  	_ =	shalt  }
0x6f: {  	_ =	shalt  }
0x70: {  	_ =	shalt  }
0x71: {  	_ =	shalt  }
0x72: {  	_ =	shalt  }
0x73: {  	_ =	shalt  }
0x74: {  	_ =	shalt  }
0x75: {  	_ =	shalt  }
0x76: {  	_ =	shalt  }
0x77: {  	_ =	shalt  }
0x78: {  	_ =	shalt  }
0x79: {  	_ =	shalt  }
0x7a: {  	_ =	shalt  }
0x7b: {  	_ =	shalt  }
0x7c: {  	_ =	shalt  }
0x7d: {  	_ =	shalt  }
0x7e: {  	_ =	shalt  }
0x7f: {  	_ =	shalt  }
0x80: {  	_ =	shalt  }
0x81: {  	_ =	shalt  }
0x82: {  	_ =	shalt  }
0x83: {  	_ =	shalt  }
0x84: {  	_ =	shalt  }
0x85: {  	_ =	shalt  }
0x86: {  	_ =	shalt  }
0x87: {  	_ =	shalt  }
.Lfunc_end0:
.L_simem_size_0:
called_computation.1_lowered:
.L_overlay_start_0:
0x88: {  	s2 =	sld [smem:$0x3FD9]  }
0x89: {  	s3 =	sld [smem:$0x3FFE];
	_ =	sdelay $0x1  }
0x8a: {  	s1 =	srdreg.scid  }
0x8b: {  	s0 =	sand.u32 $0x1, s1  }
0x8c: {  	s16 =	sshll.u32 s0, $0xA;
	s2 =	sadd.s32 s3, s2  }
0x8d: {  	s2 =	sadd.s32 s2, s16  }
0x8e: {  	[smem:$0x3FBB] =	sst s2  }
0x8f: {  	_ = 	snop  }
0x90: {  	(tm) =	ssettm $0x1  }
0x91: {  	s17 =	sld [smem:$0x3FFB];
	_ =	sdelay $0x3  }
0x92: {  	_ =	strace s17  }
0x93: {  	s2 =	sld [smem:$0x3FFC];
	_ =	sdelay $0x3  }
0x94: {  	_ =	strace s2  }
0x95: {  	s2 =	sld [smem:$0x3FFD];
	_ =	sdelay $0x3  }
0x96: {  	_ =	strace s2  }
0x97: {  	_ =	strace $0x8FFFFFFF  }
0x98: {  	s18 =	sld [smem:$0x3FDB];
	_ =	sdelay $0x1  }
0x99: {  	s19 =	simm.s32 $_scs_section_size  }
0x9a: {  	s4 =	simm.s32 $_size__tile_overlayer_lowered;
	s5 =	simm.s32 $_tile_overlayer_lowered  }
0x9b: {  	s22 =	simm.s32 $0x1BFF;
	s21 =	sshll.u32 s5, $0x1;
	s2 =	sadd.s32 s19, s18  }
0x9c: {  	s6 =	simm.s32 $0x0;
	s20 =	sshll.u32 s4, $0x1;
	s4 =	sadd.s32 s21, s2  }
0x9d: {  	[timem:s6], [sflag:s22] =	dma.local [hbm:s4], s20  }
0x9e: {  	_ =	swait.ge [sflag:s22], s20  }
0x9f: {  	s3 =	ssub.s32 $0x0, s20;
	[sflag:s22] =	ssyncset.done $0x0  }
0xa0: {  	[sflag:s22] =	ssyncadd.s32 s3;
	_ =	sdelay $0x1  }
0xa1: {  	s23 =	simm.s32 $0x1B8B  }
0xa2: {  	_ =	swait.ge [sflag:s23], $0x1  }
0xa3: {  	[sflag:s23] =	ssyncset.done $0x0  }
0xa4: {  	s25 =	simm.s32 $0x1B8E;
	s24 =	sld [smem:$0x3FFE];
	[sflag:s23] =	ssyncadd.s32 $0xFFFFFFFF  }
0xa5: {  	s26 =	simm.s32 $execute0_lowered;
	[smem:$0x3FD2] =	sst s25  }
0xa6: {  	s4 =	sshll.u32 s26, $0x1;
	_ =	strace $0x80000049;
	[dreg:$0x1] =	wrdreg $0xFFFFFFFF  }
0xa7: {  	s28 =	simm.s32 $_size_execute0_lowered;
	s2 =	sadd.s32 s2, s4;
	[dreg:$0x0] =	wrdreg $0x0  }
0xa8: {  	s4 =	sshll.u32 s28, $0x1;
	[dreg:$0x2] =	wrdreg s2  }
0xa9: {  	[dreg:$0x3] =	wrdreg s4  }
0xaa: {  	[dreg:$0x4] =	wrdreg $0xC0  }
0xab: {  	_ =	task [dreg:s6], $0x5FFFF  }
0xac: {  	[dreg:$0x1] =	wrdreg $0xFFFFFFFF  }
0xad: {  	[dreg:$0x0] =	wrdreg $0x60  }
0xae: {  	[dreg:$0x2] =	wrdreg s24  }
0xaf: {  	[dreg:$0x3] =	wrdreg $0x90000  }
0xb0: {  	[dreg:$0x4] =	wrdreg $0x9  }
0xb1: {  	_ =	task.clear_ibuf [dreg:s6], $0x5FFFF;
	_ =	strace $0x90000049  }
0xb2: {  	s29 =	simm.s32 $0x9;
	_ =	strace $0x8000004B  }
0xb3: {  	_ =	swait.ge [sflag:s29], $0x1  }
0xb4: {  	[sflag:s29] =	ssyncadd.s32 $0xFFFFFFFF  }
0xb5: {  	_ =	strace $0x9000004B  }
0xb6: {  	_ =	sfence  }
0xb7: {  	s30 =	sld [smem:$0x0];
	_ =	sdelay $0x2  }
0xb8: {  	s31 =	sshll.u32 s1, $0xD;
	s1 =	sshrl.u32 s1, $0x2  }
0xb9: {  	s3 =	sand.u32 $0x4000, s31;
	s1 =	sadd.s32 s1, s30  }
0xba: {  	s0 =	sor.u32 s3, s0;
	s1 =	sshll.u32 s1, $0x11  }
0xbb: {  	s0 =	sor.u32 s1, s0  }
0xbc: {  	s0 =	sadd.s32 $0x8F2B, s0  }
0xbd: {  	[sflag:s0] =	ssyncadd.remote.s32 $0x1  }
0xbe: {  	_ =	sfence.sel $0xFFFF  }
0xbf: {  	[dreg:$0x0] =	wrdreg $0xFFFFFFFF;
	(pc) =	sbr.abs _section_cstart, $3  }
0xc0: {  	[dreg:$0x1] =	wrdreg $0xFFFFFFFF  }
0xc1: {  	_ =	task.clear_ibuf [dreg:s6], $0x2FFFF;
	_ =	strace $0x9FFFFFFF  }
0xc2: {  	(tm) =	ssettm $0x7FFFFFFF  }
0xc3: {  	_ =	shalt  }
tec
execute0_lowered:
.L_overlay_start_1:
0x0: {  	(tag) =	ssettag $0x1  }
0x1: {  	s6 =	rddreg [dreg:$0x0]  }
0x2: {  	s0 =	srdreg.scid;
	s2 =	rddreg [dreg:$0x1]  }
0x3: {  	s1 =	stileid.u32;
	s3 =	simm.s32 $0x0;
	s16 =	simm.s32 $0x80  }
0x4: {  	s17 =	simm.s32 $0x5000;
	s18 =	simm.s32 $0x1;
	s19 =	simm.s32 $0x0  }
0x5: {  	s7 =	sand.u32 $0x1, s0;
	s0 =	rddreg [dreg:$0x2];
	s9 =	smul.u32 $0x4E000, s1  }
0x6: {  	[smem:$0x7FF] =	sst s3;
	s12 =	sadd.s32 $0x44800, s6;
	s13 =	smul.u32 $0x13800, s1  }
0x7: {  	s15 =	sadd.s32 $0x138000, s2;
	p0 =	sne.s32 s1, $0xF;
	s31 =	sshll.u32 s1, $0x6  }
0x8: {  	s4 =	sshll.u32 s7, $0x4;
	_ =	strace $0x8000004A;
	s10 =	ssub.s32 $0x2, s7  }
0x9: {  	s11 =	smul.u32 $0x138800, s7;
	s15 =	sshrl.u32 @!p0 s15, $0x3;
	s4 =	sor.u32 s1, s4  }
0xa: {  	s25 =	sshrl.u32 s10, $0x1;
	s26 =	sshrl.u32 s9, $0x2;
	s5 =	smul.u32 $0x500, s4  }
0xb: {  	s4 =	sadd.s32 $0x1D600, s6;
	s10 =	ssub.s32 s10, s25;
	s28 =	sadd.s32 s13, s11  }
0xc: {  	s11 =	sshrl.u32 s11, $0x3;
	s14 =	sadd.s32 s26, s2;
	s13 =	sor.u32 $0x1C02, s31  }
0xd: {  	s29 =	sshrl.u32 s28, $0x3;
	s30 =	sadd.s32 s12, s11;
	s10 =	smax.u32 s10, $0x1  }
0xe: {  	s11 =	simm.s32 $0x2;
	s14 =	sshrl.u32 s14, $0x3;
	s8 =	sadd.s32 s5, s6  }
0xf: {  	s5 =	sadd.s32 $0x1AE00, s6;
	s9 =	sadd.s32 $0x27000, s30;
	s6 =	sadd.s32 $0x6E00, s8  }
0x10: {  	s7 =	sadd.s32 $0x10E00, s8;
	s8 =	sadd.s32 s12, s29;
	s12 =	simm.s32 $0x2800  }
.LBB2_1:
0x11: {  	[tilespmem:s3], [sflag:$0x2] =	stream.linear.gather [hbm4b:s6+s3], $0x2800, $0x38;
	[tilespmem:$0x1D080] =	vst v63  }
0x12: {  	_ =	swait.ge [sflag:s11], $0x2800  }
0x13: {  	[sflag:s11] =	ssyncset.done $0x0  }
0x14: {  	[sflag:s11] =	ssyncadd.s32 $0xFFFFD800  }
0x15: {  	[tilespmem:s12], [sflag:$0x2] =	stream.linear.gather [hbm4b:s7+s3], $0x2800, $0x38;
	[tilespmem:$0x1D080] =	vst v63  }
0x16: {  	_ =	swait.ge [sflag:s11], $0x2800  }
0x17: {  	[sflag:s11] =	ssyncset.done $0x0  }
0x18: {  	[sflag:s11] =	ssyncadd.s32 $0xFFFFD800  }
0x19: {  	[spmem:s14], [sflag:s13] =	dma.local [hbm:s5], $0x2700  }
0x1a: {  	_ =	swait.ge [sflag:s11], $0x2700  }
0x1b: {  	[sflag:s11] =	ssyncset.done $0x0  }
0x1c: {  	s20 =	simm.s32 @!p0 $0x2;
	[sflag:s11] =	ssyncadd.s32 $0xFFFFD900  }
0x1d: {  	[spmem:s15], [sflag:s13] =	dma.local @!p0 [hbm:s5], $0x100  }
0x1e: {  	_ =	swait.ge @!p0 [sflag:s20], $0x100  }
0x1f: {  	[sflag:s20] =	ssyncset.done @!p0 $0x0  }
0x20: {  	[sflag:s20] =	ssyncadd.s32 @!p0 $0xFFFFFF00  }
0x21: {  	s30 =	simm.s32 $0x0;
	[bflag:$0x0] =	sbarrier.arrive $0xFFFF  }
0x22: {  	[tilespmem:s17], [sflag:$0x1] =	stream.indirect.gather [hbm4b:s4+s16], $0x80, s30, s16, $0xb8;
	[tilespmem:$0x1D080] =	vst v63  }
0x23: {  	_ =	swait.ge [sflag:s18], $0x4000  }
0x24: {  	[sflag:s18] =	ssyncset.done $0x0  }
0x25: {  	s31 =	simm.s32 $0x2800;
	[sflag:s18] =	ssyncadd.s32 $0xFFFFC000  }
0x26: {  	[spmem:s2] =	stream.indirect.scatter.add.f32 [tilespmem:s17], [sflag:$0x2], $0x80, s31, s16, $0xb8;
	[tilespmem:$0x1D080] =	vst v63  }
0x27: {  	_ =	swait.ge [sflag:s11], $0x4000  }
0x28: {  	s21 =	simm.s32 $0x400;
	s20 =	simm.s32 $0x200;
	[sflag:s11] =	ssyncset.done $0x0  }
.LBB2_2:
0x29: {  	s22 =	sshra.s32 s20, $0x2  }
0x2a: {  	[sflag:s11] =	ssyncadd.s32 $0xFFFFC000;
	s20 =	smov.u32 s21;
	s23 =	sadd.s32 $0x200, s21  }
0x2b: {  	[tilespmem:s17], [sflag:$0x1] =	stream.indirect.gather [hbm4b:s4+s16], $0x80, s22, s16, $0xb8;
	[tilespmem:$0x1D080] =	vst v63  }
0x2c: {  	p1 =	sne.s32 s21, $0x9E00;
	_ =	swait.ge [sflag:s18], $0x4000  }
.Ltmp0:
0x2d: {  	[sflag:s18] =	ssyncset.done $0x0;
	(pc) =	sbr.rel @p1 .LBB2_2-.Ltmp0, $4  }
0x2e: {  	s21 =	sadd.s32 $0x2800, s22;
	[sflag:s18] =	ssyncadd.s32 $0xFFFFC000  }
0x2f: {  	[spmem:s2] =	stream.indirect.scatter.add.f32 [tilespmem:s17], [sflag:$0x2], $0x80, s21, s16, $0xb8;
	[tilespmem:$0x1D080] =	vst v63  }
0x30: {  	_ =	swait.ge [sflag:s11], $0x4000  }
0x31: {  	s21 =	smov.u32 s23;
	[sflag:s11] =	ssyncset.done $0x0  }
0x32: {  	s20 =	sshra.s32 s20, $0x2;
	[sflag:s11] =	ssyncadd.s32 $0xFFFFC000  }
0x33: {  	[tilespmem:s17], [sflag:$0x1] =	stream.indirect.gather [hbm4b:s4+s16], $0x80, s20, s16, $0xb8;
	[tilespmem:$0x1D080] =	vst v63  }
0x34: {  	_ =	swait.ge [sflag:s18], $0x4000  }
0x35: {  	[sflag:s18] =	ssyncset.done $0x0  }
0x36: {  	s20 =	sadd.s32 $0x2800, s20;
	[sflag:s18] =	ssyncadd.s32 $0xFFFFC000  }
0x37: {  	[spmem:s2] =	stream.indirect.scatter.add.f32 [tilespmem:s17], [sflag:$0x2], $0x80, s20, s16, $0xb8;
	[tilespmem:$0x1D080] =	vst v63  }
0x38: {  	_ =	swait.ge [sflag:s11], $0x4000  }
0x39: {  	[sflag:s11] =	ssyncset.done $0x0  }
0x3a: {  	[sflag:s11] =	ssyncadd.s32 $0xFFFFC000  }
0x3b: {  	[bflag:$0x0] =	sbarrier.arrive $0xFFFF  }
0x3c: {  	[hbm:s8], [sflag:s13] =	dma.local [spmem:s14], $0x2700  }
0x3d: {  	s19 =	sadd.s32 $0x1, s19;
	_ =	swait.ge [sflag:s11], $0x2700  }
0x3e: {  	p1 =	sne.s32 s19, s10;
	[sflag:s11] =	ssyncset.done $0x0  }
.Ltmp1:
0x3f: {  	s20 =	simm.s32 @!p0 $0x2;
	[sflag:s11] =	ssyncadd.s32 $0xFFFFD900;
	(pc) =	sbr.rel @p1 .LBB2_1-.Ltmp1, $4  }
0x40: {  	[hbm:s9], [sflag:s13] =	dma.local @!p0 [spmem:s15], $0x100  }
0x41: {  	_ =	swait.ge @!p0 [sflag:s20], $0x100  }
0x42: {  	[sflag:s20] =	ssyncset.done @!p0 $0x0  }
0x43: {  	[sflag:s20] =	ssyncadd.s32 @!p0 $0xFFFFFF00  }
0x44: {  	_ =	sfence.sel $0x180000  }
0x45: {  	[bflag:$0x0] =	sbarrier.arrive $0xFFFF  }
0x46: {  	p0 =	sne.s32 s1, $0x0;
	_ =	strace $0x9000004A  }
0x47: {  	s0 =	sadd.s32 @!p0 $0x100000, s0;
	[bflag:$0x2] =	sbarrier.arrive $0xFFFF  }
0x48: {  	[sflag:s0] =	ssyncadd.tile.s32 @!p0 $0x1;
	_ =	shalt  }
.Lfunc_end2:
_tile_overlayer_lowered:
.L_overlay_start_2:
0x49: {  	(tag) =	ssettag $0x2  }
0x4a: {  	s0 =	rddreg [dreg:$0x0];
	s2 =	stileid.u32  }
0x4b: {  	s1 =	rddreg [dreg:$0x1];
	p0 =	sne.s32 s2, $0x0  }
0x4c: {  	s3 =	rddreg [dreg:$0x2];
	[bflag:$0x3] =	sbarrier.arrive $0xFFFF;
	s2 =	simm.s32 @!p0 $0x1C02  }
0x4d: {  	[timem:s3], [sflag:s2] =	dma.local @!p0 [hbm:s0], s1  }
0x4e: {  	s0 =	simm.s32 @!p0 $0x2  }
0x4f: {  	_ =	swait.ge @!p0 [sflag:s0], s1  }
0x50: {  	s1 =	ssub.s32 @!p0 $0x0, s1;
	[sflag:s0] =	ssyncset.done @!p0 $0x0  }
0x51: {  	[sflag:s0] =	ssyncadd.s32 @!p0 s1  }
0x52: {  	[bflag:$0x3] =	sbarrier.arrive $0xFFFF  }
0x53: {  	_ =	shalt  }

// kernel: kernel.19.cloned.1.call-start
scs
__scs_entry_jumppad:
0x0: {  	(pc) =	sbr.rel $0x88, $3  }
0x1: {  	(tag) =	ssettag $0x0;
	lr =	simm.s32 $0x1  }
0x2: {  	[smem:$0x3F94] =	sst lr;
	_ =	strace $0xD0000000  }
0x3: {  	_ = 	snop  }
0x4: {  	_ = 	snop  }
0x5: {  	_ = 	snop  }
0x6: {  	_ = 	snop  }
0x7: {  	_ = 	snop  }
__scs_overlays_trampoline_lowered:
0x8: {  	[smem:$0x3FA3] =	sst s0  }
0x9: {  	[smem:$0x3FA4] =	sst s1  }
0xa: {  	[smem:$0x3FA5] =	sst s2  }
0xb: {  	[smem:$0x3FA6] =	sst s3  }
0xc: {  	[smem:$0x3FA7] =	sst s4  }
0xd: {  	[smem:$0x3FA8] =	sst s5  }
0xe: {  	[smem:$0x3FA9] =	sst s6  }
0xf: {  	[smem:$0x3FAA] =	sst s7  }
0x10: {  	[smem:$0x3FAB] =	sst s8  }
0x11: {  	[smem:$0x3FAC] =	sst s9;
	s0 =	simm.s32 @!p0 $0x0  }
0x12: {  	s1 =	sld [smem:$0x3F92];
	s0 =	simm.s32 @p0 $0x1  }
0x13: {  	[smem:$0x3FAD] =	sst s0;
	s0 =	simm.s32 @!p1 $0x0  }
0x14: {  	s2 =	sld [smem:$0x3F91];
	s0 =	simm.s32 @p1 $0x1  }
0x15: {  	[smem:$0x3FAE] =	sst s0;
	s0 =	simm.s32 @!p2 $0x0  }
0x16: {  	s3 =	sld [smem:$0x3FDB];
	s0 =	simm.s32 @p2 $0x1  }
0x17: {  	s4 =	simm.s32 $0x1BF5;
	[smem:$0x3FB0] =	sst s0  }
0x18: {  	s0 =	sld [smem:$0x3F93];
	_ =	swait.ge [sflag:s4], $0x0  }
0x19: {  	s7 =	sld [smem:$0x3F94]  }
0x1a: {  	s8 =	sadd.s32 $0xFFFFE003, lr  }
0x1b: {  	s9 =	sadd.s32 $0xFFFFFEF7, lr;
	s5 =	simm.s32 $0xFFFFFFFF;
	p2 =	slt.u32 s8, $0xFFFFF086  }
0x1c: {  	p1 =	slt.u32 s9, $0xF7A;
	s5 =	simm.s32 @!p2 $0x0  }
0x1d: {  	s5 =	simm.s32 @p1 $0x1;
	p0 =	seq.s32 s7, s2  }
0x1e: {  	s7 =	smul.u32 @!p0 $0xF7A, s2;
	p2 =	seq.s32 @!p0 s5, $0x0  }
0x1f: {  	s9 =	smul.u32 $0xF7A, s1;
	s8 =	simm.s32 @!p0 $0x1BF5;
	p2 =	por !p2, p0  }
0x20: {  	[sflag:s8] =	ssyncset.s32 @!p0 $0xFFFFF086;
	s6 =	sadd.s32 @!p0 s3, s7;
	s7 =	simm.s32 @!p0 $0x108  }
0x21: {  	s3 =	sadd.s32 s3, s9;
	s6 =	sadd.s32 @!p0 $0x88, s6;
	s7 =	simm.s32 @p2 $0x1082  }
0x22: {  	[simem:s7], [sflag:s8] =	dma.local @!p0 [hbm:s6], $0xF7A  }
0x23: {  	s9 =	sor.u32 $0xD0000000, s2;
	s6 =	simm.s32 $0x108;
	_ =	swait.ge @!p0 [sflag:s8], $0x0  }
0x24: {  	s3 =	sadd.s32 $0x88, s3;
	s6 =	simm.s32 @!p1 $0x1082;
	[sflag:s4] =	ssyncset.s32 $0xFFFFF086  }
0x25: {  	[simem:s6], [sflag:s4] =	dma.local [hbm:s3], $0xF7A  }
0x26: {  	[smem:$0x3F94] =	sst s1;
	(tag) =	ssettag s2;
	_ =	strace s9  }
0x27: {  	s1 =	sld [smem:$0x3FA4]  }
0x28: {  	s2 =	sld [smem:$0x3FA5]  }
0x29: {  	s4 =	sld [smem:$0x3FA7]  }
0x2a: {  	p0 =	seq.s32 s5, $0x0;
	s5 =	sld [smem:$0x3FA8]  }
0x2b: {  	s6 =	sld [smem:$0x3FA9]  }
0x2c: {  	s7 =	sld [smem:$0x3FAA]  }
0x2d: {  	s3 =	simm.s32 $0x108;
	s8 =	sld [smem:$0x3FAB]  }
0x2e: {  	s3 =	simm.s32 @!p0 $0x1082;
	s9 =	sld [smem:$0x3FAC]  }
0x2f: {  	lr =	sadd.s32 s0, s3;
	s0 =	sld [smem:$0x3FA3]  }
0x30: {  	s3 =	sld [smem:$0x3FA6]  }
0x31: {  	[smem:$0x3FAF] =	sst s10  }
0x32: {  	s10 =	sld [smem:$0x3FAD];
	_ =	sdelay $0x3  }
0x33: {  	p0 =	seq.s32 s10, $0x1;
	s10 =	sld [smem:$0x3FAF];
	_ =	sdelay $0x3  }
0x34: {  	[smem:$0x3FAF] =	sst s10  }
0x35: {  	s10 =	sld [smem:$0x3FAE];
	_ =	sdelay $0x3  }
0x36: {  	p1 =	seq.s32 s10, $0x1;
	s10 =	sld [smem:$0x3FAF];
	_ =	sdelay $0x3  }
0x37: {  	[smem:$0x3FAF] =	sst s10  }
0x38: {  	s10 =	sld [smem:$0x3FB0]  }
0x39: {  	_ = 	snop;
	(pc) =	sbr.ind lr, $3  }
0x3a: {  	_ = 	snop  }
0x3b: {  	_ = 	snop  }
0x3c: {  	p2 =	seq.s32 s10, $0x1;
	s10 =	sld [smem:$0x3FAF]  }
0x3d: {  	_ =	shalt  }
0x3e: {  	_ =	shalt  }
0x3f: {  	_ =	shalt  }
0x40: {  	_ =	shalt  }
0x41: {  	_ =	shalt  }
0x42: {  	_ =	shalt  }
0x43: {  	_ =	shalt  }
0x44: {  	_ =	shalt  }
0x45: {  	_ =	shalt  }
0x46: {  	_ =	shalt  }
0x47: {  	_ =	shalt  }
0x48: {  	_ =	shalt  }
0x49: {  	_ =	shalt  }
0x4a: {  	_ =	shalt  }
0x4b: {  	_ =	shalt  }
0x4c: {  	_ =	shalt  }
0x4d: {  	_ =	shalt  }
0x4e: {  	_ =	shalt  }
0x4f: {  	_ =	shalt  }
0x50: {  	_ =	shalt  }
0x51: {  	_ =	shalt  }
0x52: {  	_ =	shalt  }
0x53: {  	_ =	shalt  }
0x54: {  	_ =	shalt  }
0x55: {  	_ =	shalt  }
0x56: {  	_ =	shalt  }
0x57: {  	_ =	shalt  }
0x58: {  	_ =	shalt  }
0x59: {  	_ =	shalt  }
0x5a: {  	_ =	shalt  }
0x5b: {  	_ =	shalt  }
0x5c: {  	_ =	shalt  }
0x5d: {  	_ =	shalt  }
0x5e: {  	_ =	shalt  }
0x5f: {  	_ =	shalt  }
0x60: {  	_ =	shalt  }
0x61: {  	_ =	shalt  }
0x62: {  	_ =	shalt  }
0x63: {  	_ =	shalt  }
0x64: {  	_ =	shalt  }
0x65: {  	_ =	shalt  }
0x66: {  	_ =	shalt  }
0x67: {  	_ =	shalt  }
0x68: {  	_ =	shalt  }
0x69: {  	_ =	shalt  }
0x6a: {  	_ =	shalt  }
0x6b: {  	_ =	shalt  }
0x6c: {  	_ =	shalt  }
0x6d: {  	_ =	shalt  }
0x6e: {  	_ =	shalt  }
0x6f: {  	_ =	shalt  }
0x70: {  	_ =	shalt  }
0x71: {  	_ =	shalt  }
0x72: {  	_ =	shalt  }
0x73: {  	_ =	shalt  }
0x74: {  	_ =	shalt  }
0x75: {  	_ =	shalt  }
0x76: {  	_ =	shalt  }
0x77: {  	_ =	shalt  }
0x78: {  	_ =	shalt  }
0x79: {  	_ =	shalt  }
0x7a: {  	_ =	shalt  }
0x7b: {  	_ =	shalt  }
0x7c: {  	_ =	shalt  }
0x7d: {  	_ =	shalt  }
0x7e: {  	_ =	shalt  }
0x7f: {  	_ =	shalt  }
0x80: {  	_ =	shalt  }
0x81: {  	_ =	shalt  }
0x82: {  	_ =	shalt  }
0x83: {  	_ =	shalt  }
0x84: {  	_ =	shalt  }
0x85: {  	_ =	shalt  }
0x86: {  	_ =	shalt  }
0x87: {  	_ =	shalt  }
.Lfunc_end0:
.L_simem_size_0:
called_computation.2_lowered:
.L_overlay_start_0:
0x88: {  	s2 =	sld [smem:$0x3FD9]  }
0x89: {  	s3 =	sld [smem:$0x3FFE];
	_ =	sdelay $0x1  }
0x8a: {  	s1 =	srdreg.scid  }
0x8b: {  	s0 =	sand.u32 $0x1, s1  }
0x8c: {  	s16 =	sshll.u32 s0, $0xA;
	s2 =	sadd.s32 s3, s2  }
0x8d: {  	s2 =	sadd.s32 s2, s16  }
0x8e: {  	[smem:$0x3FBB] =	sst s2  }
0x8f: {  	_ = 	snop  }
0x90: {  	(tm) =	ssettm $0x1  }
0x91: {  	s17 =	sld [smem:$0x3FFB];
	_ =	sdelay $0x3  }
0x92: {  	_ =	strace s17  }
0x93: {  	s2 =	sld [smem:$0x3FFC];
	_ =	sdelay $0x3  }
0x94: {  	_ =	strace s2  }
0x95: {  	s2 =	sld [smem:$0x3FFD];
	_ =	sdelay $0x3  }
0x96: {  	_ =	strace s2  }
0x97: {  	_ =	strace $0x8FFFFFFF  }
0x98: {  	s18 =	sld [smem:$0x3FDB];
	_ =	sdelay $0x1  }
0x99: {  	s19 =	simm.s32 $_scs_section_size  }
0x9a: {  	s4 =	simm.s32 $_size__tile_overlayer_lowered;
	s5 =	simm.s32 $_tile_overlayer_lowered  }
0x9b: {  	s22 =	simm.s32 $0x1BFF;
	s21 =	sshll.u32 s5, $0x1;
	s2 =	sadd.s32 s19, s18  }
0x9c: {  	s6 =	simm.s32 $0x0;
	s20 =	sshll.u32 s4, $0x1;
	s4 =	sadd.s32 s21, s2  }
0x9d: {  	[timem:s6], [sflag:s22] =	dma.local [hbm:s4], s20  }
0x9e: {  	_ =	swait.ge [sflag:s22], s20  }
0x9f: {  	s3 =	ssub.s32 $0x0, s20;
	[sflag:s22] =	ssyncset.done $0x0  }
0xa0: {  	[sflag:s22] =	ssyncadd.s32 s3;
	_ =	sdelay $0x1  }
0xa1: {  	s23 =	simm.s32 $0x1B8B  }
0xa2: {  	_ =	swait.ge [sflag:s23], $0x1  }
0xa3: {  	[sflag:s23] =	ssyncset.done $0x0  }
0xa4: {  	s25 =	simm.s32 $0x1B8E;
	s24 =	sld [smem:$0x3FFE];
	[sflag:s23] =	ssyncadd.s32 $0xFFFFFFFF  }
0xa5: {  	s26 =	simm.s32 $execute0_lowered;
	[smem:$0x3FD2] =	sst s25  }
0xa6: {  	s4 =	sshll.u32 s26, $0x1;
	_ =	strace $0x8000004C;
	[dreg:$0x1] =	wrdreg $0xFFFFFFFF  }
0xa7: {  	s28 =	simm.s32 $_size_execute0_lowered;
	s2 =	sadd.s32 s2, s4;
	[dreg:$0x0] =	wrdreg $0x0  }
0xa8: {  	s4 =	sshll.u32 s28, $0x1;
	[dreg:$0x2] =	wrdreg s2  }
0xa9: {  	[dreg:$0x3] =	wrdreg s4  }
0xaa: {  	[dreg:$0x4] =	wrdreg $0xC0  }
0xab: {  	_ =	task [dreg:s6], $0x5FFFF  }
0xac: {  	[dreg:$0x1] =	wrdreg $0xFFFFFFFF  }
0xad: {  	[dreg:$0x0] =	wrdreg $0x60  }
0xae: {  	[dreg:$0x2] =	wrdreg s24  }
0xaf: {  	[dreg:$0x3] =	wrdreg $0x90000  }
0xb0: {  	[dreg:$0x4] =	wrdreg $0x9  }
0xb1: {  	_ =	task.clear_ibuf [dreg:s6], $0x5FFFF;
	_ =	strace $0x9000004C  }
0xb2: {  	s29 =	simm.s32 $0x9;
	_ =	strace $0x8000004E  }
0xb3: {  	_ =	swait.ge [sflag:s29], $0x1  }
0xb4: {  	[sflag:s29] =	ssyncadd.s32 $0xFFFFFFFF  }
0xb5: {  	_ =	strace $0x9000004E  }
0xb6: {  	_ =	sfence  }
0xb7: {  	s30 =	sld [smem:$0x0];
	_ =	sdelay $0x2  }
0xb8: {  	s31 =	sshll.u32 s1, $0xD;
	s1 =	sshrl.u32 s1, $0x2  }
0xb9: {  	s3 =	sand.u32 $0x4000, s31;
	s1 =	sadd.s32 s1, s30  }
0xba: {  	s0 =	sor.u32 s3, s0;
	s1 =	sshll.u32 s1, $0x11  }
0xbb: {  	s0 =	sor.u32 s1, s0  }
0xbc: {  	s0 =	sadd.s32 $0x8F2B, s0  }
0xbd: {  	[sflag:s0] =	ssyncadd.remote.s32 $0x1  }
0xbe: {  	_ =	sfence.sel $0xFFFF  }
0xbf: {  	[dreg:$0x0] =	wrdreg $0xFFFFFFFF;
	(pc) =	sbr.abs _section_cstart, $3  }
0xc0: {  	[dreg:$0x1] =	wrdreg $0xFFFFFFFF  }
0xc1: {  	_ =	task.clear_ibuf [dreg:s6], $0x2FFFF;
	_ =	strace $0x9FFFFFFF  }
0xc2: {  	(tm) =	ssettm $0x7FFFFFFF  }
0xc3: {  	_ =	shalt  }
tec
execute0_lowered:
.L_overlay_start_1:
0x0: {  	(tag) =	ssettag $0x1  }
0x1: {  	s6 =	rddreg [dreg:$0x0]  }
0x2: {  	s0 =	srdreg.scid;
	s2 =	rddreg [dreg:$0x1]  }
0x3: {  	s1 =	stileid.u32;
	s3 =	simm.s32 $0x0;
	s16 =	simm.s32 $0x80  }
0x4: {  	s17 =	simm.s32 $0x5000;
	s18 =	simm.s32 $0x1;
	s19 =	simm.s32 $0x0  }
0x5: {  	s7 =	sand.u32 $0x1, s0;
	s0 =	rddreg [dreg:$0x2];
	s9 =	smul.u32 $0x4E000, s1  }
0x6: {  	[smem:$0x7FF] =	sst s3;
	s12 =	sadd.s32 $0x44800, s6;
	s13 =	smul.u32 $0x13800, s1  }
0x7: {  	s15 =	sadd.s32 $0x138000, s2;
	p0 =	sne.s32 s1, $0xF;
	s31 =	sshll.u32 s1, $0x6  }
0x8: {  	s4 =	sshll.u32 s7, $0x4;
	_ =	strace $0x8000004D;
	s10 =	ssub.s32 $0x2, s7  }
0x9: {  	s11 =	smul.u32 $0x138800, s7;
	s15 =	sshrl.u32 @!p0 s15, $0x3;
	s4 =	sor.u32 s1, s4  }
0xa: {  	s25 =	sshrl.u32 s10, $0x1;
	s26 =	sshrl.u32 s9, $0x2;
	s5 =	smul.u32 $0x500, s4  }
0xb: {  	s4 =	sadd.s32 $0x1D600, s6;
	s10 =	ssub.s32 s10, s25;
	s28 =	sadd.s32 s13, s11  }
0xc: {  	s11 =	sshrl.u32 s11, $0x3;
	s14 =	sadd.s32 s26, s2;
	s13 =	sor.u32 $0x1C02, s31  }
0xd: {  	s29 =	sshrl.u32 s28, $0x3;
	s30 =	sadd.s32 s12, s11;
	s10 =	smax.u32 s10, $0x1  }
0xe: {  	s11 =	simm.s32 $0x2;
	s14 =	sshrl.u32 s14, $0x3;
	s8 =	sadd.s32 s5, s6  }
0xf: {  	s5 =	sadd.s32 $0x1AE00, s6;
	s9 =	sadd.s32 $0x27000, s30;
	s6 =	sadd.s32 $0x6E00, s8  }
0x10: {  	s7 =	sadd.s32 $0x10E00, s8;
	s8 =	sadd.s32 s12, s29;
	s12 =	simm.s32 $0x2800  }
.LBB2_1:
0x11: {  	[tilespmem:s3], [sflag:$0x2] =	stream.linear.gather [hbm4b:s6+s3], $0x2800, $0x38;
	[tilespmem:$0x1D080] =	vst v63  }
0x12: {  	_ =	swait.ge [sflag:s11], $0x2800  }
0x13: {  	[sflag:s11] =	ssyncset.done $0x0  }
0x14: {  	[sflag:s11] =	ssyncadd.s32 $0xFFFFD800  }
0x15: {  	[tilespmem:s12], [sflag:$0x2] =	stream.linear.gather [hbm4b:s7+s3], $0x2800, $0x38;
	[tilespmem:$0x1D080] =	vst v63  }
0x16: {  	_ =	swait.ge [sflag:s11], $0x2800  }
0x17: {  	[sflag:s11] =	ssyncset.done $0x0  }
0x18: {  	[sflag:s11] =	ssyncadd.s32 $0xFFFFD800  }
0x19: {  	[spmem:s14], [sflag:s13] =	dma.local [hbm:s5], $0x2700  }
0x1a: {  	_ =	swait.ge [sflag:s11], $0x2700  }
0x1b: {  	[sflag:s11] =	ssyncset.done $0x0  }
0x1c: {  	s20 =	simm.s32 @!p0 $0x2;
	[sflag:s11] =	ssyncadd.s32 $0xFFFFD900  }
0x1d: {  	[spmem:s15], [sflag:s13] =	dma.local @!p0 [hbm:s5], $0x100  }
0x1e: {  	_ =	swait.ge @!p0 [sflag:s20], $0x100  }
0x1f: {  	[sflag:s20] =	ssyncset.done @!p0 $0x0  }
0x20: {  	[sflag:s20] =	ssyncadd.s32 @!p0 $0xFFFFFF00  }
0x21: {  	s30 =	simm.s32 $0x0;
	[bflag:$0x0] =	sbarrier.arrive $0xFFFF  }
0x22: {  	[tilespmem:s17], [sflag:$0x1] =	stream.indirect.gather [hbm4b:s4+s16], $0x80, s30, s16, $0xb8;
	[tilespmem:$0x1D080] =	vst v63  }
0x23: {  	_ =	swait.ge [sflag:s18], $0x4000  }
0x24: {  	[sflag:s18] =	ssyncset.done $0x0  }
0x25: {  	s31 =	simm.s32 $0x2800;
	[sflag:s18] =	ssyncadd.s32 $0xFFFFC000  }
0x26: {  	[spmem:s2] =	stream.indirect.scatter.add.f32 [tilespmem:s17], [sflag:$0x2], $0x80, s31, s16, $0xb8;
	[tilespmem:$0x1D080] =	vst v63  }
0x27: {  	_ =	swait.ge [sflag:s11], $0x4000  }
0x28: {  	s21 =	simm.s32 $0x400;
	s20 =	simm.s32 $0x200;
	[sflag:s11] =	ssyncset.done $0x0  }
.LBB2_2:
0x29: {  	s22 =	sshra.s32 s20, $0x2  }
0x2a: {  	[sflag:s11] =	ssyncadd.s32 $0xFFFFC000;
	s20 =	smov.u32 s21;
	s23 =	sadd.s32 $0x200, s21  }
0x2b: {  	[tilespmem:s17], [sflag:$0x1] =	stream.indirect.gather [hbm4b:s4+s16], $0x80, s22, s16, $0xb8;
	[tilespmem:$0x1D080] =	vst v63  }
0x2c: {  	p1 =	sne.s32 s21, $0x9E00;
	_ =	swait.ge [sflag:s18], $0x4000  }
.Ltmp0:
0x2d: {  	[sflag:s18] =	ssyncset.done $0x0;
	(pc) =	sbr.rel @p1 .LBB2_2-.Ltmp0, $4  }
0x2e: {  	s21 =	sadd.s32 $0x2800, s22;
	[sflag:s18] =	ssyncadd.s32 $0xFFFFC000  }
0x2f: {  	[spmem:s2] =	stream.indirect.scatter.add.f32 [tilespmem:s17], [sflag:$0x2], $0x80, s21, s16, $0xb8;
	[tilespmem:$0x1D080] =	vst v63  }
0x30: {  	_ =	swait.ge [sflag:s11], $0x4000  }
0x31: {  	s21 =	smov.u32 s23;
	[sflag:s11] =	ssyncset.done $0x0  }
0x32: {  	s20 =	sshra.s32 s20, $0x2;
	[sflag:s11] =	ssyncadd.s32 $0xFFFFC000  }
0x33: {  	[tilespmem:s17], [sflag:$0x1] =	stream.indirect.gather [hbm4b:s4+s16], $0x80, s20, s16, $0xb8;
	[tilespmem:$0x1D080] =	vst v63  }
0x34: {  	_ =	swait.ge [sflag:s18], $0x4000  }
0x35: {  	[sflag:s18] =	ssyncset.done $0x0  }
0x36: {  	s20 =	sadd.s32 $0x2800, s20;
	[sflag:s18] =	ssyncadd.s32 $0xFFFFC000  }
0x37: {  	[spmem:s2] =	stream.indirect.scatter.add.f32 [tilespmem:s17], [sflag:$0x2], $0x80, s20, s16, $0xb8;
	[tilespmem:$0x1D080] =	vst v63  }
0x38: {  	_ =	swait.ge [sflag:s11], $0x4000  }
0x39: {  	[sflag:s11] =	ssyncset.done $0x0  }
0x3a: {  	[sflag:s11] =	ssyncadd.s32 $0xFFFFC000  }
0x3b: {  	[bflag:$0x0] =	sbarrier.arrive $0xFFFF  }
0x3c: {  	[hbm:s8], [sflag:s13] =	dma.local [spmem:s14], $0x2700  }
0x3d: {  	s19 =	sadd.s32 $0x1, s19;
	_ =	swait.ge [sflag:s11], $0x2700  }
0x3e: {  	p1 =	sne.s32 s19, s10;
	[sflag:s11] =	ssyncset.done $0x0  }
.Ltmp1:
0x3f: {  	s20 =	simm.s32 @!p0 $0x2;
	[sflag:s11] =	ssyncadd.s32 $0xFFFFD900;
	(pc) =	sbr.rel @p1 .LBB2_1-.Ltmp1, $4  }
0x40: {  	[hbm:s9], [sflag:s13] =	dma.local @!p0 [spmem:s15], $0x100  }
0x41: {  	_ =	swait.ge @!p0 [sflag:s20], $0x100  }
0x42: {  	[sflag:s20] =	ssyncset.done @!p0 $0x0  }
0x43: {  	[sflag:s20] =	ssyncadd.s32 @!p0 $0xFFFFFF00  }
0x44: {  	_ =	sfence.sel $0x180000  }
0x45: {  	[bflag:$0x0] =	sbarrier.arrive $0xFFFF  }
0x46: {  	p0 =	sne.s32 s1, $0x0;
	_ =	strace $0x9000004D  }
0x47: {  	s0 =	sadd.s32 @!p0 $0x100000, s0;
	[bflag:$0x2] =	sbarrier.arrive $0xFFFF  }
0x48: {  	[sflag:s0] =	ssyncadd.tile.s32 @!p0 $0x1;
	_ =	shalt  }
.Lfunc_end2:
_tile_overlayer_lowered:
.L_overlay_start_2:
0x49: {  	(tag) =	ssettag $0x2  }
0x4a: {  	s0 =	rddreg [dreg:$0x0];
	s2 =	stileid.u32  }
0x4b: {  	s1 =	rddreg [dreg:$0x1];
	p0 =	sne.s32 s2, $0x0  }
0x4c: {  	s3 =	rddreg [dreg:$0x2];
	[bflag:$0x3] =	sbarrier.arrive $0xFFFF;
	s2 =	simm.s32 @!p0 $0x1C02  }
0x4d: {  	[timem:s3], [sflag:s2] =	dma.local @!p0 [hbm:s0], s1  }
0x4e: {  	s0 =	simm.s32 @!p0 $0x2  }
0x4f: {  	_ =	swait.ge @!p0 [sflag:s0], s1  }
0x50: {  	s1 =	ssub.s32 @!p0 $0x0, s1;
	[sflag:s0] =	ssyncset.done @!p0 $0x0  }
0x51: {  	[sflag:s0] =	ssyncadd.s32 @!p0 s1  }
0x52: {  	[bflag:$0x3] =	sbarrier.arrive $0xFFFF  }
0x53: {  	_ =	shalt  }

// kernel: kernel.22.cloned.1.call-start
scs
__scs_entry_jumppad:
0x0: {  	(pc) =	sbr.rel $0x88, $3  }
0x1: {  	(tag) =	ssettag $0x0;
	lr =	simm.s32 $0x1  }
0x2: {  	[smem:$0x3F94] =	sst lr;
	_ =	strace $0xD0000000  }
0x3: {  	_ = 	snop  }
0x4: {  	_ = 	snop  }
0x5: {  	_ = 	snop  }
0x6: {  	_ = 	snop  }
0x7: {  	_ = 	snop  }
__scs_overlays_trampoline_lowered:
0x8: {  	[smem:$0x3FA3] =	sst s0  }
0x9: {  	[smem:$0x3FA4] =	sst s1  }
0xa: {  	[smem:$0x3FA5] =	sst s2  }
0xb: {  	[smem:$0x3FA6] =	sst s3  }
0xc: {  	[smem:$0x3FA7] =	sst s4  }
0xd: {  	[smem:$0x3FA8] =	sst s5  }
0xe: {  	[smem:$0x3FA9] =	sst s6  }
0xf: {  	[smem:$0x3FAA] =	sst s7  }
0x10: {  	[smem:$0x3FAB] =	sst s8  }
0x11: {  	[smem:$0x3FAC] =	sst s9;
	s0 =	simm.s32 @!p0 $0x0  }
0x12: {  	s1 =	sld [smem:$0x3F92];
	s0 =	simm.s32 @p0 $0x1  }
0x13: {  	[smem:$0x3FAD] =	sst s0;
	s0 =	simm.s32 @!p1 $0x0  }
0x14: {  	s2 =	sld [smem:$0x3F91];
	s0 =	simm.s32 @p1 $0x1  }
0x15: {  	[smem:$0x3FAE] =	sst s0;
	s0 =	simm.s32 @!p2 $0x0  }
0x16: {  	s3 =	sld [smem:$0x3FDB];
	s0 =	simm.s32 @p2 $0x1  }
0x17: {  	s4 =	simm.s32 $0x1BF5;
	[smem:$0x3FB0] =	sst s0  }
0x18: {  	s0 =	sld [smem:$0x3F93];
	_ =	swait.ge [sflag:s4], $0x0  }
0x19: {  	s7 =	sld [smem:$0x3F94]  }
0x1a: {  	s8 =	sadd.s32 $0xFFFFE003, lr  }
0x1b: {  	s9 =	sadd.s32 $0xFFFFFEF7, lr;
	s5 =	simm.s32 $0xFFFFFFFF;
	p2 =	slt.u32 s8, $0xFFFFF086  }
0x1c: {  	p1 =	slt.u32 s9, $0xF7A;
	s5 =	simm.s32 @!p2 $0x0  }
0x1d: {  	s5 =	simm.s32 @p1 $0x1;
	p0 =	seq.s32 s7, s2  }
0x1e: {  	s7 =	smul.u32 @!p0 $0xF7A, s2;
	p2 =	seq.s32 @!p0 s5, $0x0  }
0x1f: {  	s9 =	smul.u32 $0xF7A, s1;
	s8 =	simm.s32 @!p0 $0x1BF5;
	p2 =	por !p2, p0  }
0x20: {  	[sflag:s8] =	ssyncset.s32 @!p0 $0xFFFFF086;
	s6 =	sadd.s32 @!p0 s3, s7;
	s7 =	simm.s32 @!p0 $0x108  }
0x21: {  	s3 =	sadd.s32 s3, s9;
	s6 =	sadd.s32 @!p0 $0x88, s6;
	s7 =	simm.s32 @p2 $0x1082  }
0x22: {  	[simem:s7], [sflag:s8] =	dma.local @!p0 [hbm:s6], $0xF7A  }
0x23: {  	s9 =	sor.u32 $0xD0000000, s2;
	s6 =	simm.s32 $0x108;
	_ =	swait.ge @!p0 [sflag:s8], $0x0  }
0x24: {  	s3 =	sadd.s32 $0x88, s3;
	s6 =	simm.s32 @!p1 $0x1082;
	[sflag:s4] =	ssyncset.s32 $0xFFFFF086  }
0x25: {  	[simem:s6], [sflag:s4] =	dma.local [hbm:s3], $0xF7A  }
0x26: {  	[smem:$0x3F94] =	sst s1;
	(tag) =	ssettag s2;
	_ =	strace s9  }
0x27: {  	s1 =	sld [smem:$0x3FA4]  }
0x28: {  	s2 =	sld [smem:$0x3FA5]  }
0x29: {  	s4 =	sld [smem:$0x3FA7]  }
0x2a: {  	p0 =	seq.s32 s5, $0x0;
	s5 =	sld [smem:$0x3FA8]  }
0x2b: {  	s6 =	sld [smem:$0x3FA9]  }
0x2c: {  	s7 =	sld [smem:$0x3FAA]  }
0x2d: {  	s3 =	simm.s32 $0x108;
	s8 =	sld [smem:$0x3FAB]  }
0x2e: {  	s3 =	simm.s32 @!p0 $0x1082;
	s9 =	sld [smem:$0x3FAC]  }
0x2f: {  	lr =	sadd.s32 s0, s3;
	s0 =	sld [smem:$0x3FA3]  }
0x30: {  	s3 =	sld [smem:$0x3FA6]  }
0x31: {  	[smem:$0x3FAF] =	sst s10  }
0x32: {  	s10 =	sld [smem:$0x3FAD];
	_ =	sdelay $0x3  }
0x33: {  	p0 =	seq.s32 s10, $0x1;
	s10 =	sld [smem:$0x3FAF];
	_ =	sdelay $0x3  }
0x34: {  	[smem:$0x3FAF] =	sst s10  }
0x35: {  	s10 =	sld [smem:$0x3FAE];
	_ =	sdelay $0x3  }
0x36: {  	p1 =	seq.s32 s10, $0x1;
	s10 =	sld [smem:$0x3FAF];
	_ =	sdelay $0x3  }
0x37: {  	[smem:$0x3FAF] =	sst s10  }
0x38: {  	s10 =	sld [smem:$0x3FB0]  }
0x39: {  	_ = 	snop;
	(pc) =	sbr.ind lr, $3  }
0x3a: {  	_ = 	snop  }
0x3b: {  	_ = 	snop  }
0x3c: {  	p2 =	seq.s32 s10, $0x1;
	s10 =	sld [smem:$0x3FAF]  }
0x3d: {  	_ =	shalt  }
0x3e: {  	_ =	shalt  }
0x3f: {  	_ =	shalt  }
0x40: {  	_ =	shalt  }
0x41: {  	_ =	shalt  }
0x42: {  	_ =	shalt  }
0x43: {  	_ =	shalt  }
0x44: {  	_ =	shalt  }
0x45: {  	_ =	shalt  }
0x46: {  	_ =	shalt  }
0x47: {  	_ =	shalt  }
0x48: {  	_ =	shalt  }
0x49: {  	_ =	shalt  }
0x4a: {  	_ =	shalt  }
0x4b: {  	_ =	shalt  }
0x4c: {  	_ =	shalt  }
0x4d: {  	_ =	shalt  }
0x4e: {  	_ =	shalt  }
0x4f: {  	_ =	shalt  }
0x50: {  	_ =	shalt  }
0x51: {  	_ =	shalt  }
0x52: {  	_ =	shalt  }
0x53: {  	_ =	shalt  }
0x54: {  	_ =	shalt  }
0x55: {  	_ =	shalt  }
0x56: {  	_ =	shalt  }
0x57: {  	_ =	shalt  }
0x58: {  	_ =	shalt  }
0x59: {  	_ =	shalt  }
0x5a: {  	_ =	shalt  }
0x5b: {  	_ =	shalt  }
0x5c: {  	_ =	shalt  }
0x5d: {  	_ =	shalt  }
0x5e: {  	_ =	shalt  }
0x5f: {  	_ =	shalt  }
0x60: {  	_ =	shalt  }
0x61: {  	_ =	shalt  }
0x62: {  	_ =	shalt  }
0x63: {  	_ =	shalt  }
0x64: {  	_ =	shalt  }
0x65: {  	_ =	shalt  }
0x66: {  	_ =	shalt  }
0x67: {  	_ =	shalt  }
0x68: {  	_ =	shalt  }
0x69: {  	_ =	shalt  }
0x6a: {  	_ =	shalt  }
0x6b: {  	_ =	shalt  }
0x6c: {  	_ =	shalt  }
0x6d: {  	_ =	shalt  }
0x6e: {  	_ =	shalt  }
0x6f: {  	_ =	shalt  }
0x70: {  	_ =	shalt  }
0x71: {  	_ =	shalt  }
0x72: {  	_ =	shalt  }
0x73: {  	_ =	shalt  }
0x74: {  	_ =	shalt  }
0x75: {  	_ =	shalt  }
0x76: {  	_ =	shalt  }
0x77: {  	_ =	shalt  }
0x78: {  	_ =	shalt  }
0x79: {  	_ =	shalt  }
0x7a: {  	_ =	shalt  }
0x7b: {  	_ =	shalt  }
0x7c: {  	_ =	shalt  }
0x7d: {  	_ =	shalt  }
0x7e: {  	_ =	shalt  }
0x7f: {  	_ =	shalt  }
0x80: {  	_ =	shalt  }
0x81: {  	_ =	shalt  }
0x82: {  	_ =	shalt  }
0x83: {  	_ =	shalt  }
0x84: {  	_ =	shalt  }
0x85: {  	_ =	shalt  }
0x86: {  	_ =	shalt  }
0x87: {  	_ =	shalt  }
.Lfunc_end0:
.L_simem_size_0:
called_computation.3_lowered:
.L_overlay_start_0:
0x88: {  	s2 =	sld [smem:$0x3FD9]  }
0x89: {  	s3 =	sld [smem:$0x3FFE];
	_ =	sdelay $0x1  }
0x8a: {  	s1 =	srdreg.scid  }
0x8b: {  	s0 =	sand.u32 $0x1, s1  }
0x8c: {  	s16 =	sshll.u32 s0, $0xA;
	s2 =	sadd.s32 s3, s2  }
0x8d: {  	s2 =	sadd.s32 s2, s16  }
0x8e: {  	[smem:$0x3FBB] =	sst s2  }
0x8f: {  	_ = 	snop  }
0x90: {  	(tm) =	ssettm $0x1  }
0x91: {  	s17 =	sld [smem:$0x3FFB];
	_ =	sdelay $0x3  }
0x92: {  	_ =	strace s17  }
0x93: {  	s2 =	sld [smem:$0x3FFC];
	_ =	sdelay $0x3  }
0x94: {  	_ =	strace s2  }
0x95: {  	s2 =	sld [smem:$0x3FFD];
	_ =	sdelay $0x3  }
0x96: {  	_ =	strace s2  }
0x97: {  	_ =	strace $0x8FFFFFFF  }
0x98: {  	s18 =	sld [smem:$0x3FDB];
	_ =	sdelay $0x1  }
0x99: {  	s19 =	simm.s32 $_scs_section_size  }
0x9a: {  	s4 =	simm.s32 $_size__tile_overlayer_lowered;
	s5 =	simm.s32 $_tile_overlayer_lowered  }
0x9b: {  	s22 =	simm.s32 $0x1BFF;
	s21 =	sshll.u32 s5, $0x1;
	s2 =	sadd.s32 s19, s18  }
0x9c: {  	s6 =	simm.s32 $0x0;
	s20 =	sshll.u32 s4, $0x1;
	s4 =	sadd.s32 s21, s2  }
0x9d: {  	[timem:s6], [sflag:s22] =	dma.local [hbm:s4], s20  }
0x9e: {  	_ =	swait.ge [sflag:s22], s20  }
0x9f: {  	s3 =	ssub.s32 $0x0, s20;
	[sflag:s22] =	ssyncset.done $0x0  }
0xa0: {  	[sflag:s22] =	ssyncadd.s32 s3;
	_ =	sdelay $0x1  }
0xa1: {  	s23 =	simm.s32 $0x1B8B  }
0xa2: {  	_ =	swait.ge [sflag:s23], $0x1  }
0xa3: {  	[sflag:s23] =	ssyncset.done $0x0  }
0xa4: {  	s25 =	simm.s32 $0x1B8E;
	s24 =	sld [smem:$0x3FFE];
	[sflag:s23] =	ssyncadd.s32 $0xFFFFFFFF  }
0xa5: {  	s26 =	simm.s32 $execute0_lowered;
	[smem:$0x3FD2] =	sst s25  }
0xa6: {  	s4 =	sshll.u32 s26, $0x1;
	_ =	strace $0x8000004F;
	[dreg:$0x1] =	wrdreg $0xFFFFFFFF  }
0xa7: {  	s28 =	simm.s32 $_size_execute0_lowered;
	s2 =	sadd.s32 s2, s4;
	[dreg:$0x0] =	wrdreg $0x0  }
0xa8: {  	s4 =	sshll.u32 s28, $0x1;
	[dreg:$0x2] =	wrdreg s2  }
0xa9: {  	[dreg:$0x3] =	wrdreg s4  }
0xaa: {  	[dreg:$0x4] =	wrdreg $0xC0  }
0xab: {  	_ =	task [dreg:s6], $0x5FFFF  }
0xac: {  	[dreg:$0x1] =	wrdreg $0xFFFFFFFF  }
0xad: {  	[dreg:$0x0] =	wrdreg $0x60  }
0xae: {  	[dreg:$0x2] =	wrdreg s24  }
0xaf: {  	[dreg:$0x3] =	wrdreg $0x90000  }
0xb0: {  	[dreg:$0x4] =	wrdreg $0x9  }
0xb1: {  	_ =	task.clear_ibuf [dreg:s6], $0x5FFFF;
	_ =	strace $0x9000004F  }
0xb2: {  	s29 =	simm.s32 $0x9;
	_ =	strace $0x80000051  }
0xb3: {  	_ =	swait.ge [sflag:s29], $0x1  }
0xb4: {  	[sflag:s29] =	ssyncadd.s32 $0xFFFFFFFF  }
0xb5: {  	_ =	strace $0x90000051  }
0xb6: {  	_ =	sfence  }
0xb7: {  	s30 =	sld [smem:$0x0];
	_ =	sdelay $0x2  }
0xb8: {  	s31 =	sshll.u32 s1, $0xD;
	s1 =	sshrl.u32 s1, $0x2  }
0xb9: {  	s3 =	sand.u32 $0x4000, s31;
	s1 =	sadd.s32 s1, s30  }
0xba: {  	s0 =	sor.u32 s3, s0;
	s1 =	sshll.u32 s1, $0x11  }
0xbb: {  	s0 =	sor.u32 s1, s0  }
0xbc: {  	s0 =	sadd.s32 $0x8F2B, s0  }
0xbd: {  	[sflag:s0] =	ssyncadd.remote.s32 $0x1  }
0xbe: {  	_ =	sfence.sel $0xFFFF  }
0xbf: {  	[dreg:$0x0] =	wrdreg $0xFFFFFFFF;
	(pc) =	sbr.abs _section_cstart, $3  }
0xc0: {  	[dreg:$0x1] =	wrdreg $0xFFFFFFFF  }
0xc1: {  	_ =	task.clear_ibuf [dreg:s6], $0x2FFFF;
	_ =	strace $0x9FFFFFFF  }
0xc2: {  	(tm) =	ssettm $0x7FFFFFFF  }
0xc3: {  	_ =	shalt  }
tec
execute0_lowered:
.L_overlay_start_1:
0x0: {  	(tag) =	ssettag $0x1  }
0x1: {  	s6 =	rddreg [dreg:$0x0]  }
0x2: {  	s0 =	srdreg.scid;
	s2 =	rddreg [dreg:$0x1]  }
0x3: {  	s1 =	stileid.u32;
	s3 =	simm.s32 $0x0;
	s16 =	simm.s32 $0x80  }
0x4: {  	s17 =	simm.s32 $0x5000;
	s18 =	simm.s32 $0x1;
	s19 =	simm.s32 $0x0  }
0x5: {  	s7 =	sand.u32 $0x1, s0;
	s0 =	rddreg [dreg:$0x2];
	s9 =	smul.u32 $0x4E000, s1  }
0x6: {  	[smem:$0x7FF] =	sst s3;
	s12 =	sadd.s32 $0x44800, s6;
	s13 =	smul.u32 $0x13800, s1  }
0x7: {  	s15 =	sadd.s32 $0x138000, s2;
	p0 =	sne.s32 s1, $0xF;
	s31 =	sshll.u32 s1, $0x6  }
0x8: {  	s4 =	sshll.u32 s7, $0x4;
	_ =	strace $0x80000050;
	s10 =	ssub.s32 $0x2, s7  }
0x9: {  	s11 =	smul.u32 $0x138800, s7;
	s15 =	sshrl.u32 @!p0 s15, $0x3;
	s4 =	sor.u32 s1, s4  }
0xa: {  	s25 =	sshrl.u32 s10, $0x1;
	s26 =	sshrl.u32 s9, $0x2;
	s5 =	smul.u32 $0x500, s4  }
0xb: {  	s4 =	sadd.s32 $0x1D600, s6;
	s10 =	ssub.s32 s10, s25;
	s28 =	sadd.s32 s13, s11  }
0xc: {  	s11 =	sshrl.u32 s11, $0x3;
	s14 =	sadd.s32 s26, s2;
	s13 =	sor.u32 $0x1C02, s31  }
0xd: {  	s29 =	sshrl.u32 s28, $0x3;
	s30 =	sadd.s32 s12, s11;
	s10 =	smax.u32 s10, $0x1  }
0xe: {  	s11 =	simm.s32 $0x2;
	s14 =	sshrl.u32 s14, $0x3;
	s8 =	sadd.s32 s5, s6  }
0xf: {  	s5 =	sadd.s32 $0x1AE00, s6;
	s9 =	sadd.s32 $0x27000, s30;
	s6 =	sadd.s32 $0x6E00, s8  }
0x10: {  	s7 =	sadd.s32 $0x10E00, s8;
	s8 =	sadd.s32 s12, s29;
	s12 =	simm.s32 $0x2800  }
.LBB2_1:
0x11: {  	[tilespmem:s3], [sflag:$0x2] =	stream.linear.gather [hbm4b:s6+s3], $0x2800, $0x38;
	[tilespmem:$0x1D080] =	vst v63  }
0x12: {  	_ =	swait.ge [sflag:s11], $0x2800  }
0x13: {  	[sflag:s11] =	ssyncset.done $0x0  }
0x14: {  	[sflag:s11] =	ssyncadd.s32 $0xFFFFD800  }
0x15: {  	[tilespmem:s12], [sflag:$0x2] =	stream.linear.gather [hbm4b:s7+s3], $0x2800, $0x38;
	[tilespmem:$0x1D080] =	vst v63  }
0x16: {  	_ =	swait.ge [sflag:s11], $0x2800  }
0x17: {  	[sflag:s11] =	ssyncset.done $0x0  }
0x18: {  	[sflag:s11] =	ssyncadd.s32 $0xFFFFD800  }
0x19: {  	[spmem:s14], [sflag:s13] =	dma.local [hbm:s5], $0x2700  }
0x1a: {  	_ =	swait.ge [sflag:s11], $0x2700  }
0x1b: {  	[sflag:s11] =	ssyncset.done $0x0  }
0x1c: {  	s20 =	simm.s32 @!p0 $0x2;
	[sflag:s11] =	ssyncadd.s32 $0xFFFFD900  }
0x1d: {  	[spmem:s15], [sflag:s13] =	dma.local @!p0 [hbm:s5], $0x100  }
0x1e: {  	_ =	swait.ge @!p0 [sflag:s20], $0x100  }
0x1f: {  	[sflag:s20] =	ssyncset.done @!p0 $0x0  }
0x20: {  	[sflag:s20] =	ssyncadd.s32 @!p0 $0xFFFFFF00  }
0x21: {  	s30 =	simm.s32 $0x0;
	[bflag:$0x0] =	sbarrier.arrive $0xFFFF  }
0x22: {  	[tilespmem:s17], [sflag:$0x1] =	stream.indirect.gather [hbm4b:s4+s16], $0x80, s30, s16, $0xb8;
	[tilespmem:$0x1D080] =	vst v63  }
0x23: {  	_ =	swait.ge [sflag:s18], $0x4000  }
0x24: {  	[sflag:s18] =	ssyncset.done $0x0  }
0x25: {  	s31 =	simm.s32 $0x2800;
	[sflag:s18] =	ssyncadd.s32 $0xFFFFC000  }
0x26: {  	[spmem:s2] =	stream.indirect.scatter.add.f32 [tilespmem:s17], [sflag:$0x2], $0x80, s31, s16, $0xb8;
	[tilespmem:$0x1D080] =	vst v63  }
0x27: {  	_ =	swait.ge [sflag:s11], $0x4000  }
0x28: {  	s21 =	simm.s32 $0x400;
	s20 =	simm.s32 $0x200;
	[sflag:s11] =	ssyncset.done $0x0  }
.LBB2_2:
0x29: {  	s22 =	sshra.s32 s20, $0x2  }
0x2a: {  	[sflag:s11] =	ssyncadd.s32 $0xFFFFC000;
	s20 =	smov.u32 s21;
	s23 =	sadd.s32 $0x200, s21  }
0x2b: {  	[tilespmem:s17], [sflag:$0x1] =	stream.indirect.gather [hbm4b:s4+s16], $0x80, s22, s16, $0xb8;
	[tilespmem:$0x1D080] =	vst v63  }
0x2c: {  	p1 =	sne.s32 s21, $0x9E00;
	_ =	swait.ge [sflag:s18], $0x4000  }
.Ltmp0:
0x2d: {  	[sflag:s18] =	ssyncset.done $0x0;
	(pc) =	sbr.rel @p1 .LBB2_2-.Ltmp0, $4  }
0x2e: {  	s21 =	sadd.s32 $0x2800, s22;
	[sflag:s18] =	ssyncadd.s32 $0xFFFFC000  }
0x2f: {  	[spmem:s2] =	stream.indirect.scatter.add.f32 [tilespmem:s17], [sflag:$0x2], $0x80, s21, s16, $0xb8;
	[tilespmem:$0x1D080] =	vst v63  }
0x30: {  	_ =	swait.ge [sflag:s11], $0x4000  }
0x31: {  	s21 =	smov.u32 s23;
	[sflag:s11] =	ssyncset.done $0x0  }
0x32: {  	s20 =	sshra.s32 s20, $0x2;
	[sflag:s11] =	ssyncadd.s32 $0xFFFFC000  }
0x33: {  	[tilespmem:s17], [sflag:$0x1] =	stream.indirect.gather [hbm4b:s4+s16], $0x80, s20, s16, $0xb8;
	[tilespmem:$0x1D080] =	vst v63  }
0x34: {  	_ =	swait.ge [sflag:s18], $0x4000  }
0x35: {  	[sflag:s18] =	ssyncset.done $0x0  }
0x36: {  	s20 =	sadd.s32 $0x2800, s20;
	[sflag:s18] =	ssyncadd.s32 $0xFFFFC000  }
0x37: {  	[spmem:s2] =	stream.indirect.scatter.add.f32 [tilespmem:s17], [sflag:$0x2], $0x80, s20, s16, $0xb8;
	[tilespmem:$0x1D080] =	vst v63  }
0x38: {  	_ =	swait.ge [sflag:s11], $0x4000  }
0x39: {  	[sflag:s11] =	ssyncset.done $0x0  }
0x3a: {  	[sflag:s11] =	ssyncadd.s32 $0xFFFFC000  }
0x3b: {  	[bflag:$0x0] =	sbarrier.arrive $0xFFFF  }
0x3c: {  	[hbm:s8], [sflag:s13] =	dma.local [spmem:s14], $0x2700  }
0x3d: {  	s19 =	sadd.s32 $0x1, s19;
	_ =	swait.ge [sflag:s11], $0x2700  }
0x3e: {  	p1 =	sne.s32 s19, s10;
	[sflag:s11] =	ssyncset.done $0x0  }
.Ltmp1:
0x3f: {  	s20 =	simm.s32 @!p0 $0x2;
	[sflag:s11] =	ssyncadd.s32 $0xFFFFD900;
	(pc) =	sbr.rel @p1 .LBB2_1-.Ltmp1, $4  }
0x40: {  	[hbm:s9], [sflag:s13] =	dma.local @!p0 [spmem:s15], $0x100  }
0x41: {  	_ =	swait.ge @!p0 [sflag:s20], $0x100  }
0x42: {  	[sflag:s20] =	ssyncset.done @!p0 $0x0  }
0x43: {  	[sflag:s20] =	ssyncadd.s32 @!p0 $0xFFFFFF00  }
0x44: {  	_ =	sfence.sel $0x180000  }
0x45: {  	[bflag:$0x0] =	sbarrier.arrive $0xFFFF  }
0x46: {  	p0 =	sne.s32 s1, $0x0;
	_ =	strace $0x90000050  }
0x47: {  	s0 =	sadd.s32 @!p0 $0x100000, s0;
	[bflag:$0x2] =	sbarrier.arrive $0xFFFF  }
0x48: {  	[sflag:s0] =	ssyncadd.tile.s32 @!p0 $0x1;
	_ =	shalt  }
.Lfunc_end2:
_tile_overlayer_lowered:
.L_overlay_start_2:
0x49: {  	(tag) =	ssettag $0x2  }
0x4a: {  	s0 =	rddreg [dreg:$0x0];
	s2 =	stileid.u32  }
0x4b: {  	s1 =	rddreg [dreg:$0x1];
	p0 =	sne.s32 s2, $0x0  }
0x4c: {  	s3 =	rddreg [dreg:$0x2];
	[bflag:$0x3] =	sbarrier.arrive $0xFFFF;
	s2 =	simm.s32 @!p0 $0x1C02  }
0x4d: {  	[timem:s3], [sflag:s2] =	dma.local @!p0 [hbm:s0], s1  }
0x4e: {  	s0 =	simm.s32 @!p0 $0x2  }
0x4f: {  	_ =	swait.ge @!p0 [sflag:s0], s1  }
0x50: {  	s1 =	ssub.s32 @!p0 $0x0, s1;
	[sflag:s0] =	ssyncset.done @!p0 $0x0  }
0x51: {  	[sflag:s0] =	ssyncadd.s32 @!p0 s1  }
0x52: {  	[bflag:$0x3] =	sbarrier.arrive $0xFFFF  }
0x53: {  	_ =	shalt  }

// kernel: kernel.25.cloned.1.call-start
scs
__scs_entry_jumppad:
0x0: {  	(pc) =	sbr.rel $0x88, $3  }
0x1: {  	(tag) =	ssettag $0x0;
	lr =	simm.s32 $0x1  }
0x2: {  	[smem:$0x3F94] =	sst lr;
	_ =	strace $0xD0000000  }
0x3: {  	_ = 	snop  }
0x4: {  	_ = 	snop  }
0x5: {  	_ = 	snop  }
0x6: {  	_ = 	snop  }
0x7: {  	_ = 	snop  }
__scs_overlays_trampoline_lowered:
0x8: {  	[smem:$0x3FA3] =	sst s0  }
0x9: {  	[smem:$0x3FA4] =	sst s1  }
0xa: {  	[smem:$0x3FA5] =	sst s2  }
0xb: {  	[smem:$0x3FA6] =	sst s3  }
0xc: {  	[smem:$0x3FA7] =	sst s4  }
0xd: {  	[smem:$0x3FA8] =	sst s5  }
0xe: {  	[smem:$0x3FA9] =	sst s6  }
0xf: {  	[smem:$0x3FAA] =	sst s7  }
0x10: {  	[smem:$0x3FAB] =	sst s8  }
0x11: {  	[smem:$0x3FAC] =	sst s9;
	s0 =	simm.s32 @!p0 $0x0  }
0x12: {  	s1 =	sld [smem:$0x3F92];
	s0 =	simm.s32 @p0 $0x1  }
0x13: {  	[smem:$0x3FAD] =	sst s0;
	s0 =	simm.s32 @!p1 $0x0  }
0x14: {  	s2 =	sld [smem:$0x3F91];
	s0 =	simm.s32 @p1 $0x1  }
0x15: {  	[smem:$0x3FAE] =	sst s0;
	s0 =	simm.s32 @!p2 $0x0  }
0x16: {  	s3 =	sld [smem:$0x3FDB];
	s0 =	simm.s32 @p2 $0x1  }
0x17: {  	s4 =	simm.s32 $0x1BF5;
	[smem:$0x3FB0] =	sst s0  }
0x18: {  	s0 =	sld [smem:$0x3F93];
	_ =	swait.ge [sflag:s4], $0x0  }
0x19: {  	s7 =	sld [smem:$0x3F94]  }
0x1a: {  	s8 =	sadd.s32 $0xFFFFE003, lr  }
0x1b: {  	s9 =	sadd.s32 $0xFFFFFEF7, lr;
	s5 =	simm.s32 $0xFFFFFFFF;
	p2 =	slt.u32 s8, $0xFFFFF086  }
0x1c: {  	p1 =	slt.u32 s9, $0xF7A;
	s5 =	simm.s32 @!p2 $0x0  }
0x1d: {  	s5 =	simm.s32 @p1 $0x1;
	p0 =	seq.s32 s7, s2  }
0x1e: {  	s7 =	smul.u32 @!p0 $0xF7A, s2;
	p2 =	seq.s32 @!p0 s5, $0x0  }
0x1f: {  	s9 =	smul.u32 $0xF7A, s1;
	s8 =	simm.s32 @!p0 $0x1BF5;
	p2 =	por !p2, p0  }
0x20: {  	[sflag:s8] =	ssyncset.s32 @!p0 $0xFFFFF086;
	s6 =	sadd.s32 @!p0 s3, s7;
	s7 =	simm.s32 @!p0 $0x108  }
0x21: {  	s3 =	sadd.s32 s3, s9;
	s6 =	sadd.s32 @!p0 $0x88, s6;
	s7 =	simm.s32 @p2 $0x1082  }
0x22: {  	[simem:s7], [sflag:s8] =	dma.local @!p0 [hbm:s6], $0xF7A  }
0x23: {  	s9 =	sor.u32 $0xD0000000, s2;
	s6 =	simm.s32 $0x108;
	_ =	swait.ge @!p0 [sflag:s8], $0x0  }
0x24: {  	s3 =	sadd.s32 $0x88, s3;
	s6 =	simm.s32 @!p1 $0x1082;
	[sflag:s4] =	ssyncset.s32 $0xFFFFF086  }
0x25: {  	[simem:s6], [sflag:s4] =	dma.local [hbm:s3], $0xF7A  }
0x26: {  	[smem:$0x3F94] =	sst s1;
	(tag) =	ssettag s2;
	_ =	strace s9  }
0x27: {  	s1 =	sld [smem:$0x3FA4]  }
0x28: {  	s2 =	sld [smem:$0x3FA5]  }
0x29: {  	s4 =	sld [smem:$0x3FA7]  }
0x2a: {  	p0 =	seq.s32 s5, $0x0;
	s5 =	sld [smem:$0x3FA8]  }
0x2b: {  	s6 =	sld [smem:$0x3FA9]  }
0x2c: {  	s7 =	sld [smem:$0x3FAA]  }
0x2d: {  	s3 =	simm.s32 $0x108;
	s8 =	sld [smem:$0x3FAB]  }
0x2e: {  	s3 =	simm.s32 @!p0 $0x1082;
	s9 =	sld [smem:$0x3FAC]  }
0x2f: {  	lr =	sadd.s32 s0, s3;
	s0 =	sld [smem:$0x3FA3]  }
0x30: {  	s3 =	sld [smem:$0x3FA6]  }
0x31: {  	[smem:$0x3FAF] =	sst s10  }
0x32: {  	s10 =	sld [smem:$0x3FAD];
	_ =	sdelay $0x3  }
0x33: {  	p0 =	seq.s32 s10, $0x1;
	s10 =	sld [smem:$0x3FAF];
	_ =	sdelay $0x3  }
0x34: {  	[smem:$0x3FAF] =	sst s10  }
0x35: {  	s10 =	sld [smem:$0x3FAE];
	_ =	sdelay $0x3  }
0x36: {  	p1 =	seq.s32 s10, $0x1;
	s10 =	sld [smem:$0x3FAF];
	_ =	sdelay $0x3  }
0x37: {  	[smem:$0x3FAF] =	sst s10  }
0x38: {  	s10 =	sld [smem:$0x3FB0]  }
0x39: {  	_ = 	snop;
	(pc) =	sbr.ind lr, $3  }
0x3a: {  	_ = 	snop  }
0x3b: {  	_ = 	snop  }
0x3c: {  	p2 =	seq.s32 s10, $0x1;
	s10 =	sld [smem:$0x3FAF]  }
0x3d: {  	_ =	shalt  }
0x3e: {  	_ =	shalt  }
0x3f: {  	_ =	shalt  }
0x40: {  	_ =	shalt  }
0x41: {  	_ =	shalt  }
0x42: {  	_ =	shalt  }
0x43: {  	_ =	shalt  }
0x44: {  	_ =	shalt  }
0x45: {  	_ =	shalt  }
0x46: {  	_ =	shalt  }
0x47: {  	_ =	shalt  }
0x48: {  	_ =	shalt  }
0x49: {  	_ =	shalt  }
0x4a: {  	_ =	shalt  }
0x4b: {  	_ =	shalt  }
0x4c: {  	_ =	shalt  }
0x4d: {  	_ =	shalt  }
0x4e: {  	_ =	shalt  }
0x4f: {  	_ =	shalt  }
0x50: {  	_ =	shalt  }
0x51: {  	_ =	shalt  }
0x52: {  	_ =	shalt  }
0x53: {  	_ =	shalt  }
0x54: {  	_ =	shalt  }
0x55: {  	_ =	shalt  }
0x56: {  	_ =	shalt  }
0x57: {  	_ =	shalt  }
0x58: {  	_ =	shalt  }
0x59: {  	_ =	shalt  }
0x5a: {  	_ =	shalt  }
0x5b: {  	_ =	shalt  }
0x5c: {  	_ =	shalt  }
0x5d: {  	_ =	shalt  }
0x5e: {  	_ =	shalt  }
0x5f: {  	_ =	shalt  }
0x60: {  	_ =	shalt  }
0x61: {  	_ =	shalt  }
0x62: {  	_ =	shalt  }
0x63: {  	_ =	shalt  }
0x64: {  	_ =	shalt  }
0x65: {  	_ =	shalt  }
0x66: {  	_ =	shalt  }
0x67: {  	_ =	shalt  }
0x68: {  	_ =	shalt  }
0x69: {  	_ =	shalt  }
0x6a: {  	_ =	shalt  }
0x6b: {  	_ =	shalt  }
0x6c: {  	_ =	shalt  }
0x6d: {  	_ =	shalt  }
0x6e: {  	_ =	shalt  }
0x6f: {  	_ =	shalt  }
0x70: {  	_ =	shalt  }
0x71: {  	_ =	shalt  }
0x72: {  	_ =	shalt  }
0x73: {  	_ =	shalt  }
0x74: {  	_ =	shalt  }
0x75: {  	_ =	shalt  }
0x76: {  	_ =	shalt  }
0x77: {  	_ =	shalt  }
0x78: {  	_ =	shalt  }
0x79: {  	_ =	shalt  }
0x7a: {  	_ =	shalt  }
0x7b: {  	_ =	shalt  }
0x7c: {  	_ =	shalt  }
0x7d: {  	_ =	shalt  }
0x7e: {  	_ =	shalt  }
0x7f: {  	_ =	shalt  }
0x80: {  	_ =	shalt  }
0x81: {  	_ =	shalt  }
0x82: {  	_ =	shalt  }
0x83: {  	_ =	shalt  }
0x84: {  	_ =	shalt  }
0x85: {  	_ =	shalt  }
0x86: {  	_ =	shalt  }
0x87: {  	_ =	shalt  }
.Lfunc_end0:
.L_simem_size_0:
called_computation.4_lowered:
.L_overlay_start_0:
0x88: {  	s2 =	sld [smem:$0x3FD9]  }
0x89: {  	s3 =	sld [smem:$0x3FFE];
	_ =	sdelay $0x1  }
0x8a: {  	s1 =	srdreg.scid  }
0x8b: {  	s0 =	sand.u32 $0x1, s1  }
0x8c: {  	s16 =	sshll.u32 s0, $0xA;
	s2 =	sadd.s32 s3, s2  }
0x8d: {  	s2 =	sadd.s32 s2, s16  }
0x8e: {  	[smem:$0x3FBB] =	sst s2  }
0x8f: {  	_ = 	snop  }
0x90: {  	(tm) =	ssettm $0x1  }
0x91: {  	s17 =	sld [smem:$0x3FFB];
	_ =	sdelay $0x3  }
0x92: {  	_ =	strace s17  }
0x93: {  	s2 =	sld [smem:$0x3FFC];
	_ =	sdelay $0x3  }
0x94: {  	_ =	strace s2  }
0x95: {  	s2 =	sld [smem:$0x3FFD];
	_ =	sdelay $0x3  }
0x96: {  	_ =	strace s2  }
0x97: {  	_ =	strace $0x8FFFFFFF  }
0x98: {  	s18 =	sld [smem:$0x3FDB];
	_ =	sdelay $0x1  }
0x99: {  	s19 =	simm.s32 $_scs_section_size  }
0x9a: {  	s4 =	simm.s32 $_size__tile_overlayer_lowered;
	s5 =	simm.s32 $_tile_overlayer_lowered  }
0x9b: {  	s22 =	simm.s32 $0x1BFF;
	s21 =	sshll.u32 s5, $0x1;
	s2 =	sadd.s32 s19, s18  }
0x9c: {  	s6 =	simm.s32 $0x0;
	s20 =	sshll.u32 s4, $0x1;
	s4 =	sadd.s32 s21, s2  }
0x9d: {  	[timem:s6], [sflag:s22] =	dma.local [hbm:s4], s20  }
0x9e: {  	_ =	swait.ge [sflag:s22], s20  }
0x9f: {  	s3 =	ssub.s32 $0x0, s20;
	[sflag:s22] =	ssyncset.done $0x0  }
0xa0: {  	[sflag:s22] =	ssyncadd.s32 s3;
	_ =	sdelay $0x1  }
0xa1: {  	s23 =	simm.s32 $0x1B8B  }
0xa2: {  	_ =	swait.ge [sflag:s23], $0x1  }
0xa3: {  	[sflag:s23] =	ssyncset.done $0x0  }
0xa4: {  	s25 =	simm.s32 $0x1B8E;
	s24 =	sld [smem:$0x3FFE];
	[sflag:s23] =	ssyncadd.s32 $0xFFFFFFFF  }
0xa5: {  	s26 =	simm.s32 $execute0_lowered;
	[smem:$0x3FD2] =	sst s25  }
0xa6: {  	s4 =	sshll.u32 s26, $0x1;
	_ =	strace $0x80000052;
	[dreg:$0x1] =	wrdreg $0xFFFFFFFF  }
0xa7: {  	s28 =	simm.s32 $_size_execute0_lowered;
	s2 =	sadd.s32 s2, s4;
	[dreg:$0x0] =	wrdreg $0x0  }
0xa8: {  	s4 =	sshll.u32 s28, $0x1;
	[dreg:$0x2] =	wrdreg s2  }
0xa9: {  	[dreg:$0x3] =	wrdreg s4  }
0xaa: {  	[dreg:$0x4] =	wrdreg $0xC0  }
0xab: {  	_ =	task [dreg:s6], $0x5FFFF  }
0xac: {  	[dreg:$0x1] =	wrdreg $0xFFFFFFFF  }
0xad: {  	[dreg:$0x0] =	wrdreg $0x60  }
0xae: {  	[dreg:$0x2] =	wrdreg s24  }
0xaf: {  	[dreg:$0x3] =	wrdreg $0x90000  }
0xb0: {  	[dreg:$0x4] =	wrdreg $0x9  }
0xb1: {  	_ =	task.clear_ibuf [dreg:s6], $0x5FFFF;
	_ =	strace $0x90000052  }
0xb2: {  	s29 =	simm.s32 $0x9;
	_ =	strace $0x80000054  }
0xb3: {  	_ =	swait.ge [sflag:s29], $0x1  }
0xb4: {  	[sflag:s29] =	ssyncadd.s32 $0xFFFFFFFF  }
0xb5: {  	_ =	strace $0x90000054  }
0xb6: {  	_ =	sfence  }
0xb7: {  	s30 =	sld [smem:$0x0];
	_ =	sdelay $0x2  }
0xb8: {  	s31 =	sshll.u32 s1, $0xD;
	s1 =	sshrl.u32 s1, $0x2  }
0xb9: {  	s3 =	sand.u32 $0x4000, s31;
	s1 =	sadd.s32 s1, s30  }
0xba: {  	s0 =	sor.u32 s3, s0;
	s1 =	sshll.u32 s1, $0x11  }
0xbb: {  	s0 =	sor.u32 s1, s0  }
0xbc: {  	s0 =	sadd.s32 $0x8F2B, s0  }
0xbd: {  	[sflag:s0] =	ssyncadd.remote.s32 $0x1  }
0xbe: {  	_ =	sfence.sel $0xFFFF  }
0xbf: {  	[dreg:$0x0] =	wrdreg $0xFFFFFFFF;
	(pc) =	sbr.abs _section_cstart, $3  }
0xc0: {  	[dreg:$0x1] =	wrdreg $0xFFFFFFFF  }
0xc1: {  	_ =	task.clear_ibuf [dreg:s6], $0x2FFFF;
	_ =	strace $0x9FFFFFFF  }
0xc2: {  	(tm) =	ssettm $0x7FFFFFFF  }
0xc3: {  	_ =	shalt  }
tec
execute0_lowered:
.L_overlay_start_1:
0x0: {  	(tag) =	ssettag $0x1  }
0x1: {  	s6 =	rddreg [dreg:$0x0]  }
0x2: {  	s0 =	srdreg.scid;
	s2 =	rddreg [dreg:$0x1]  }
0x3: {  	s1 =	stileid.u32;
	s3 =	simm.s32 $0x0;
	s16 =	simm.s32 $0x80  }
0x4: {  	s17 =	simm.s32 $0x5000;
	s18 =	simm.s32 $0x1;
	s19 =	simm.s32 $0x0  }
0x5: {  	s7 =	sand.u32 $0x1, s0;
	s0 =	rddreg [dreg:$0x2];
	s9 =	smul.u32 $0x4E000, s1  }
0x6: {  	[smem:$0x7FF] =	sst s3;
	s12 =	sadd.s32 $0x44800, s6;
	s13 =	smul.u32 $0x13800, s1  }
0x7: {  	s15 =	sadd.s32 $0x138000, s2;
	p0 =	sne.s32 s1, $0xF;
	s31 =	sshll.u32 s1, $0x6  }
0x8: {  	s4 =	sshll.u32 s7, $0x4;
	_ =	strace $0x80000053;
	s10 =	ssub.s32 $0x2, s7  }
0x9: {  	s11 =	smul.u32 $0x138800, s7;
	s15 =	sshrl.u32 @!p0 s15, $0x3;
	s4 =	sor.u32 s1, s4  }
0xa: {  	s25 =	sshrl.u32 s10, $0x1;
	s26 =	sshrl.u32 s9, $0x2;
	s5 =	smul.u32 $0x500, s4  }
0xb: {  	s4 =	sadd.s32 $0x1D600, s6;
	s10 =	ssub.s32 s10, s25;
	s28 =	sadd.s32 s13, s11  }
0xc: {  	s11 =	sshrl.u32 s11, $0x3;
	s14 =	sadd.s32 s26, s2;
	s13 =	sor.u32 $0x1C02, s31  }
0xd: {  	s29 =	sshrl.u32 s28, $0x3;
	s30 =	sadd.s32 s12, s11;
	s10 =	smax.u32 s10, $0x1  }
0xe: {  	s11 =	simm.s32 $0x2;
	s14 =	sshrl.u32 s14, $0x3;
	s8 =	sadd.s32 s5, s6  }
0xf: {  	s5 =	sadd.s32 $0x1AE00, s6;
	s9 =	sadd.s32 $0x27000, s30;
	s6 =	sadd.s32 $0x6E00, s8  }
0x10: {  	s7 =	sadd.s32 $0x10E00, s8;
	s8 =	sadd.s32 s12, s29;
	s12 =	simm.s32 $0x2800  }
.LBB2_1:
0x11: {  	[tilespmem:s3], [sflag:$0x2] =	stream.linear.gather [hbm4b:s6+s3], $0x2800, $0x38;
	[tilespmem:$0x1D080] =	vst v63  }
0x12: {  	_ =	swait.ge [sflag:s11], $0x2800  }
0x13: {  	[sflag:s11] =	ssyncset.done $0x0  }
0x14: {  	[sflag:s11] =	ssyncadd.s32 $0xFFFFD800  }
0x15: {  	[tilespmem:s12], [sflag:$0x2] =	stream.linear.gather [hbm4b:s7+s3], $0x2800, $0x38;
	[tilespmem:$0x1D080] =	vst v63  }
0x16: {  	_ =	swait.ge [sflag:s11], $0x2800  }
0x17: {  	[sflag:s11] =	ssyncset.done $0x0  }
0x18: {  	[sflag:s11] =	ssyncadd.s32 $0xFFFFD800  }
0x19: {  	[spmem:s14], [sflag:s13] =	dma.local [hbm:s5], $0x2700  }
0x1a: {  	_ =	swait.ge [sflag:s11], $0x2700  }
0x1b: {  	[sflag:s11] =	ssyncset.done $0x0  }
0x1c: {  	s20 =	simm.s32 @!p0 $0x2;
	[sflag:s11] =	ssyncadd.s32 $0xFFFFD900  }
0x1d: {  	[spmem:s15], [sflag:s13] =	dma.local @!p0 [hbm:s5], $0x100  }
0x1e: {  	_ =	swait.ge @!p0 [sflag:s20], $0x100  }
0x1f: {  	[sflag:s20] =	ssyncset.done @!p0 $0x0  }
0x20: {  	[sflag:s20] =	ssyncadd.s32 @!p0 $0xFFFFFF00  }
0x21: {  	s30 =	simm.s32 $0x0;
	[bflag:$0x0] =	sbarrier.arrive $0xFFFF  }
0x22: {  	[tilespmem:s17], [sflag:$0x1] =	stream.indirect.gather [hbm4b:s4+s16], $0x80, s30, s16, $0xb8;
	[tilespmem:$0x1D080] =	vst v63  }
0x23: {  	_ =	swait.ge [sflag:s18], $0x4000  }
0x24: {  	[sflag:s18] =	ssyncset.done $0x0  }
0x25: {  	s31 =	simm.s32 $0x2800;
	[sflag:s18] =	ssyncadd.s32 $0xFFFFC000  }
0x26: {  	[spmem:s2] =	stream.indirect.scatter.add.f32 [tilespmem:s17], [sflag:$0x2], $0x80, s31, s16, $0xb8;
	[tilespmem:$0x1D080] =	vst v63  }
0x27: {  	_ =	swait.ge [sflag:s11], $0x4000  }
0x28: {  	s21 =	simm.s32 $0x400;
	s20 =	simm.s32 $0x200;
	[sflag:s11] =	ssyncset.done $0x0  }
.LBB2_2:
0x29: {  	s22 =	sshra.s32 s20, $0x2  }
0x2a: {  	[sflag:s11] =	ssyncadd.s32 $0xFFFFC000;
	s20 =	smov.u32 s21;
	s23 =	sadd.s32 $0x200, s21  }
0x2b: {  	[tilespmem:s17], [sflag:$0x1] =	stream.indirect.gather [hbm4b:s4+s16], $0x80, s22, s16, $0xb8;
	[tilespmem:$0x1D080] =	vst v63  }
0x2c: {  	p1 =	sne.s32 s21, $0x9E00;
	_ =	swait.ge [sflag:s18], $0x4000  }
.Ltmp0:
0x2d: {  	[sflag:s18] =	ssyncset.done $0x0;
	(pc) =	sbr.rel @p1 .LBB2_2-.Ltmp0, $4  }
0x2e: {  	s21 =	sadd.s32 $0x2800, s22;
	[sflag:s18] =	ssyncadd.s32 $0xFFFFC000  }
0x2f: {  	[spmem:s2] =	stream.indirect.scatter.add.f32 [tilespmem:s17], [sflag:$0x2], $0x80, s21, s16, $0xb8;
	[tilespmem:$0x1D080] =	vst v63  }
0x30: {  	_ =	swait.ge [sflag:s11], $0x4000  }
0x31: {  	s21 =	smov.u32 s23;
	[sflag:s11] =	ssyncset.done $0x0  }
0x32: {  	s20 =	sshra.s32 s20, $0x2;
	[sflag:s11] =	ssyncadd.s32 $0xFFFFC000  }
0x33: {  	[tilespmem:s17], [sflag:$0x1] =	stream.indirect.gather [hbm4b:s4+s16], $0x80, s20, s16, $0xb8;
	[tilespmem:$0x1D080] =	vst v63  }
0x34: {  	_ =	swait.ge [sflag:s18], $0x4000  }
0x35: {  	[sflag:s18] =	ssyncset.done $0x0  }
0x36: {  	s20 =	sadd.s32 $0x2800, s20;
	[sflag:s18] =	ssyncadd.s32 $0xFFFFC000  }
0x37: {  	[spmem:s2] =	stream.indirect.scatter.add.f32 [tilespmem:s17], [sflag:$0x2], $0x80, s20, s16, $0xb8;
	[tilespmem:$0x1D080] =	vst v63  }
0x38: {  	_ =	swait.ge [sflag:s11], $0x4000  }
0x39: {  	[sflag:s11] =	ssyncset.done $0x0  }
0x3a: {  	[sflag:s11] =	ssyncadd.s32 $0xFFFFC000  }
0x3b: {  	[bflag:$0x0] =	sbarrier.arrive $0xFFFF  }
0x3c: {  	[hbm:s8], [sflag:s13] =	dma.local [spmem:s14], $0x2700  }
0x3d: {  	s19 =	sadd.s32 $0x1, s19;
	_ =	swait.ge [sflag:s11], $0x2700  }
0x3e: {  	p1 =	sne.s32 s19, s10;
	[sflag:s11] =	ssyncset.done $0x0  }
.Ltmp1:
0x3f: {  	s20 =	simm.s32 @!p0 $0x2;
	[sflag:s11] =	ssyncadd.s32 $0xFFFFD900;
	(pc) =	sbr.rel @p1 .LBB2_1-.Ltmp1, $4  }
0x40: {  	[hbm:s9], [sflag:s13] =	dma.local @!p0 [spmem:s15], $0x100  }
0x41: {  	_ =	swait.ge @!p0 [sflag:s20], $0x100  }
0x42: {  	[sflag:s20] =	ssyncset.done @!p0 $0x0  }
0x43: {  	[sflag:s20] =	ssyncadd.s32 @!p0 $0xFFFFFF00  }
0x44: {  	_ =	sfence.sel $0x180000  }
0x45: {  	[bflag:$0x0] =	sbarrier.arrive $0xFFFF  }
0x46: {  	p0 =	sne.s32 s1, $0x0;
	_ =	strace $0x90000053  }
0x47: {  	s0 =	sadd.s32 @!p0 $0x100000, s0;
	[bflag:$0x2] =	sbarrier.arrive $0xFFFF  }
0x48: {  	[sflag:s0] =	ssyncadd.tile.s32 @!p0 $0x1;
	_ =	shalt  }
.Lfunc_end2:
_tile_overlayer_lowered:
.L_overlay_start_2:
0x49: {  	(tag) =	ssettag $0x2  }
0x4a: {  	s0 =	rddreg [dreg:$0x0];
	s2 =	stileid.u32  }
0x4b: {  	s1 =	rddreg [dreg:$0x1];
	p0 =	sne.s32 s2, $0x0  }
0x4c: {  	s3 =	rddreg [dreg:$0x2];
	[bflag:$0x3] =	sbarrier.arrive $0xFFFF;
	s2 =	simm.s32 @!p0 $0x1C02  }
0x4d: {  	[timem:s3], [sflag:s2] =	dma.local @!p0 [hbm:s0], s1  }
0x4e: {  	s0 =	simm.s32 @!p0 $0x2  }
0x4f: {  	_ =	swait.ge @!p0 [sflag:s0], s1  }
0x50: {  	s1 =	ssub.s32 @!p0 $0x0, s1;
	[sflag:s0] =	ssyncset.done @!p0 $0x0  }
0x51: {  	[sflag:s0] =	ssyncadd.s32 @!p0 s1  }
0x52: {  	[bflag:$0x3] =	sbarrier.arrive $0xFFFF  }
0x53: {  	_ =	shalt  }

</sc_bundles>
